<compile_context>
chip_gen: v7x
topology: tpu7x:2x2x1
jax: 0.10.2.dev20260603
libtpu: 0.0.44.dev20260713+nightly
codegen_flags: <defaults>
</compile_context>

<pallas_src>
import functools

import jax
import jax.numpy as jnp
from jax import lax
from jax.experimental import pallas as pl
from jax.experimental.pallas import tpu as pltpu
from jax.experimental.pallas import tpu_sc as plsc

N = 10000
E = 320000
D = 128

NC = 2
NS = 16
NW = NC * NS
EPW = E // NW
K = 125
CH = EPW // K
NP = 10240
RPT = NP // NS

_mesh_cache = []


def _mesh():
    if not _mesh_cache:
        _mesh_cache.append(
            plsc.VectorSubcoreMesh(core_axis_name="c", subcore_axis_name="s",
                                   num_cores=NC, num_subcores=NS))
    return _mesh_cache[0]


PH = 2
CHP = CH // PH


def _agg_body(x_hbm, src_hbm, dst_hbm, zero_hbm, out_hbm,
              src_v, dst_v, rows_v, acc_sh, gsem):
    c = lax.axis_index("c")
    s = lax.axis_index("s")
    wid = s * NC + c

    pltpu.sync_copy(zero_hbm, acc_sh.at[pl.ds(s * RPT, RPT)])
    plsc.subcore_barrier()

    for h in range(PH):
        pltpu.sync_copy(src_hbm.at[wid, h], src_v)
        pltpu.sync_copy(dst_hbm.at[wid, h], dst_v)
        pltpu.async_copy(x_hbm.at[src_v.at[0]], rows_v.at[0], gsem)

        def body(jj, carry):
            j0 = 2 * jj
            pltpu.make_async_copy(x_hbm.at[src_v.at[j0]], rows_v.at[0],
                                  gsem).wait()
            pltpu.async_copy(x_hbm.at[src_v.at[j0 + 1]], rows_v.at[1], gsem)
            pltpu.sync_copy(rows_v.at[0], acc_sh.at[dst_v.at[j0]], add=True)
            pltpu.make_async_copy(x_hbm.at[src_v.at[j0 + 1]], rows_v.at[1],
                                  gsem).wait()

            @pl.when(jj + 1 < CHP // 2)
            def _():
                pltpu.async_copy(x_hbm.at[src_v.at[j0 + 2]], rows_v.at[0],
                                 gsem)

            pltpu.sync_copy(rows_v.at[1], acc_sh.at[dst_v.at[j0 + 1]],
                            add=True)
            return carry

        lax.fori_loop(0, CHP // 2, body, 0)

    plsc.subcore_barrier()
    pltpu.sync_copy(acc_sh.at[pl.ds(s * RPT, RPT)],
                    out_hbm.at[c, pl.ds(s * RPT, RPT)])


def _sc_aggregate(x, src3, dst3, zero_blk):
    kern = pl.kernel(
        _agg_body,
        out_type=jax.ShapeDtypeStruct((NC, NP, D), jnp.float32),
        mesh=_mesh(),
        scratch_types=[
            pltpu.VMEM((CHP, K), jnp.int32),
            pltpu.VMEM((CHP, K), jnp.int32),
            pltpu.VMEM((2, K, D), jnp.float32),
            pltpu.VMEM_SHARED((NP, D), jnp.float32),
            pltpu.SemaphoreType.DMA,
        ],
    )
    return kern(x, src3, dst3, zero_blk)


def _deg_body(dst_hbm, out_hbm, didx_v, deg_v):
    c = lax.axis_index("c")
    s = lax.axis_index("s")
    wid = s * NC + c

    pltpu.sync_copy(dst_hbm.at[wid], didx_v)

    zero16 = jnp.zeros((16,), jnp.float32)

    def zbody(i, carry):
        deg_v[pl.ds(pl.multiple_of(i * 16, 16), 16)] = zero16
        return carry

    lax.fori_loop(0, N // 16, zbody, 0)

    one16 = jnp.ones((16,), jnp.float32)

    def body(i, carry):
        idx = didx_v[i, :]
        plsc.addupdate_scatter(deg_v, [idx], one16)
        return carry

    lax.fori_loop(0, EPW // 16, body, 0)
    pltpu.sync_copy(deg_v, out_hbm.at[wid])


def _sc_degrees(dst4):
    kern = pl.kernel(
        _deg_body,
        out_type=jax.ShapeDtypeStruct((NW, N), jnp.float32),
        mesh=_mesh(),
        scratch_types=[
            pltpu.VMEM((EPW // 16, 16), jnp.int32),
            pltpu.VMEM((N,), jnp.float32),
        ],
        compiler_params=pltpu.CompilerParams(needs_layout_passes=False),
    )
    return kern(dst4)


R = 1000
_G = N // R

_HI = jax.lax.Precision.HIGHEST


def _layer1_body(p, degr, h, wl, bl, wr, out, invd_out):
    d = jnp.sum(degr[0], axis=-1)
    invd = (1.0 / jnp.maximum(d, 1.0))[:, None]
    invd_out[...] = invd
    agg = (p[0] + p[1]) * invd
    y = (jnp.dot(agg, wl[...], preferred_element_type=jnp.float32,
                 precision=_HI)
         + bl[...]
         + jnp.dot(h[...], wr[...], preferred_element_type=jnp.float32,
                   precision=_HI))
    out[...] = jnp.maximum(y, 0.0)


def _tc_layer1(p, degr, h, wlT, bl, wrT):
    return pl.pallas_call(
        _layer1_body,
        grid=(_G,),
        in_specs=[
            pl.BlockSpec((2, R, D), lambda i: (0, i, 0)),
            pl.BlockSpec((1, R, NW), lambda i: (i, 0, 0)),
            pl.BlockSpec((R, D), lambda i: (i, 0)),
            pl.BlockSpec((D, D), lambda i: (0, 0)),
            pl.BlockSpec((1, D), lambda i: (0, 0)),
            pl.BlockSpec((D, D), lambda i: (0, 0)),
        ],
        out_specs=(pl.BlockSpec((R, D), lambda i: (i, 0)),
                   pl.BlockSpec((R, 1), lambda i: (i, 0))),
        out_shape=(jax.ShapeDtypeStruct((N, D), jnp.float32),
                   jax.ShapeDtypeStruct((N, 1), jnp.float32)),
    )(p, degr, h, wlT, bl, wrT)


def _layer_body(p, invd, h, wl, bl, wr, out, *, relu):
    agg = (p[0] + p[1]) * invd[...]
    y = (jnp.dot(agg, wl[...], preferred_element_type=jnp.float32,
                 precision=_HI)
         + bl[...]
         + jnp.dot(h[...], wr[...], preferred_element_type=jnp.float32,
                   precision=_HI))
    out[...] = jnp.maximum(y, 0.0) if relu else y


def _tc_layer(p, invd, h, wlT, bl, wrT, relu):
    d_out = wlT.shape[1]
    return pl.pallas_call(
        functools.partial(_layer_body, relu=relu),
        grid=(_G,),
        in_specs=[
            pl.BlockSpec((2, R, D), lambda i: (0, i, 0)),
            pl.BlockSpec((R, 1), lambda i: (i, 0)),
            pl.BlockSpec((R, D), lambda i: (i, 0)),
            pl.BlockSpec((D, d_out), lambda i: (0, 0)),
            pl.BlockSpec((1, d_out), lambda i: (0, 0)),
            pl.BlockSpec((D, d_out), lambda i: (0, 0)),
        ],
        out_specs=pl.BlockSpec((R, d_out), lambda i: (i, 0)),
        out_shape=jax.ShapeDtypeStruct((N, d_out), jnp.float32),
    )(p, invd, h, wlT, bl, wrT)


def _layer3_body(p, invd, h, wl, bl, wr, wc1, bc1, wc2, bc2, out):
    agg = (p[0] + p[1]) * invd[...]
    h3 = (jnp.dot(agg, wl[...], preferred_element_type=jnp.float32,
                  precision=_HI)
          + bl[...]
          + jnp.dot(h[...], wr[...], preferred_element_type=jnp.float32,
                    precision=_HI))
    z = jnp.maximum(
        jnp.dot(h3, wc1[...], preferred_element_type=jnp.float32,
                precision=_HI) + bc1[...], 0.0)
    logits = jnp.dot(z, wc2[...], preferred_element_type=jnp.float32,
                     precision=_HI) + bc2[...]
    out[...] = jax.nn.sigmoid(logits)


def _tc_layer3(p, invd, h, wlT, bl, wrT, wc1T, bc1, wc2T, bc2):
    d3 = wlT.shape[1]
    return pl.pallas_call(
        _layer3_body,
        grid=(_G,),
        in_specs=[
            pl.BlockSpec((2, R, D), lambda i: (0, i, 0)),
            pl.BlockSpec((R, 1), lambda i: (i, 0)),
            pl.BlockSpec((R, D), lambda i: (i, 0)),
            pl.BlockSpec((D, d3), lambda i: (0, 0)),
            pl.BlockSpec((1, d3), lambda i: (0, 0)),
            pl.BlockSpec((D, d3), lambda i: (0, 0)),
            pl.BlockSpec((d3, 32), lambda i: (0, 0)),
            pl.BlockSpec((1, 32), lambda i: (0, 0)),
            pl.BlockSpec((32, 1), lambda i: (0, 0)),
            pl.BlockSpec((1, 1), lambda i: (0, 0)),
        ],
        out_specs=pl.BlockSpec((R, 1), lambda i: (i, 0)),
        out_shape=jax.ShapeDtypeStruct((N, 1), jnp.float32),
    )(p, invd, h, wlT, bl, wrT, wc1T, bc1, wc2T, bc2)


def kernel(x, edge_index, Wl1, bl1, Wr1, Wl2, bl2, Wr2, Wl3, bl3, Wr3,
           Wc1, bc1, Wc2, bc2):
    src3 = edge_index[0].reshape(NW, PH, CHP, K)
    dst3 = edge_index[1].reshape(NW, PH, CHP, K)
    dst4 = edge_index[1].reshape(NW, EPW // 16, 16)
    zero_blk = jnp.zeros((RPT, D), jnp.float32)

    deg_parts = _sc_degrees(dst4)
    deg_r = deg_parts.T.reshape(_G, R, NW)

    p = _sc_aggregate(x, src3, dst3, zero_blk)
    h1, invd = _tc_layer1(p, deg_r, x, Wl1.T, bl1[None, :], Wr1.T)

    p = _sc_aggregate(h1, src3, dst3, zero_blk)
    h2 = _tc_layer(p, invd, h1, Wl2.T, bl2[None, :], Wr2.T, True)

    p = _sc_aggregate(h2, src3, dst3, zero_blk)
    return _tc_layer3(p, invd, h2, Wl3.T, bl3[None, :], Wr3.T,
                      Wc1.T, bc1[None, :], Wc2.T, bc2[None, :])

# --- scband reference (transcript-rebuilt; emitter-appended) ---
"""Pipeline reference for scband-graph-sagefraud-detector-63917703299119 (READ-ONLY COPY).

The authoritative reference and input builder live on the scoring server;
editing this copy changes nothing except your own understanding.
"""

import jax, jax.numpy as jnp
import numpy as np

N = 10000
E = 320000
D_IN = 128
D_H = 128
D_OUT = 64


def setup_inputs(seed: int = 0) -> dict:
    key = jax.random.key(seed)
    ks = jax.random.split(key, 20)
    inp = {}
    inp["x"] = jax.random.normal(ks[0], (N, D_IN), dtype=jnp.float32)
    inp["edge_index"] = jax.random.randint(ks[1], (2, E), 0, N, dtype=jnp.int32)
    # SAGEConv layer 1: 128 -> 128 (lin_l applied to aggregated neighbors w/ bias, lin_r to root, no bias)
    inp["Wl1"] = jax.random.normal(ks[2], (D_H, D_IN), dtype=jnp.float32) / np.sqrt(D_IN)
    inp["bl1"] = jnp.zeros((D_H,), dtype=jnp.float32)
    inp["Wr1"] = jax.random.normal(ks[3], (D_H, D_IN), dtype=jnp.float32) / np.sqrt(D_IN)
    # SAGEConv layer 2: 128 -> 128
    inp["Wl2"] = jax.random.normal(ks[4], (D_H, D_H), dtype=jnp.float32) / np.sqrt(D_H)
    inp["bl2"] = jnp.zeros((D_H,), dtype=jnp.float32)
    inp["Wr2"] = jax.random.normal(ks[5], (D_H, D_H), dtype=jnp.float32) / np.sqrt(D_H)
    # SAGEConv layer 3: 128 -> 64
    inp["Wl3"] = jax.random.normal(ks[6], (D_OUT, D_H), dtype=jnp.float32) / np.sqrt(D_H)
    inp["bl3"] = jnp.zeros((D_OUT,), dtype=jnp.float32)
    inp["Wr3"] = jax.random.normal(ks[7], (D_OUT, D_H), dtype=jnp.float32) / np.sqrt(D_H)
    # classifier: Linear(64, 32) -> ReLU -> Dropout(eval) -> Linear(32, 1) -> Sigmoid
    inp["Wc1"] = jax.random.normal(ks[8], (32, D_OUT), dtype=jnp.float32) / np.sqrt(D_OUT)
    inp["bc1"] = jnp.zeros((32,), dtype=jnp.float32)
    inp["Wc2"] = jax.random.normal(ks[9], (1, 32), dtype=jnp.float32) / np.sqrt(32)
    inp["bc2"] = jnp.zeros((1,), dtype=jnp.float32)
    return inp


def _sage_conv(x, edge_index, Wl, bl, Wr):
    # PyG SAGEConv with mean aggregation: out = lin_l(mean_{j in N(i)} x_j) + lin_r(x_i)
    src = edge_index[0]
    dst = edge_index[1]
    msg = jnp.take(x, src, axis=0)                                   # gather   [E, d]
    agg = jax.ops.segment_sum(msg, dst, num_segments=N)              # scatter-add [N, d]
    deg = jax.ops.segment_sum(jnp.ones((msg.shape[0],), dtype=x.dtype), dst, num_segments=N)
    agg = agg / jnp.clip(deg, 1.0)[:, None]                          # mean, isolated nodes -> 0
    return agg @ Wl.T + bl + x @ Wr.T


def reference(x, edge_index, Wl1, bl1, Wr1, Wl2, bl2, Wr2, Wl3, bl3, Wr3, Wc1, bc1, Wc2, bc2):
    h = _sage_conv(x, edge_index, Wl1, bl1, Wr1)
    h = jax.nn.relu(h)
    # dropout is identity in eval mode
    h = _sage_conv(h, edge_index, Wl2, bl2, Wr2)
    h = jax.nn.relu(h)
    h = _sage_conv(h, edge_index, Wl3, bl3, Wr3)
    z = jax.nn.relu(h @ Wc1.T + bc1)
    out = jax.nn.sigmoid(z @ Wc2.T + bc2)
    return out

if __name__ == "__main__":
    import jax
    _d = setup_inputs()
    print(jax.jit(kernel)(*tuple(_d.values())))

</pallas_src>

<mosaic_0001>
#map = affine_map<(d0, d1) -> (0, 0)>
#map1 = affine_map<(d0, d1) -> (0, 0, 0, 0)>
#map2 = affine_map<(d0, d1) -> (0, 0, 0)>
module attributes {stable_mosaic.version = 14 : i64} {
  func.func @_agg_body(%arg0: i32, %arg1: i32, %arg2: memref<10000x128xf32, #tpu.memory_space<hbm>>, %arg3: memref<32x2x40x125xi32, #tpu.memory_space<hbm>>, %arg4: memref<32x2x40x125xi32, #tpu.memory_space<hbm>>, %arg5: memref<640x128xf32, #tpu.memory_space<hbm>>, %arg6: memref<2x10240x128xf32, #tpu.memory_space<hbm>>, %arg7: memref<40x125xi32, #tpu.memory_space<vmem>>, %arg8: memref<40x125xi32, #tpu.memory_space<vmem>>, %arg9: memref<2x125x128xf32, #tpu.memory_space<vmem>>, %arg10: memref<10240x128xf32, #tpu.memory_space<vmem_shared>>, %arg11: memref<!tpu.dma_semaphore, #tpu.memory_space<semaphore_mem>>) attributes {dimension_semantics = [#tpu.dimension_semantics<core_parallel>, #tpu.dimension_semantics<subcore_parallel>], iteration_bounds = array<i64: 2, 16>, scalar_prefetch = 0 : i64, scratch_operands = 5 : i64, tpu.core_type = #tpu.core_type<sc_vector_subcore>, window_params = [{transform_indices = #map}, {transform_indices = #map1}, {transform_indices = #map1}, {transform_indices = #map}, {transform_indices = #map2}]} {
    %mul3A = arith.constant 2 : i32
    %mul3A_0 = arith.muli %arg1, %mul3A : i32
    %add3A = arith.addi %mul3A_0, %arg0 : i32
    %mul3A_1 = arith.constant 640 : i32
    %mul3A_2 = arith.muli %arg1, %mul3A_1 : i32
    "tpu.region"() ({
      %run_scoped3A_45 = tpu.sem_alloc : memref<!tpu.dma_semaphore, #tpu.memory_space<semaphore_mem>>
      %dma_start3A_46 = arith.constant 0 : i32
      %dma_start3A_47 = tpu.memref_slice %arg10[%mul3A_2, %dma_start3A_46] : memref<10240x128xf32, #tpu.memory_space<vmem_shared>> -> memref<640x128xf32, #tpu.memory_space<vmem_shared>>
      tpu.enqueue_dma source(%arg5 : memref<640x128xf32, #tpu.memory_space<hbm>>) target(%dma_start3A_47 : memref<640x128xf32, #tpu.memory_space<vmem_shared>>) target_semaphore(%run_scoped3A_45 : memref<!tpu.dma_semaphore, #tpu.memory_space<semaphore_mem>>)
      %dma_wait3A = arith.constant 0 : i32
      %dma_wait3A_48 = tpu.memref_slice %arg10[%mul3A_2, %dma_wait3A] : memref<10240x128xf32, #tpu.memory_space<vmem_shared>> -> memref<640x128xf32, #tpu.memory_space<vmem_shared>>
      tpu.wait_dma2 semaphore(%run_scoped3A_45 : memref<!tpu.dma_semaphore, #tpu.memory_space<semaphore_mem>>) src(%arg5 : memref<640x128xf32, #tpu.memory_space<hbm>>) dst(%dma_wait3A_48 : memref<640x128xf32, #tpu.memory_space<vmem_shared>>)
      tpu.yield
    }) : () -> ()
    %barrier3A = arith.constant 0 : index
    tpu.barrier barrier_id(%barrier3A)
    %run_scoped3A = arith.constant 0 : i32
    "tpu.region"() ({
      %run_scoped3A_45 = tpu.sem_alloc : memref<!tpu.dma_semaphore, #tpu.memory_space<semaphore_mem>>
      %dma_start3A_46 = arith.constant 0 : i32
      %dma_start3A_47 = arith.constant 0 : i32
      %dma_start3A_48 = tpu.memref_slice %arg3[%add3A, %run_scoped3A, %dma_start3A_46, %dma_start3A_47] : memref<32x2x40x125xi32, #tpu.memory_space<hbm>> -> memref<1x1x40x125xi32, #tpu.memory_space<hbm>>
      %dma_start3A_49 = tpu.memref_squeeze %dma_start3A_48 : memref<1x1x40x125xi32, #tpu.memory_space<hbm>> -> memref<40x125xi32, #tpu.memory_space<hbm>>
      %dma_start3A_50 = arith.constant 0 : i32
      %dma_start3A_51 = arith.constant 0 : i32
      %dma_start3A_52 = tpu.memref_slice %arg3[%add3A, %run_scoped3A, %dma_start3A_50, %dma_start3A_51] : memref<32x2x40x125xi32, #tpu.memory_space<hbm>> -> memref<1x1x40x125xi32, #tpu.memory_space<hbm>>
      %dma_start3A_53 = tpu.memref_squeeze %dma_start3A_52 : memref<1x1x40x125xi32, #tpu.memory_space<hbm>> -> memref<40x125xi32, #tpu.memory_space<hbm>>
      tpu.enqueue_dma source(%dma_start3A_53 : memref<40x125xi32, #tpu.memory_space<hbm>>) target(%arg7 : memref<40x125xi32, #tpu.memory_space<vmem>>) target_semaphore(%run_scoped3A_45 : memref<!tpu.dma_semaphore, #tpu.memory_space<semaphore_mem>>)
      %dma_wait3A = arith.constant 0 : i32
      %dma_wait3A_54 = arith.constant 0 : i32
      %dma_wait3A_55 = tpu.memref_slice %arg3[%add3A, %run_scoped3A, %dma_wait3A, %dma_wait3A_54] : memref<32x2x40x125xi32, #tpu.memory_space<hbm>> -> memref<1x1x40x125xi32, #tpu.memory_space<hbm>>
      %dma_wait3A_56 = tpu.memref_squeeze %dma_wait3A_55 : memref<1x1x40x125xi32, #tpu.memory_space<hbm>> -> memref<40x125xi32, #tpu.memory_space<hbm>>
      %dma_wait3A_57 = arith.constant 0 : i32
      %dma_wait3A_58 = arith.constant 0 : i32
      %dma_wait3A_59 = tpu.memref_slice %arg3[%add3A, %run_scoped3A, %dma_wait3A_57, %dma_wait3A_58] : memref<32x2x40x125xi32, #tpu.memory_space<hbm>> -> memref<1x1x40x125xi32, #tpu.memory_space<hbm>>
      %dma_wait3A_60 = tpu.memref_squeeze %dma_wait3A_59 : memref<1x1x40x125xi32, #tpu.memory_space<hbm>> -> memref<40x125xi32, #tpu.memory_space<hbm>>
      tpu.wait_dma2 semaphore(%run_scoped3A_45 : memref<!tpu.dma_semaphore, #tpu.memory_space<semaphore_mem>>) src(%dma_wait3A_60 : memref<40x125xi32, #tpu.memory_space<hbm>>) dst(%arg7 : memref<40x125xi32, #tpu.memory_space<vmem>>)
      tpu.yield
    }) : () -> ()
    %run_scoped3A_3 = arith.constant 0 : i32
    "tpu.region"() ({
      %run_scoped3A_45 = tpu.sem_alloc : memref<!tpu.dma_semaphore, #tpu.memory_space<semaphore_mem>>
      %dma_start3A_46 = arith.constant 0 : i32
      %dma_start3A_47 = arith.constant 0 : i32
      %dma_start3A_48 = tpu.memref_slice %arg4[%add3A, %run_scoped3A_3, %dma_start3A_46, %dma_start3A_47] : memref<32x2x40x125xi32, #tpu.memory_space<hbm>> -> memref<1x1x40x125xi32, #tpu.memory_space<hbm>>
      %dma_start3A_49 = tpu.memref_squeeze %dma_start3A_48 : memref<1x1x40x125xi32, #tpu.memory_space<hbm>> -> memref<40x125xi32, #tpu.memory_space<hbm>>
      %dma_start3A_50 = arith.constant 0 : i32
      %dma_start3A_51 = arith.constant 0 : i32
      %dma_start3A_52 = tpu.memref_slice %arg4[%add3A, %run_scoped3A_3, %dma_start3A_50, %dma_start3A_51] : memref<32x2x40x125xi32, #tpu.memory_space<hbm>> -> memref<1x1x40x125xi32, #tpu.memory_space<hbm>>
      %dma_start3A_53 = tpu.memref_squeeze %dma_start3A_52 : memref<1x1x40x125xi32, #tpu.memory_space<hbm>> -> memref<40x125xi32, #tpu.memory_space<hbm>>
      tpu.enqueue_dma source(%dma_start3A_53 : memref<40x125xi32, #tpu.memory_space<hbm>>) target(%arg8 : memref<40x125xi32, #tpu.memory_space<vmem>>) target_semaphore(%run_scoped3A_45 : memref<!tpu.dma_semaphore, #tpu.memory_space<semaphore_mem>>)
      %dma_wait3A = arith.constant 0 : i32
      %dma_wait3A_54 = arith.constant 0 : i32
      %dma_wait3A_55 = tpu.memref_slice %arg4[%add3A, %run_scoped3A_3, %dma_wait3A, %dma_wait3A_54] : memref<32x2x40x125xi32, #tpu.memory_space<hbm>> -> memref<1x1x40x125xi32, #tpu.memory_space<hbm>>
      %dma_wait3A_56 = tpu.memref_squeeze %dma_wait3A_55 : memref<1x1x40x125xi32, #tpu.memory_space<hbm>> -> memref<40x125xi32, #tpu.memory_space<hbm>>
      %dma_wait3A_57 = arith.constant 0 : i32
      %dma_wait3A_58 = arith.constant 0 : i32
      %dma_wait3A_59 = tpu.memref_slice %arg4[%add3A, %run_scoped3A_3, %dma_wait3A_57, %dma_wait3A_58] : memref<32x2x40x125xi32, #tpu.memory_space<hbm>> -> memref<1x1x40x125xi32, #tpu.memory_space<hbm>>
      %dma_wait3A_60 = tpu.memref_squeeze %dma_wait3A_59 : memref<1x1x40x125xi32, #tpu.memory_space<hbm>> -> memref<40x125xi32, #tpu.memory_space<hbm>>
      tpu.wait_dma2 semaphore(%run_scoped3A_45 : memref<!tpu.dma_semaphore, #tpu.memory_space<semaphore_mem>>) src(%dma_wait3A_60 : memref<40x125xi32, #tpu.memory_space<hbm>>) dst(%arg8 : memref<40x125xi32, #tpu.memory_space<vmem>>)
      tpu.yield
    }) : () -> ()
    %dma_start3A = arith.constant 0 : i32
    %dma_start3A_4 = arith.constant 0 : i32
    %dma_start3A_5 = arith.constant 0 : i32
    %dma_start3A_6 = arith.constant 0 : i32
    %dma_start3A_7 = tpu.memref_slice %arg9[%dma_start3A_4, %dma_start3A_5, %dma_start3A_6] : memref<2x125x128xf32, #tpu.memory_space<vmem>> -> memref<1x125x128xf32, #tpu.memory_space<vmem>>
    %dma_start3A_8 = tpu.memref_squeeze %dma_start3A_7 : memref<1x125x128xf32, #tpu.memory_space<vmem>> -> memref<125x128xf32, #tpu.memory_space<vmem>>
    %dma_start3A_9 = arith.constant 0 : i32
    %dma_start3A_10 = tpu.memref_slice %arg7[%dma_start3A, %dma_start3A_9] : memref<40x125xi32, #tpu.memory_space<vmem>> -> memref<1x125xi32, #tpu.memory_space<vmem>>
    %dma_start3A_11 = tpu.memref_squeeze %dma_start3A_10 : memref<1x125xi32, #tpu.memory_space<vmem>> -> memref<125xi32, #tpu.memory_space<vmem>>
    %dma_start3A_12 = arith.constant 0 : i32
    %dma_start3A_13 = arith.constant 0 : i32
    %dma_start3A_14 = tpu.memref_slice %arg2[%dma_start3A_12, %dma_start3A_13] : memref<10000x128xf32, #tpu.memory_space<hbm>> -> memref<10000x128xf32, #tpu.memory_space<hbm>>
    tpu.enqueue_indirect_dma source(%dma_start3A_14 : memref<10000x128xf32, #tpu.memory_space<hbm>>) target(%dma_start3A_8 : memref<125x128xf32, #tpu.memory_space<vmem>>) offsets(%dma_start3A_11 : memref<125xi32, #tpu.memory_space<vmem>>) semaphore(%arg11 : memref<!tpu.dma_semaphore, #tpu.memory_space<semaphore_mem>>)
    %scan3A = arith.constant 0 : i32
    %scan3A_15 = arith.constant 0 : i32
    %scan3A_16 = arith.constant 20 : i32
    %scan3A_17 = arith.addi %scan3A_15, %scan3A_16 : i32
    %scan3A_18 = arith.constant 1 : i32
    scf.for %scan3A_45 = %scan3A_15 to %scan3A_17 step %scan3A_18  : i32 {
      %mul3A_46 = arith.constant 2 : i32
      %mul3A_47 = arith.muli %mul3A_46, %scan3A_45 : i32
      %dma_wait3A = arith.constant 0 : i32
      %dma_wait3A_48 = arith.constant 0 : i32
      %dma_wait3A_49 = arith.constant 0 : i32
      %dma_wait3A_50 = tpu.memref_slice %arg9[%dma_wait3A, %dma_wait3A_48, %dma_wait3A_49] : memref<2x125x128xf32, #tpu.memory_space<vmem>> -> memref<1x125x128xf32, #tpu.memory_space<vmem>>
      %dma_wait3A_51 = tpu.memref_squeeze %dma_wait3A_50 : memref<1x125x128xf32, #tpu.memory_space<vmem>> -> memref<125x128xf32, #tpu.memory_space<vmem>>
      %dma_wait3A_52 = arith.constant 0 : i32
      %dma_wait3A_53 = tpu.memref_slice %arg7[%mul3A_47, %dma_wait3A_52] : memref<40x125xi32, #tpu.memory_space<vmem>> -> memref<1x125xi32, #tpu.memory_space<vmem>>
      %dma_wait3A_54 = tpu.memref_squeeze %dma_wait3A_53 : memref<1x125xi32, #tpu.memory_space<vmem>> -> memref<125xi32, #tpu.memory_space<vmem>>
      %dma_wait3A_55 = arith.constant 0 : i32
      %dma_wait3A_56 = arith.constant 0 : i32
      %dma_wait3A_57 = tpu.memref_slice %arg2[%dma_wait3A_55, %dma_wait3A_56] : memref<10000x128xf32, #tpu.memory_space<hbm>> -> memref<10000x128xf32, #tpu.memory_space<hbm>>
      tpu.wait_indirect_dma semaphore(%arg11 : memref<!tpu.dma_semaphore, #tpu.memory_space<semaphore_mem>>) src(%dma_wait3A_57 : memref<10000x128xf32, #tpu.memory_space<hbm>>) dst(%dma_wait3A_51 : memref<125x128xf32, #tpu.memory_space<vmem>>)
      %add3A_58 = arith.constant 1 : i32
      %add3A_59 = arith.addi %mul3A_47, %add3A_58 : i32
      %dma_start3A_60 = arith.constant 1 : i32
      %dma_start3A_61 = arith.constant 0 : i32
      %dma_start3A_62 = arith.constant 0 : i32
      %dma_start3A_63 = tpu.memref_slice %arg9[%dma_start3A_60, %dma_start3A_61, %dma_start3A_62] : memref<2x125x128xf32, #tpu.memory_space<vmem>> -> memref<1x125x128xf32, #tpu.memory_space<vmem>>
      %dma_start3A_64 = tpu.memref_squeeze %dma_start3A_63 : memref<1x125x128xf32, #tpu.memory_space<vmem>> -> memref<125x128xf32, #tpu.memory_space<vmem>>
      %dma_start3A_65 = arith.constant 0 : i32
      %dma_start3A_66 = tpu.memref_slice %arg7[%add3A_59, %dma_start3A_65] : memref<40x125xi32, #tpu.memory_space<vmem>> -> memref<1x125xi32, #tpu.memory_space<vmem>>
      %dma_start3A_67 = tpu.memref_squeeze %dma_start3A_66 : memref<1x125xi32, #tpu.memory_space<vmem>> -> memref<125xi32, #tpu.memory_space<vmem>>
      %dma_start3A_68 = arith.constant 0 : i32
      %dma_start3A_69 = arith.constant 0 : i32
      %dma_start3A_70 = tpu.memref_slice %arg2[%dma_start3A_68, %dma_start3A_69] : memref<10000x128xf32, #tpu.memory_space<hbm>> -> memref<10000x128xf32, #tpu.memory_space<hbm>>
      tpu.enqueue_indirect_dma source(%dma_start3A_70 : memref<10000x128xf32, #tpu.memory_space<hbm>>) target(%dma_start3A_64 : memref<125x128xf32, #tpu.memory_space<vmem>>) offsets(%dma_start3A_67 : memref<125xi32, #tpu.memory_space<vmem>>) semaphore(%arg11 : memref<!tpu.dma_semaphore, #tpu.memory_space<semaphore_mem>>)
      %run_scoped3A_71 = arith.constant 0 : i32
      "tpu.region"() ({
        %run_scoped3A_92 = tpu.sem_alloc : memref<!tpu.dma_semaphore, #tpu.memory_space<semaphore_mem>>
        %dma_start3A_93 = arith.constant 0 : i32
        %dma_start3A_94 = arith.constant 0 : i32
        %dma_start3A_95 = tpu.memref_slice %arg9[%run_scoped3A_71, %dma_start3A_93, %dma_start3A_94] : memref<2x125x128xf32, #tpu.memory_space<vmem>> -> memref<1x125x128xf32, #tpu.memory_space<vmem>>
        %dma_start3A_96 = tpu.memref_squeeze %dma_start3A_95 : memref<1x125x128xf32, #tpu.memory_space<vmem>> -> memref<125x128xf32, #tpu.memory_space<vmem>>
        %dma_start3A_97 = arith.constant 0 : i32
        %dma_start3A_98 = tpu.memref_slice %arg8[%mul3A_47, %dma_start3A_97] : memref<40x125xi32, #tpu.memory_space<vmem>> -> memref<1x125xi32, #tpu.memory_space<vmem>>
        %dma_start3A_99 = tpu.memref_squeeze %dma_start3A_98 : memref<1x125xi32, #tpu.memory_space<vmem>> -> memref<125xi32, #tpu.memory_space<vmem>>
        %dma_start3A_100 = arith.constant 0 : i32
        %dma_start3A_101 = arith.constant 0 : i32
        %dma_start3A_102 = tpu.memref_slice %arg10[%dma_start3A_100, %dma_start3A_101] : memref<10240x128xf32, #tpu.memory_space<vmem_shared>> -> memref<10240x128xf32, #tpu.memory_space<vmem_shared>>
        tpu.enqueue_indirect_dma source(%dma_start3A_96 : memref<125x128xf32, #tpu.memory_space<vmem>>) target(%dma_start3A_102 : memref<10240x128xf32, #tpu.memory_space<vmem_shared>>) offsets(%dma_start3A_99 : memref<125xi32, #tpu.memory_space<vmem>>) semaphore(%run_scoped3A_92 : memref<!tpu.dma_semaphore, #tpu.memory_space<semaphore_mem>>) {add = true}
        %dma_wait3A_103 = arith.constant 0 : i32
        %dma_wait3A_104 = arith.constant 0 : i32
        %dma_wait3A_105 = tpu.memref_slice %arg9[%run_scoped3A_71, %dma_wait3A_103, %dma_wait3A_104] : memref<2x125x128xf32, #tpu.memory_space<vmem>> -> memref<1x125x128xf32, #tpu.memory_space<vmem>>
        %dma_wait3A_106 = tpu.memref_squeeze %dma_wait3A_105 : memref<1x125x128xf32, #tpu.memory_space<vmem>> -> memref<125x128xf32, #tpu.memory_space<vmem>>
        %dma_wait3A_107 = arith.constant 0 : i32
        %dma_wait3A_108 = tpu.memref_slice %arg8[%mul3A_47, %dma_wait3A_107] : memref<40x125xi32, #tpu.memory_space<vmem>> -> memref<1x125xi32, #tpu.memory_space<vmem>>
        %dma_wait3A_109 = tpu.memref_squeeze %dma_wait3A_108 : memref<1x125xi32, #tpu.memory_space<vmem>> -> memref<125xi32, #tpu.memory_space<vmem>>
        %dma_wait3A_110 = arith.constant 0 : i32
        %dma_wait3A_111 = arith.constant 0 : i32
        %dma_wait3A_112 = tpu.memref_slice %arg10[%dma_wait3A_110, %dma_wait3A_111] : memref<10240x128xf32, #tpu.memory_space<vmem_shared>> -> memref<10240x128xf32, #tpu.memory_space<vmem_shared>>
        tpu.wait_indirect_dma semaphore(%run_scoped3A_92 : memref<!tpu.dma_semaphore, #tpu.memory_space<semaphore_mem>>) src(%dma_wait3A_106 : memref<125x128xf32, #tpu.memory_space<vmem>>) dst(%dma_wait3A_112 : memref<10240x128xf32, #tpu.memory_space<vmem_shared>>)
        tpu.yield
      }) : () -> ()
      %add3A_72 = arith.constant 1 : i32
      %add3A_73 = arith.addi %mul3A_47, %add3A_72 : i32
      %dma_wait3A_74 = arith.constant 1 : i32
      %dma_wait3A_75 = arith.constant 0 : i32
      %dma_wait3A_76 = arith.constant 0 : i32
      %dma_wait3A_77 = tpu.memref_slice %arg9[%dma_wait3A_74, %dma_wait3A_75, %dma_wait3A_76] : memref<2x125x128xf32, #tpu.memory_space<vmem>> -> memref<1x125x128xf32, #tpu.memory_space<vmem>>
      %dma_wait3A_78 = tpu.memref_squeeze %dma_wait3A_77 : memref<1x125x128xf32, #tpu.memory_space<vmem>> -> memref<125x128xf32, #tpu.memory_space<vmem>>
      %dma_wait3A_79 = arith.constant 0 : i32
      %dma_wait3A_80 = tpu.memref_slice %arg7[%add3A_73, %dma_wait3A_79] : memref<40x125xi32, #tpu.memory_space<vmem>> -> memref<1x125xi32, #tpu.memory_space<vmem>>
      %dma_wait3A_81 = tpu.memref_squeeze %dma_wait3A_80 : memref<1x125xi32, #tpu.memory_space<vmem>> -> memref<125xi32, #tpu.memory_space<vmem>>
      %dma_wait3A_82 = arith.constant 0 : i32
      %dma_wait3A_83 = arith.constant 0 : i32
      %dma_wait3A_84 = tpu.memref_slice %arg2[%dma_wait3A_82, %dma_wait3A_83] : memref<10000x128xf32, #tpu.memory_space<hbm>> -> memref<10000x128xf32, #tpu.memory_space<hbm>>
      tpu.wait_indirect_dma semaphore(%arg11 : memref<!tpu.dma_semaphore, #tpu.memory_space<semaphore_mem>>) src(%dma_wait3A_84 : memref<10000x128xf32, #tpu.memory_space<hbm>>) dst(%dma_wait3A_78 : memref<125x128xf32, #tpu.memory_space<vmem>>)
      %add3A_85 = arith.constant 1 : i32
      %add3A_86 = arith.addi %scan3A_45, %add3A_85 : i32
      %lt3A = arith.constant 20 : i32
      %lt3A_87 = arith.cmpi slt, %add3A_86, %lt3A : i32
      %convert_element_type3A = arith.extui %lt3A_87 : i1 to i32
      %cond3A = arith.constant 0 : i32
      %cond3A_88 = arith.cmpi ne, %convert_element_type3A, %cond3A : i32
      scf.if %cond3A_88 {
        %add3A_92 = arith.constant 2 : i32
        %add3A_93 = arith.addi %mul3A_47, %add3A_92 : i32
        %dma_start3A_94 = arith.constant 0 : i32
        %dma_start3A_95 = arith.constant 0 : i32
        %dma_start3A_96 = arith.constant 0 : i32
        %dma_start3A_97 = tpu.memref_slice %arg9[%dma_start3A_94, %dma_start3A_95, %dma_start3A_96] : memref<2x125x128xf32, #tpu.memory_space<vmem>> -> memref<1x125x128xf32, #tpu.memory_space<vmem>>
        %dma_start3A_98 = tpu.memref_squeeze %dma_start3A_97 : memref<1x125x128xf32, #tpu.memory_space<vmem>> -> memref<125x128xf32, #tpu.memory_space<vmem>>
        %dma_start3A_99 = arith.constant 0 : i32
        %dma_start3A_100 = tpu.memref_slice %arg7[%add3A_93, %dma_start3A_99] : memref<40x125xi32, #tpu.memory_space<vmem>> -> memref<1x125xi32, #tpu.memory_space<vmem>>
        %dma_start3A_101 = tpu.memref_squeeze %dma_start3A_100 : memref<1x125xi32, #tpu.memory_space<vmem>> -> memref<125xi32, #tpu.memory_space<vmem>>
        %dma_start3A_102 = arith.constant 0 : i32
        %dma_start3A_103 = arith.constant 0 : i32
        %dma_start3A_104 = tpu.memref_slice %arg2[%dma_start3A_102, %dma_start3A_103] : memref<10000x128xf32, #tpu.memory_space<hbm>> -> memref<10000x128xf32, #tpu.memory_space<hbm>>
        tpu.enqueue_indirect_dma source(%dma_start3A_104 : memref<10000x128xf32, #tpu.memory_space<hbm>>) target(%dma_start3A_98 : memref<125x128xf32, #tpu.memory_space<vmem>>) offsets(%dma_start3A_101 : memref<125xi32, #tpu.memory_space<vmem>>) semaphore(%arg11 : memref<!tpu.dma_semaphore, #tpu.memory_space<semaphore_mem>>)
      } else {
      }
      %add3A_89 = arith.constant 1 : i32
      %add3A_90 = arith.addi %mul3A_47, %add3A_89 : i32
      %run_scoped3A_91 = arith.constant 1 : i32
      "tpu.region"() ({
        %run_scoped3A_92 = tpu.sem_alloc : memref<!tpu.dma_semaphore, #tpu.memory_space<semaphore_mem>>
        %dma_start3A_93 = arith.constant 0 : i32
        %dma_start3A_94 = arith.constant 0 : i32
        %dma_start3A_95 = tpu.memref_slice %arg9[%run_scoped3A_91, %dma_start3A_93, %dma_start3A_94] : memref<2x125x128xf32, #tpu.memory_space<vmem>> -> memref<1x125x128xf32, #tpu.memory_space<vmem>>
        %dma_start3A_96 = tpu.memref_squeeze %dma_start3A_95 : memref<1x125x128xf32, #tpu.memory_space<vmem>> -> memref<125x128xf32, #tpu.memory_space<vmem>>
        %dma_start3A_97 = arith.constant 0 : i32
        %dma_start3A_98 = tpu.memref_slice %arg8[%add3A_90, %dma_start3A_97] : memref<40x125xi32, #tpu.memory_space<vmem>> -> memref<1x125xi32, #tpu.memory_space<vmem>>
        %dma_start3A_99 = tpu.memref_squeeze %dma_start3A_98 : memref<1x125xi32, #tpu.memory_space<vmem>> -> memref<125xi32, #tpu.memory_space<vmem>>
        %dma_start3A_100 = arith.constant 0 : i32
        %dma_start3A_101 = arith.constant 0 : i32
        %dma_start3A_102 = tpu.memref_slice %arg10[%dma_start3A_100, %dma_start3A_101] : memref<10240x128xf32, #tpu.memory_space<vmem_shared>> -> memref<10240x128xf32, #tpu.memory_space<vmem_shared>>
        tpu.enqueue_indirect_dma source(%dma_start3A_96 : memref<125x128xf32, #tpu.memory_space<vmem>>) target(%dma_start3A_102 : memref<10240x128xf32, #tpu.memory_space<vmem_shared>>) offsets(%dma_start3A_99 : memref<125xi32, #tpu.memory_space<vmem>>) semaphore(%run_scoped3A_92 : memref<!tpu.dma_semaphore, #tpu.memory_space<semaphore_mem>>) {add = true}
        %dma_wait3A_103 = arith.constant 0 : i32
        %dma_wait3A_104 = arith.constant 0 : i32
        %dma_wait3A_105 = tpu.memref_slice %arg9[%run_scoped3A_91, %dma_wait3A_103, %dma_wait3A_104] : memref<2x125x128xf32, #tpu.memory_space<vmem>> -> memref<1x125x128xf32, #tpu.memory_space<vmem>>
        %dma_wait3A_106 = tpu.memref_squeeze %dma_wait3A_105 : memref<1x125x128xf32, #tpu.memory_space<vmem>> -> memref<125x128xf32, #tpu.memory_space<vmem>>
        %dma_wait3A_107 = arith.constant 0 : i32
        %dma_wait3A_108 = tpu.memref_slice %arg8[%add3A_90, %dma_wait3A_107] : memref<40x125xi32, #tpu.memory_space<vmem>> -> memref<1x125xi32, #tpu.memory_space<vmem>>
        %dma_wait3A_109 = tpu.memref_squeeze %dma_wait3A_108 : memref<1x125xi32, #tpu.memory_space<vmem>> -> memref<125xi32, #tpu.memory_space<vmem>>
        %dma_wait3A_110 = arith.constant 0 : i32
        %dma_wait3A_111 = arith.constant 0 : i32
        %dma_wait3A_112 = tpu.memref_slice %arg10[%dma_wait3A_110, %dma_wait3A_111] : memref<10240x128xf32, #tpu.memory_space<vmem_shared>> -> memref<10240x128xf32, #tpu.memory_space<vmem_shared>>
        tpu.wait_indirect_dma semaphore(%run_scoped3A_92 : memref<!tpu.dma_semaphore, #tpu.memory_space<semaphore_mem>>) src(%dma_wait3A_106 : memref<125x128xf32, #tpu.memory_space<vmem>>) dst(%dma_wait3A_112 : memref<10240x128xf32, #tpu.memory_space<vmem_shared>>)
        tpu.yield
      }) : () -> ()
    }
    %scan3A_19 = arith.constant 20 : i32
    %run_scoped3A_20 = arith.constant 1 : i32
    "tpu.region"() ({
      %run_scoped3A_45 = tpu.sem_alloc : memref<!tpu.dma_semaphore, #tpu.memory_space<semaphore_mem>>
      %dma_start3A_46 = arith.constant 0 : i32
      %dma_start3A_47 = arith.constant 0 : i32
      %dma_start3A_48 = tpu.memref_slice %arg3[%add3A, %run_scoped3A_20, %dma_start3A_46, %dma_start3A_47] : memref<32x2x40x125xi32, #tpu.memory_space<hbm>> -> memref<1x1x40x125xi32, #tpu.memory_space<hbm>>
      %dma_start3A_49 = tpu.memref_squeeze %dma_start3A_48 : memref<1x1x40x125xi32, #tpu.memory_space<hbm>> -> memref<40x125xi32, #tpu.memory_space<hbm>>
      %dma_start3A_50 = arith.constant 0 : i32
      %dma_start3A_51 = arith.constant 0 : i32
      %dma_start3A_52 = tpu.memref_slice %arg3[%add3A, %run_scoped3A_20, %dma_start3A_50, %dma_start3A_51] : memref<32x2x40x125xi32, #tpu.memory_space<hbm>> -> memref<1x1x40x125xi32, #tpu.memory_space<hbm>>
      %dma_start3A_53 = tpu.memref_squeeze %dma_start3A_52 : memref<1x1x40x125xi32, #tpu.memory_space<hbm>> -> memref<40x125xi32, #tpu.memory_space<hbm>>
      tpu.enqueue_dma source(%dma_start3A_53 : memref<40x125xi32, #tpu.memory_space<hbm>>) target(%arg7 : memref<40x125xi32, #tpu.memory_space<vmem>>) target_semaphore(%run_scoped3A_45 : memref<!tpu.dma_semaphore, #tpu.memory_space<semaphore_mem>>)
      %dma_wait3A = arith.constant 0 : i32
      %dma_wait3A_54 = arith.constant 0 : i32
      %dma_wait3A_55 = tpu.memref_slice %arg3[%add3A, %run_scoped3A_20, %dma_wait3A, %dma_wait3A_54] : memref<32x2x40x125xi32, #tpu.memory_space<hbm>> -> memref<1x1x40x125xi32, #tpu.memory_space<hbm>>
      %dma_wait3A_56 = tpu.memref_squeeze %dma_wait3A_55 : memref<1x1x40x125xi32, #tpu.memory_space<hbm>> -> memref<40x125xi32, #tpu.memory_space<hbm>>
      %dma_wait3A_57 = arith.constant 0 : i32
      %dma_wait3A_58 = arith.constant 0 : i32
      %dma_wait3A_59 = tpu.memref_slice %arg3[%add3A, %run_scoped3A_20, %dma_wait3A_57, %dma_wait3A_58] : memref<32x2x40x125xi32, #tpu.memory_space<hbm>> -> memref<1x1x40x125xi32, #tpu.memory_space<hbm>>
      %dma_wait3A_60 = tpu.memref_squeeze %dma_wait3A_59 : memref<1x1x40x125xi32, #tpu.memory_space<hbm>> -> memref<40x125xi32, #tpu.memory_space<hbm>>
      tpu.wait_dma2 semaphore(%run_scoped3A_45 : memref<!tpu.dma_semaphore, #tpu.memory_space<semaphore_mem>>) src(%dma_wait3A_60 : memref<40x125xi32, #tpu.memory_space<hbm>>) dst(%arg7 : memref<40x125xi32, #tpu.memory_space<vmem>>)
      tpu.yield
    }) : () -> ()
    %run_scoped3A_21 = arith.constant 1 : i32
    "tpu.region"() ({
      %run_scoped3A_45 = tpu.sem_alloc : memref<!tpu.dma_semaphore, #tpu.memory_space<semaphore_mem>>
      %dma_start3A_46 = arith.constant 0 : i32
      %dma_start3A_47 = arith.constant 0 : i32
      %dma_start3A_48 = tpu.memref_slice %arg4[%add3A, %run_scoped3A_21, %dma_start3A_46, %dma_start3A_47] : memref<32x2x40x125xi32, #tpu.memory_space<hbm>> -> memref<1x1x40x125xi32, #tpu.memory_space<hbm>>
      %dma_start3A_49 = tpu.memref_squeeze %dma_start3A_48 : memref<1x1x40x125xi32, #tpu.memory_space<hbm>> -> memref<40x125xi32, #tpu.memory_space<hbm>>
      %dma_start3A_50 = arith.constant 0 : i32
      %dma_start3A_51 = arith.constant 0 : i32
      %dma_start3A_52 = tpu.memref_slice %arg4[%add3A, %run_scoped3A_21, %dma_start3A_50, %dma_start3A_51] : memref<32x2x40x125xi32, #tpu.memory_space<hbm>> -> memref<1x1x40x125xi32, #tpu.memory_space<hbm>>
      %dma_start3A_53 = tpu.memref_squeeze %dma_start3A_52 : memref<1x1x40x125xi32, #tpu.memory_space<hbm>> -> memref<40x125xi32, #tpu.memory_space<hbm>>
      tpu.enqueue_dma source(%dma_start3A_53 : memref<40x125xi32, #tpu.memory_space<hbm>>) target(%arg8 : memref<40x125xi32, #tpu.memory_space<vmem>>) target_semaphore(%run_scoped3A_45 : memref<!tpu.dma_semaphore, #tpu.memory_space<semaphore_mem>>)
      %dma_wait3A = arith.constant 0 : i32
      %dma_wait3A_54 = arith.constant 0 : i32
      %dma_wait3A_55 = tpu.memref_slice %arg4[%add3A, %run_scoped3A_21, %dma_wait3A, %dma_wait3A_54] : memref<32x2x40x125xi32, #tpu.memory_space<hbm>> -> memref<1x1x40x125xi32, #tpu.memory_space<hbm>>
      %dma_wait3A_56 = tpu.memref_squeeze %dma_wait3A_55 : memref<1x1x40x125xi32, #tpu.memory_space<hbm>> -> memref<40x125xi32, #tpu.memory_space<hbm>>
      %dma_wait3A_57 = arith.constant 0 : i32
      %dma_wait3A_58 = arith.constant 0 : i32
      %dma_wait3A_59 = tpu.memref_slice %arg4[%add3A, %run_scoped3A_21, %dma_wait3A_57, %dma_wait3A_58] : memref<32x2x40x125xi32, #tpu.memory_space<hbm>> -> memref<1x1x40x125xi32, #tpu.memory_space<hbm>>
      %dma_wait3A_60 = tpu.memref_squeeze %dma_wait3A_59 : memref<1x1x40x125xi32, #tpu.memory_space<hbm>> -> memref<40x125xi32, #tpu.memory_space<hbm>>
      tpu.wait_dma2 semaphore(%run_scoped3A_45 : memref<!tpu.dma_semaphore, #tpu.memory_space<semaphore_mem>>) src(%dma_wait3A_60 : memref<40x125xi32, #tpu.memory_space<hbm>>) dst(%arg8 : memref<40x125xi32, #tpu.memory_space<vmem>>)
      tpu.yield
    }) : () -> ()
    %dma_start3A_22 = arith.constant 0 : i32
    %dma_start3A_23 = arith.constant 0 : i32
    %dma_start3A_24 = arith.constant 0 : i32
    %dma_start3A_25 = arith.constant 0 : i32
    %dma_start3A_26 = tpu.memref_slice %arg9[%dma_start3A_23, %dma_start3A_24, %dma_start3A_25] : memref<2x125x128xf32, #tpu.memory_space<vmem>> -> memref<1x125x128xf32, #tpu.memory_space<vmem>>
    %dma_start3A_27 = tpu.memref_squeeze %dma_start3A_26 : memref<1x125x128xf32, #tpu.memory_space<vmem>> -> memref<125x128xf32, #tpu.memory_space<vmem>>
    %dma_start3A_28 = arith.constant 0 : i32
    %dma_start3A_29 = tpu.memref_slice %arg7[%dma_start3A_22, %dma_start3A_28] : memref<40x125xi32, #tpu.memory_space<vmem>> -> memref<1x125xi32, #tpu.memory_space<vmem>>
    %dma_start3A_30 = tpu.memref_squeeze %dma_start3A_29 : memref<1x125xi32, #tpu.memory_space<vmem>> -> memref<125xi32, #tpu.memory_space<vmem>>
    %dma_start3A_31 = arith.constant 0 : i32
    %dma_start3A_32 = arith.constant 0 : i32
    %dma_start3A_33 = tpu.memref_slice %arg2[%dma_start3A_31, %dma_start3A_32] : memref<10000x128xf32, #tpu.memory_space<hbm>> -> memref<10000x128xf32, #tpu.memory_space<hbm>>
    tpu.enqueue_indirect_dma source(%dma_start3A_33 : memref<10000x128xf32, #tpu.memory_space<hbm>>) target(%dma_start3A_27 : memref<125x128xf32, #tpu.memory_space<vmem>>) offsets(%dma_start3A_30 : memref<125xi32, #tpu.memory_space<vmem>>) semaphore(%arg11 : memref<!tpu.dma_semaphore, #tpu.memory_space<semaphore_mem>>)
    %scan3A_34 = arith.constant 0 : i32
    %scan3A_35 = arith.constant 0 : i32
    %scan3A_36 = arith.constant 20 : i32
    %scan3A_37 = arith.addi %scan3A_35, %scan3A_36 : i32
    %scan3A_38 = arith.constant 1 : i32
    scf.for %scan3A_45 = %scan3A_35 to %scan3A_37 step %scan3A_38  : i32 {
      %mul3A_46 = arith.constant 2 : i32
      %mul3A_47 = arith.muli %mul3A_46, %scan3A_45 : i32
      %dma_wait3A = arith.constant 0 : i32
      %dma_wait3A_48 = arith.constant 0 : i32
      %dma_wait3A_49 = arith.constant 0 : i32
      %dma_wait3A_50 = tpu.memref_slice %arg9[%dma_wait3A, %dma_wait3A_48, %dma_wait3A_49] : memref<2x125x128xf32, #tpu.memory_space<vmem>> -> memref<1x125x128xf32, #tpu.memory_space<vmem>>
      %dma_wait3A_51 = tpu.memref_squeeze %dma_wait3A_50 : memref<1x125x128xf32, #tpu.memory_space<vmem>> -> memref<125x128xf32, #tpu.memory_space<vmem>>
      %dma_wait3A_52 = arith.constant 0 : i32
      %dma_wait3A_53 = tpu.memref_slice %arg7[%mul3A_47, %dma_wait3A_52] : memref<40x125xi32, #tpu.memory_space<vmem>> -> memref<1x125xi32, #tpu.memory_space<vmem>>
      %dma_wait3A_54 = tpu.memref_squeeze %dma_wait3A_53 : memref<1x125xi32, #tpu.memory_space<vmem>> -> memref<125xi32, #tpu.memory_space<vmem>>
      %dma_wait3A_55 = arith.constant 0 : i32
      %dma_wait3A_56 = arith.constant 0 : i32
      %dma_wait3A_57 = tpu.memref_slice %arg2[%dma_wait3A_55, %dma_wait3A_56] : memref<10000x128xf32, #tpu.memory_space<hbm>> -> memref<10000x128xf32, #tpu.memory_space<hbm>>
      tpu.wait_indirect_dma semaphore(%arg11 : memref<!tpu.dma_semaphore, #tpu.memory_space<semaphore_mem>>) src(%dma_wait3A_57 : memref<10000x128xf32, #tpu.memory_space<hbm>>) dst(%dma_wait3A_51 : memref<125x128xf32, #tpu.memory_space<vmem>>)
      %add3A_58 = arith.constant 1 : i32
      %add3A_59 = arith.addi %mul3A_47, %add3A_58 : i32
      %dma_start3A_60 = arith.constant 1 : i32
      %dma_start3A_61 = arith.constant 0 : i32
      %dma_start3A_62 = arith.constant 0 : i32
      %dma_start3A_63 = tpu.memref_slice %arg9[%dma_start3A_60, %dma_start3A_61, %dma_start3A_62] : memref<2x125x128xf32, #tpu.memory_space<vmem>> -> memref<1x125x128xf32, #tpu.memory_space<vmem>>
      %dma_start3A_64 = tpu.memref_squeeze %dma_start3A_63 : memref<1x125x128xf32, #tpu.memory_space<vmem>> -> memref<125x128xf32, #tpu.memory_space<vmem>>
      %dma_start3A_65 = arith.constant 0 : i32
      %dma_start3A_66 = tpu.memref_slice %arg7[%add3A_59, %dma_start3A_65] : memref<40x125xi32, #tpu.memory_space<vmem>> -> memref<1x125xi32, #tpu.memory_space<vmem>>
      %dma_start3A_67 = tpu.memref_squeeze %dma_start3A_66 : memref<1x125xi32, #tpu.memory_space<vmem>> -> memref<125xi32, #tpu.memory_space<vmem>>
      %dma_start3A_68 = arith.constant 0 : i32
      %dma_start3A_69 = arith.constant 0 : i32
      %dma_start3A_70 = tpu.memref_slice %arg2[%dma_start3A_68, %dma_start3A_69] : memref<10000x128xf32, #tpu.memory_space<hbm>> -> memref<10000x128xf32, #tpu.memory_space<hbm>>
      tpu.enqueue_indirect_dma source(%dma_start3A_70 : memref<10000x128xf32, #tpu.memory_space<hbm>>) target(%dma_start3A_64 : memref<125x128xf32, #tpu.memory_space<vmem>>) offsets(%dma_start3A_67 : memref<125xi32, #tpu.memory_space<vmem>>) semaphore(%arg11 : memref<!tpu.dma_semaphore, #tpu.memory_space<semaphore_mem>>)
      %run_scoped3A_71 = arith.constant 0 : i32
      "tpu.region"() ({
        %run_scoped3A_92 = tpu.sem_alloc : memref<!tpu.dma_semaphore, #tpu.memory_space<semaphore_mem>>
        %dma_start3A_93 = arith.constant 0 : i32
        %dma_start3A_94 = arith.constant 0 : i32
        %dma_start3A_95 = tpu.memref_slice %arg9[%run_scoped3A_71, %dma_start3A_93, %dma_start3A_94] : memref<2x125x128xf32, #tpu.memory_space<vmem>> -> memref<1x125x128xf32, #tpu.memory_space<vmem>>
        %dma_start3A_96 = tpu.memref_squeeze %dma_start3A_95 : memref<1x125x128xf32, #tpu.memory_space<vmem>> -> memref<125x128xf32, #tpu.memory_space<vmem>>
        %dma_start3A_97 = arith.constant 0 : i32
        %dma_start3A_98 = tpu.memref_slice %arg8[%mul3A_47, %dma_start3A_97] : memref<40x125xi32, #tpu.memory_space<vmem>> -> memref<1x125xi32, #tpu.memory_space<vmem>>
        %dma_start3A_99 = tpu.memref_squeeze %dma_start3A_98 : memref<1x125xi32, #tpu.memory_space<vmem>> -> memref<125xi32, #tpu.memory_space<vmem>>
        %dma_start3A_100 = arith.constant 0 : i32
        %dma_start3A_101 = arith.constant 0 : i32
        %dma_start3A_102 = tpu.memref_slice %arg10[%dma_start3A_100, %dma_start3A_101] : memref<10240x128xf32, #tpu.memory_space<vmem_shared>> -> memref<10240x128xf32, #tpu.memory_space<vmem_shared>>
        tpu.enqueue_indirect_dma source(%dma_start3A_96 : memref<125x128xf32, #tpu.memory_space<vmem>>) target(%dma_start3A_102 : memref<10240x128xf32, #tpu.memory_space<vmem_shared>>) offsets(%dma_start3A_99 : memref<125xi32, #tpu.memory_space<vmem>>) semaphore(%run_scoped3A_92 : memref<!tpu.dma_semaphore, #tpu.memory_space<semaphore_mem>>) {add = true}
        %dma_wait3A_103 = arith.constant 0 : i32
        %dma_wait3A_104 = arith.constant 0 : i32
        %dma_wait3A_105 = tpu.memref_slice %arg9[%run_scoped3A_71, %dma_wait3A_103, %dma_wait3A_104] : memref<2x125x128xf32, #tpu.memory_space<vmem>> -> memref<1x125x128xf32, #tpu.memory_space<vmem>>
        %dma_wait3A_106 = tpu.memref_squeeze %dma_wait3A_105 : memref<1x125x128xf32, #tpu.memory_space<vmem>> -> memref<125x128xf32, #tpu.memory_space<vmem>>
        %dma_wait3A_107 = arith.constant 0 : i32
        %dma_wait3A_108 = tpu.memref_slice %arg8[%mul3A_47, %dma_wait3A_107] : memref<40x125xi32, #tpu.memory_space<vmem>> -> memref<1x125xi32, #tpu.memory_space<vmem>>
        %dma_wait3A_109 = tpu.memref_squeeze %dma_wait3A_108 : memref<1x125xi32, #tpu.memory_space<vmem>> -> memref<125xi32, #tpu.memory_space<vmem>>
        %dma_wait3A_110 = arith.constant 0 : i32
        %dma_wait3A_111 = arith.constant 0 : i32
        %dma_wait3A_112 = tpu.memref_slice %arg10[%dma_wait3A_110, %dma_wait3A_111] : memref<10240x128xf32, #tpu.memory_space<vmem_shared>> -> memref<10240x128xf32, #tpu.memory_space<vmem_shared>>
        tpu.wait_indirect_dma semaphore(%run_scoped3A_92 : memref<!tpu.dma_semaphore, #tpu.memory_space<semaphore_mem>>) src(%dma_wait3A_106 : memref<125x128xf32, #tpu.memory_space<vmem>>) dst(%dma_wait3A_112 : memref<10240x128xf32, #tpu.memory_space<vmem_shared>>)
        tpu.yield
      }) : () -> ()
      %add3A_72 = arith.constant 1 : i32
      %add3A_73 = arith.addi %mul3A_47, %add3A_72 : i32
      %dma_wait3A_74 = arith.constant 1 : i32
      %dma_wait3A_75 = arith.constant 0 : i32
      %dma_wait3A_76 = arith.constant 0 : i32
      %dma_wait3A_77 = tpu.memref_slice %arg9[%dma_wait3A_74, %dma_wait3A_75, %dma_wait3A_76] : memref<2x125x128xf32, #tpu.memory_space<vmem>> -> memref<1x125x128xf32, #tpu.memory_space<vmem>>
      %dma_wait3A_78 = tpu.memref_squeeze %dma_wait3A_77 : memref<1x125x128xf32, #tpu.memory_space<vmem>> -> memref<125x128xf32, #tpu.memory_space<vmem>>
      %dma_wait3A_79 = arith.constant 0 : i32
      %dma_wait3A_80 = tpu.memref_slice %arg7[%add3A_73, %dma_wait3A_79] : memref<40x125xi32, #tpu.memory_space<vmem>> -> memref<1x125xi32, #tpu.memory_space<vmem>>
      %dma_wait3A_81 = tpu.memref_squeeze %dma_wait3A_80 : memref<1x125xi32, #tpu.memory_space<vmem>> -> memref<125xi32, #tpu.memory_space<vmem>>
      %dma_wait3A_82 = arith.constant 0 : i32
      %dma_wait3A_83 = arith.constant 0 : i32
      %dma_wait3A_84 = tpu.memref_slice %arg2[%dma_wait3A_82, %dma_wait3A_83] : memref<10000x128xf32, #tpu.memory_space<hbm>> -> memref<10000x128xf32, #tpu.memory_space<hbm>>
      tpu.wait_indirect_dma semaphore(%arg11 : memref<!tpu.dma_semaphore, #tpu.memory_space<semaphore_mem>>) src(%dma_wait3A_84 : memref<10000x128xf32, #tpu.memory_space<hbm>>) dst(%dma_wait3A_78 : memref<125x128xf32, #tpu.memory_space<vmem>>)
      %add3A_85 = arith.constant 1 : i32
      %add3A_86 = arith.addi %scan3A_45, %add3A_85 : i32
      %lt3A = arith.constant 20 : i32
      %lt3A_87 = arith.cmpi slt, %add3A_86, %lt3A : i32
      %convert_element_type3A = arith.extui %lt3A_87 : i1 to i32
      %cond3A = arith.constant 0 : i32
      %cond3A_88 = arith.cmpi ne, %convert_element_type3A, %cond3A : i32
      scf.if %cond3A_88 {
        %add3A_92 = arith.constant 2 : i32
        %add3A_93 = arith.addi %mul3A_47, %add3A_92 : i32
        %dma_start3A_94 = arith.constant 0 : i32
        %dma_start3A_95 = arith.constant 0 : i32
        %dma_start3A_96 = arith.constant 0 : i32
        %dma_start3A_97 = tpu.memref_slice %arg9[%dma_start3A_94, %dma_start3A_95, %dma_start3A_96] : memref<2x125x128xf32, #tpu.memory_space<vmem>> -> memref<1x125x128xf32, #tpu.memory_space<vmem>>
        %dma_start3A_98 = tpu.memref_squeeze %dma_start3A_97 : memref<1x125x128xf32, #tpu.memory_space<vmem>> -> memref<125x128xf32, #tpu.memory_space<vmem>>
        %dma_start3A_99 = arith.constant 0 : i32
        %dma_start3A_100 = tpu.memref_slice %arg7[%add3A_93, %dma_start3A_99] : memref<40x125xi32, #tpu.memory_space<vmem>> -> memref<1x125xi32, #tpu.memory_space<vmem>>
        %dma_start3A_101 = tpu.memref_squeeze %dma_start3A_100 : memref<1x125xi32, #tpu.memory_space<vmem>> -> memref<125xi32, #tpu.memory_space<vmem>>
        %dma_start3A_102 = arith.constant 0 : i32
        %dma_start3A_103 = arith.constant 0 : i32
        %dma_start3A_104 = tpu.memref_slice %arg2[%dma_start3A_102, %dma_start3A_103] : memref<10000x128xf32, #tpu.memory_space<hbm>> -> memref<10000x128xf32, #tpu.memory_space<hbm>>
        tpu.enqueue_indirect_dma source(%dma_start3A_104 : memref<10000x128xf32, #tpu.memory_space<hbm>>) target(%dma_start3A_98 : memref<125x128xf32, #tpu.memory_space<vmem>>) offsets(%dma_start3A_101 : memref<125xi32, #tpu.memory_space<vmem>>) semaphore(%arg11 : memref<!tpu.dma_semaphore, #tpu.memory_space<semaphore_mem>>)
      } else {
      }
      %add3A_89 = arith.constant 1 : i32
      %add3A_90 = arith.addi %mul3A_47, %add3A_89 : i32
      %run_scoped3A_91 = arith.constant 1 : i32
      "tpu.region"() ({
        %run_scoped3A_92 = tpu.sem_alloc : memref<!tpu.dma_semaphore, #tpu.memory_space<semaphore_mem>>
        %dma_start3A_93 = arith.constant 0 : i32
        %dma_start3A_94 = arith.constant 0 : i32
        %dma_start3A_95 = tpu.memref_slice %arg9[%run_scoped3A_91, %dma_start3A_93, %dma_start3A_94] : memref<2x125x128xf32, #tpu.memory_space<vmem>> -> memref<1x125x128xf32, #tpu.memory_space<vmem>>
        %dma_start3A_96 = tpu.memref_squeeze %dma_start3A_95 : memref<1x125x128xf32, #tpu.memory_space<vmem>> -> memref<125x128xf32, #tpu.memory_space<vmem>>
        %dma_start3A_97 = arith.constant 0 : i32
        %dma_start3A_98 = tpu.memref_slice %arg8[%add3A_90, %dma_start3A_97] : memref<40x125xi32, #tpu.memory_space<vmem>> -> memref<1x125xi32, #tpu.memory_space<vmem>>
        %dma_start3A_99 = tpu.memref_squeeze %dma_start3A_98 : memref<1x125xi32, #tpu.memory_space<vmem>> -> memref<125xi32, #tpu.memory_space<vmem>>
        %dma_start3A_100 = arith.constant 0 : i32
        %dma_start3A_101 = arith.constant 0 : i32
        %dma_start3A_102 = tpu.memref_slice %arg10[%dma_start3A_100, %dma_start3A_101] : memref<10240x128xf32, #tpu.memory_space<vmem_shared>> -> memref<10240x128xf32, #tpu.memory_space<vmem_shared>>
        tpu.enqueue_indirect_dma source(%dma_start3A_96 : memref<125x128xf32, #tpu.memory_space<vmem>>) target(%dma_start3A_102 : memref<10240x128xf32, #tpu.memory_space<vmem_shared>>) offsets(%dma_start3A_99 : memref<125xi32, #tpu.memory_space<vmem>>) semaphore(%run_scoped3A_92 : memref<!tpu.dma_semaphore, #tpu.memory_space<semaphore_mem>>) {add = true}
        %dma_wait3A_103 = arith.constant 0 : i32
        %dma_wait3A_104 = arith.constant 0 : i32
        %dma_wait3A_105 = tpu.memref_slice %arg9[%run_scoped3A_91, %dma_wait3A_103, %dma_wait3A_104] : memref<2x125x128xf32, #tpu.memory_space<vmem>> -> memref<1x125x128xf32, #tpu.memory_space<vmem>>
        %dma_wait3A_106 = tpu.memref_squeeze %dma_wait3A_105 : memref<1x125x128xf32, #tpu.memory_space<vmem>> -> memref<125x128xf32, #tpu.memory_space<vmem>>
        %dma_wait3A_107 = arith.constant 0 : i32
        %dma_wait3A_108 = tpu.memref_slice %arg8[%add3A_90, %dma_wait3A_107] : memref<40x125xi32, #tpu.memory_space<vmem>> -> memref<1x125xi32, #tpu.memory_space<vmem>>
        %dma_wait3A_109 = tpu.memref_squeeze %dma_wait3A_108 : memref<1x125xi32, #tpu.memory_space<vmem>> -> memref<125xi32, #tpu.memory_space<vmem>>
        %dma_wait3A_110 = arith.constant 0 : i32
        %dma_wait3A_111 = arith.constant 0 : i32
        %dma_wait3A_112 = tpu.memref_slice %arg10[%dma_wait3A_110, %dma_wait3A_111] : memref<10240x128xf32, #tpu.memory_space<vmem_shared>> -> memref<10240x128xf32, #tpu.memory_space<vmem_shared>>
        tpu.wait_indirect_dma semaphore(%run_scoped3A_92 : memref<!tpu.dma_semaphore, #tpu.memory_space<semaphore_mem>>) src(%dma_wait3A_106 : memref<125x128xf32, #tpu.memory_space<vmem>>) dst(%dma_wait3A_112 : memref<10240x128xf32, #tpu.memory_space<vmem_shared>>)
        tpu.yield
      }) : () -> ()
    }
    %scan3A_39 = arith.constant 20 : i32
    %barrier3A_40 = arith.constant 0 : index
    tpu.barrier barrier_id(%barrier3A_40)
    %mul3A_41 = arith.constant 640 : i32
    %mul3A_42 = arith.muli %arg1, %mul3A_41 : i32
    %mul3A_43 = arith.constant 640 : i32
    %mul3A_44 = arith.muli %arg1, %mul3A_43 : i32
    "tpu.region"() ({
      %run_scoped3A_45 = tpu.sem_alloc : memref<!tpu.dma_semaphore, #tpu.memory_space<semaphore_mem>>
      %dma_start3A_46 = arith.constant 0 : i32
      %dma_start3A_47 = tpu.memref_slice %arg6[%arg0, %mul3A_44, %dma_start3A_46] : memref<2x10240x128xf32, #tpu.memory_space<hbm>> -> memref<1x640x128xf32, #tpu.memory_space<hbm>>
      %dma_start3A_48 = tpu.memref_squeeze %dma_start3A_47 : memref<1x640x128xf32, #tpu.memory_space<hbm>> -> memref<640x128xf32, #tpu.memory_space<hbm>>
      %dma_start3A_49 = arith.constant 0 : i32
      %dma_start3A_50 = tpu.memref_slice %arg10[%mul3A_42, %dma_start3A_49] : memref<10240x128xf32, #tpu.memory_space<vmem_shared>> -> memref<640x128xf32, #tpu.memory_space<vmem_shared>>
      tpu.enqueue_dma source(%dma_start3A_50 : memref<640x128xf32, #tpu.memory_space<vmem_shared>>) target(%dma_start3A_48 : memref<640x128xf32, #tpu.memory_space<hbm>>) target_semaphore(%run_scoped3A_45 : memref<!tpu.dma_semaphore, #tpu.memory_space<semaphore_mem>>)
      %dma_wait3A = arith.constant 0 : i32
      %dma_wait3A_51 = tpu.memref_slice %arg6[%arg0, %mul3A_44, %dma_wait3A] : memref<2x10240x128xf32, #tpu.memory_space<hbm>> -> memref<1x640x128xf32, #tpu.memory_space<hbm>>
      %dma_wait3A_52 = tpu.memref_squeeze %dma_wait3A_51 : memref<1x640x128xf32, #tpu.memory_space<hbm>> -> memref<640x128xf32, #tpu.memory_space<hbm>>
      %dma_wait3A_53 = arith.constant 0 : i32
      %dma_wait3A_54 = tpu.memref_slice %arg10[%mul3A_42, %dma_wait3A_53] : memref<10240x128xf32, #tpu.memory_space<vmem_shared>> -> memref<640x128xf32, #tpu.memory_space<vmem_shared>>
      tpu.wait_dma2 semaphore(%run_scoped3A_45 : memref<!tpu.dma_semaphore, #tpu.memory_space<semaphore_mem>>) src(%dma_wait3A_54 : memref<640x128xf32, #tpu.memory_space<vmem_shared>>) dst(%dma_wait3A_52 : memref<640x128xf32, #tpu.memory_space<hbm>>)
      tpu.yield
    }) : () -> ()
    return
  }
}

#map = affine_map<(d0, d1) -> (0, 0)>
#map1 = affine_map<(d0, d1) -> (0, 0, 0, 0)>
#map2 = affine_map<(d0, d1) -> (0, 0, 0)>
module attributes {stable_mosaic.version = 14 : i64} {
  func.func @_agg_body(%arg0: i32, %arg1: i32, %arg2: memref<10000x128xf32, #tpu.memory_space<hbm>>, %arg3: memref<32x2x40x125xi32, #tpu.memory_space<hbm>>, %arg4: memref<32x2x40x125xi32, #tpu.memory_space<hbm>>, %arg5: memref<640x128xf32, #tpu.memory_space<hbm>>, %arg6: memref<2x10240x128xf32, #tpu.memory_space<hbm>>, %arg7: memref<40x125xi32, #tpu.memory_space<vmem>>, %arg8: memref<40x125xi32, #tpu.memory_space<vmem>>, %arg9: memref<2x125x128xf32, #tpu.memory_space<vmem>>, %arg10: memref<10240x128xf32, #tpu.memory_space<vmem_shared>>, %arg11: memref<!tpu.dma_semaphore, #tpu.memory_space<semaphore_mem>>) attributes {dimension_semantics = [#tpu.dimension_semantics<core_parallel>, #tpu.dimension_semantics<subcore_parallel>], iteration_bounds = array<i64: 2, 16>, scalar_prefetch = 0 : i64, scratch_operands = 5 : i64, tpu.core_type = #tpu.core_type<sc_vector_subcore>, window_params = [{transform_indices = #map}, {transform_indices = #map1}, {transform_indices = #map1}, {transform_indices = #map}, {transform_indices = #map2}]} {
    %mul3A = arith.constant 2 : i32
    %mul3A_0 = arith.muli %arg1, %mul3A : i32
    %add3A = arith.addi %mul3A_0, %arg0 : i32
    %mul3A_1 = arith.constant 640 : i32
    %mul3A_2 = arith.muli %arg1, %mul3A_1 : i32
    "tpu.region"() ({
      %run_scoped3A_45 = tpu.sem_alloc : memref<!tpu.dma_semaphore, #tpu.memory_space<semaphore_mem>>
      %dma_start3A_46 = arith.constant 0 : i32
      %dma_start3A_47 = tpu.memref_slice %arg10[%mul3A_2, %dma_start3A_46] : memref<10240x128xf32, #tpu.memory_space<vmem_shared>> -> memref<640x128xf32, #tpu.memory_space<vmem_shared>>
      tpu.enqueue_dma source(%arg5 : memref<640x128xf32, #tpu.memory_space<hbm>>) target(%dma_start3A_47 : memref<640x128xf32, #tpu.memory_space<vmem_shared>>) target_semaphore(%run_scoped3A_45 : memref<!tpu.dma_semaphore, #tpu.memory_space<semaphore_mem>>)
      %dma_wait3A = arith.constant 0 : i32
      %dma_wait3A_48 = tpu.memref_slice %arg10[%mul3A_2, %dma_wait3A] : memref<10240x128xf32, #tpu.memory_space<vmem_shared>> -> memref<640x128xf32, #tpu.memory_space<vmem_shared>>
      tpu.wait_dma2 semaphore(%run_scoped3A_45 : memref<!tpu.dma_semaphore, #tpu.memory_space<semaphore_mem>>) src(%arg5 : memref<640x128xf32, #tpu.memory_space<hbm>>) dst(%dma_wait3A_48 : memref<640x128xf32, #tpu.memory_space<vmem_shared>>)
      tpu.yield
    }) : () -> ()
    %barrier3A = arith.constant 0 : index
    tpu.barrier barrier_id(%barrier3A)
    %run_scoped3A = arith.constant 0 : i32
    "tpu.region"() ({
      %run_scoped3A_45 = tpu.sem_alloc : memref<!tpu.dma_semaphore, #tpu.memory_space<semaphore_mem>>
      %dma_start3A_46 = arith.constant 0 : i32
      %dma_start3A_47 = arith.constant 0 : i32
      %dma_start3A_48 = tpu.memref_slice %arg3[%add3A, %run_scoped3A, %dma_start3A_46, %dma_start3A_47] : memref<32x2x40x125xi32, #tpu.memory_space<hbm>> -> memref<1x1x40x125xi32, #tpu.memory_space<hbm>>
      %dma_start3A_49 = tpu.memref_squeeze %dma_start3A_48 : memref<1x1x40x125xi32, #tpu.memory_space<hbm>> -> memref<40x125xi32, #tpu.memory_space<hbm>>
      %dma_start3A_50 = arith.constant 0 : i32
      %dma_start3A_51 = arith.constant 0 : i32
      %dma_start3A_52 = tpu.memref_slice %arg3[%add3A, %run_scoped3A, %dma_start3A_50, %dma_start3A_51] : memref<32x2x40x125xi32, #tpu.memory_space<hbm>> -> memref<1x1x40x125xi32, #tpu.memory_space<hbm>>
      %dma_start3A_53 = tpu.memref_squeeze %dma_start3A_52 : memref<1x1x40x125xi32, #tpu.memory_space<hbm>> -> memref<40x125xi32, #tpu.memory_space<hbm>>
      tpu.enqueue_dma source(%dma_start3A_53 : memref<40x125xi32, #tpu.memory_space<hbm>>) target(%arg7 : memref<40x125xi32, #tpu.memory_space<vmem>>) target_semaphore(%run_scoped3A_45 : memref<!tpu.dma_semaphore, #tpu.memory_space<semaphore_mem>>)
      %dma_wait3A = arith.constant 0 : i32
      %dma_wait3A_54 = arith.constant 0 : i32
      %dma_wait3A_55 = tpu.memref_slice %arg3[%add3A, %run_scoped3A, %dma_wait3A, %dma_wait3A_54] : memref<32x2x40x125xi32, #tpu.memory_space<hbm>> -> memref<1x1x40x125xi32, #tpu.memory_space<hbm>>
      %dma_wait3A_56 = tpu.memref_squeeze %dma_wait3A_55 : memref<1x1x40x125xi32, #tpu.memory_space<hbm>> -> memref<40x125xi32, #tpu.memory_space<hbm>>
      %dma_wait3A_57 = arith.constant 0 : i32
      %dma_wait3A_58 = arith.constant 0 : i32
      %dma_wait3A_59 = tpu.memref_slice %arg3[%add3A, %run_scoped3A, %dma_wait3A_57, %dma_wait3A_58] : memref<32x2x40x125xi32, #tpu.memory_space<hbm>> -> memref<1x1x40x125xi32, #tpu.memory_space<hbm>>
      %dma_wait3A_60 = tpu.memref_squeeze %dma_wait3A_59 : memref<1x1x40x125xi32, #tpu.memory_space<hbm>> -> memref<40x125xi32, #tpu.memory_space<hbm>>
      tpu.wait_dma2 semaphore(%run_scoped3A_45 : memref<!tpu.dma_semaphore, #tpu.memory_space<semaphore_mem>>) src(%dma_wait3A_60 : memref<40x125xi32, #tpu.memory_space<hbm>>) dst(%arg7 : memref<40x125xi32, #tpu.memory_space<vmem>>)
      tpu.yield
    }) : () -> ()
    %run_scoped3A_3 = arith.constant 0 : i32
    "tpu.region"() ({
      %run_scoped3A_45 = tpu.sem_alloc : memref<!tpu.dma_semaphore, #tpu.memory_space<semaphore_mem>>
      %dma_start3A_46 = arith.constant 0 : i32
      %dma_start3A_47 = arith.constant 0 : i32
      %dma_start3A_48 = tpu.memref_slice %arg4[%add3A, %run_scoped3A_3, %dma_start3A_46, %dma_start3A_47] : memref<32x2x40x125xi32, #tpu.memory_space<hbm>> -> memref<1x1x40x125xi32, #tpu.memory_space<hbm>>
      %dma_start3A_49 = tpu.memref_squeeze %dma_start3A_48 : memref<1x1x40x125xi32, #tpu.memory_space<hbm>> -> memref<40x125xi32, #tpu.memory_space<hbm>>
      %dma_start3A_50 = arith.constant 0 : i32
      %dma_start3A_51 = arith.constant 0 : i32
      %dma_start3A_52 = tpu.memref_slice %arg4[%add3A, %run_scoped3A_3, %dma_start3A_50, %dma_start3A_51] : memref<32x2x40x125xi32, #tpu.memory_space<hbm>> -> memref<1x1x40x125xi32, #tpu.memory_space<hbm>>
      %dma_start3A_53 = tpu.memref_squeeze %dma_start3A_52 : memref<1x1x40x125xi32, #tpu.memory_space<hbm>> -> memref<40x125xi32, #tpu.memory_space<hbm>>
      tpu.enqueue_dma source(%dma_start3A_53 : memref<40x125xi32, #tpu.memory_space<hbm>>) target(%arg8 : memref<40x125xi32, #tpu.memory_space<vmem>>) target_semaphore(%run_scoped3A_45 : memref<!tpu.dma_semaphore, #tpu.memory_space<semaphore_mem>>)
      %dma_wait3A = arith.constant 0 : i32
      %dma_wait3A_54 = arith.constant 0 : i32
      %dma_wait3A_55 = tpu.memref_slice %arg4[%add3A, %run_scoped3A_3, %dma_wait3A, %dma_wait3A_54] : memref<32x2x40x125xi32, #tpu.memory_space<hbm>> -> memref<1x1x40x125xi32, #tpu.memory_space<hbm>>
      %dma_wait3A_56 = tpu.memref_squeeze %dma_wait3A_55 : memref<1x1x40x125xi32, #tpu.memory_space<hbm>> -> memref<40x125xi32, #tpu.memory_space<hbm>>
      %dma_wait3A_57 = arith.constant 0 : i32
      %dma_wait3A_58 = arith.constant 0 : i32
      %dma_wait3A_59 = tpu.memref_slice %arg4[%add3A, %run_scoped3A_3, %dma_wait3A_57, %dma_wait3A_58] : memref<32x2x40x125xi32, #tpu.memory_space<hbm>> -> memref<1x1x40x125xi32, #tpu.memory_space<hbm>>
      %dma_wait3A_60 = tpu.memref_squeeze %dma_wait3A_59 : memref<1x1x40x125xi32, #tpu.memory_space<hbm>> -> memref<40x125xi32, #tpu.memory_space<hbm>>
      tpu.wait_dma2 semaphore(%run_scoped3A_45 : memref<!tpu.dma_semaphore, #tpu.memory_space<semaphore_mem>>) src(%dma_wait3A_60 : memref<40x125xi32, #tpu.memory_space<hbm>>) dst(%arg8 : memref<40x125xi32, #tpu.memory_space<vmem>>)
      tpu.yield
    }) : () -> ()
    %dma_start3A = arith.constant 0 : i32
    %dma_start3A_4 = arith.constant 0 : i32
    %dma_start3A_5 = arith.constant 0 : i32
    %dma_start3A_6 = arith.constant 0 : i32
    %dma_start3A_7 = tpu.memref_slice %arg9[%dma_start3A_4, %dma_start3A_5, %dma_start3A_6] : memref<2x125x128xf32, #tpu.memory_space<vmem>> -> memref<1x125x128xf32, #tpu.memory_space<vmem>>
    %dma_start3A_8 = tpu.memref_squeeze %dma_start3A_7 : memref<1x125x128xf32, #tpu.memory_space<vmem>> -> memref<125x128xf32, #tpu.memory_space<vmem>>
    %dma_start3A_9 = arith.constant 0 : i32
    %dma_start3A_10 = tpu.memref_slice %arg7[%dma_start3A, %dma_start3A_9] : memref<40x125xi32, #tpu.memory_space<vmem>> -> memref<1x125xi32, #tpu.memory_space<vmem>>
    %dma_start3A_11 = tpu.memref_squeeze %dma_start3A_10 : memref<1x125xi32, #tpu.memory_space<vmem>> -> memref<125xi32, #tpu.memory_space<vmem>>
    %dma_start3A_12 = arith.constant 0 : i32
    %dma_start3A_13 = arith.constant 0 : i32
    %dma_start3A_14 = tpu.memref_slice %arg2[%dma_start3A_12, %dma_start3A_13] : memref<10000x128xf32, #tpu.memory_space<hbm>> -> memref<10000x128xf32, #tpu.memory_space<hbm>>
    tpu.enqueue_indirect_dma source(%dma_start3A_14 : memref<10000x128xf32, #tpu.memory_space<hbm>>) target(%dma_start3A_8 : memref<125x128xf32, #tpu.memory_space<vmem>>) offsets(%dma_start3A_11 : memref<125xi32, #tpu.memory_space<vmem>>) semaphore(%arg11 : memref<!tpu.dma_semaphore, #tpu.memory_space<semaphore_mem>>)
    %scan3A = arith.constant 0 : i32
    %scan3A_15 = arith.constant 0 : i32
    %scan3A_16 = arith.constant 20 : i32
    %scan3A_17 = arith.addi %scan3A_15, %scan3A_16 : i32
    %scan3A_18 = arith.constant 1 : i32
    scf.for %scan3A_45 = %scan3A_15 to %scan3A_17 step %scan3A_18  : i32 {
      %mul3A_46 = arith.constant 2 : i32
      %mul3A_47 = arith.muli %mul3A_46, %scan3A_45 : i32
      %dma_wait3A = arith.constant 0 : i32
      %dma_wait3A_48 = arith.constant 0 : i32
      %dma_wait3A_49 = arith.constant 0 : i32
      %dma_wait3A_50 = tpu.memref_slice %arg9[%dma_wait3A, %dma_wait3A_48, %dma_wait3A_49] : memref<2x125x128xf32, #tpu.memory_space<vmem>> -> memref<1x125x128xf32, #tpu.memory_space<vmem>>
      %dma_wait3A_51 = tpu.memref_squeeze %dma_wait3A_50 : memref<1x125x128xf32, #tpu.memory_space<vmem>> -> memref<125x128xf32, #tpu.memory_space<vmem>>
      %dma_wait3A_52 = arith.constant 0 : i32
      %dma_wait3A_53 = tpu.memref_slice %arg7[%mul3A_47, %dma_wait3A_52] : memref<40x125xi32, #tpu.memory_space<vmem>> -> memref<1x125xi32, #tpu.memory_space<vmem>>
      %dma_wait3A_54 = tpu.memref_squeeze %dma_wait3A_53 : memref<1x125xi32, #tpu.memory_space<vmem>> -> memref<125xi32, #tpu.memory_space<vmem>>
      %dma_wait3A_55 = arith.constant 0 : i32
      %dma_wait3A_56 = arith.constant 0 : i32
      %dma_wait3A_57 = tpu.memref_slice %arg2[%dma_wait3A_55, %dma_wait3A_56] : memref<10000x128xf32, #tpu.memory_space<hbm>> -> memref<10000x128xf32, #tpu.memory_space<hbm>>
      tpu.wait_indirect_dma semaphore(%arg11 : memref<!tpu.dma_semaphore, #tpu.memory_space<semaphore_mem>>) src(%dma_wait3A_57 : memref<10000x128xf32, #tpu.memory_space<hbm>>) dst(%dma_wait3A_51 : memref<125x128xf32, #tpu.memory_space<vmem>>)
      %add3A_58 = arith.constant 1 : i32
      %add3A_59 = arith.addi %mul3A_47, %add3A_58 : i32
      %dma_start3A_60 = arith.constant 1 : i32
      %dma_start3A_61 = arith.constant 0 : i32
      %dma_start3A_62 = arith.constant 0 : i32
      %dma_start3A_63 = tpu.memref_slice %arg9[%dma_start3A_60, %dma_start3A_61, %dma_start3A_62] : memref<2x125x128xf32, #tpu.memory_space<vmem>> -> memref<1x125x128xf32, #tpu.memory_space<vmem>>
      %dma_start3A_64 = tpu.memref_squeeze %dma_start3A_63 : memref<1x125x128xf32, #tpu.memory_space<vmem>> -> memref<125x128xf32, #tpu.memory_space<vmem>>
      %dma_start3A_65 = arith.constant 0 : i32
      %dma_start3A_66 = tpu.memref_slice %arg7[%add3A_59, %dma_start3A_65] : memref<40x125xi32, #tpu.memory_space<vmem>> -> memref<1x125xi32, #tpu.memory_space<vmem>>
      %dma_start3A_67 = tpu.memref_squeeze %dma_start3A_66 : memref<1x125xi32, #tpu.memory_space<vmem>> -> memref<125xi32, #tpu.memory_space<vmem>>
      %dma_start3A_68 = arith.constant 0 : i32
      %dma_start3A_69 = arith.constant 0 : i32
      %dma_start3A_70 = tpu.memref_slice %arg2[%dma_start3A_68, %dma_start3A_69] : memref<10000x128xf32, #tpu.memory_space<hbm>> -> memref<10000x128xf32, #tpu.memory_space<hbm>>
      tpu.enqueue_indirect_dma source(%dma_start3A_70 : memref<10000x128xf32, #tpu.memory_space<hbm>>) target(%dma_start3A_64 : memref<125x128xf32, #tpu.memory_space<vmem>>) offsets(%dma_start3A_67 : memref<125xi32, #tpu.memory_space<vmem>>) semaphore(%arg11 : memref<!tpu.dma_semaphore, #tpu.memory_space<semaphore_mem>>)
      %run_scoped3A_71 = arith.constant 0 : i32
      "tpu.region"() ({
        %run_scoped3A_92 = tpu.sem_alloc : memref<!tpu.dma_semaphore, #tpu.memory_space<semaphore_mem>>
        %dma_start3A_93 = arith.constant 0 : i32
        %dma_start3A_94 = arith.constant 0 : i32
        %dma_start3A_95 = tpu.memref_slice %arg9[%run_scoped3A_71, %dma_start3A_93, %dma_start3A_94] : memref<2x125x128xf32, #tpu.memory_space<vmem>> -> memref<1x125x128xf32, #tpu.memory_space<vmem>>
        %dma_start3A_96 = tpu.memref_squeeze %dma_start3A_95 : memref<1x125x128xf32, #tpu.memory_space<vmem>> -> memref<125x128xf32, #tpu.memory_space<vmem>>
        %dma_start3A_97 = arith.constant 0 : i32
        %dma_start3A_98 = tpu.memref_slice %arg8[%mul3A_47, %dma_start3A_97] : memref<40x125xi32, #tpu.memory_space<vmem>> -> memref<1x125xi32, #tpu.memory_space<vmem>>
        %dma_start3A_99 = tpu.memref_squeeze %dma_start3A_98 : memref<1x125xi32, #tpu.memory_space<vmem>> -> memref<125xi32, #tpu.memory_space<vmem>>
        %dma_start3A_100 = arith.constant 0 : i32
        %dma_start3A_101 = arith.constant 0 : i32
        %dma_start3A_102 = tpu.memref_slice %arg10[%dma_start3A_100, %dma_start3A_101] : memref<10240x128xf32, #tpu.memory_space<vmem_shared>> -> memref<10240x128xf32, #tpu.memory_space<vmem_shared>>
        tpu.enqueue_indirect_dma source(%dma_start3A_96 : memref<125x128xf32, #tpu.memory_space<vmem>>) target(%dma_start3A_102 : memref<10240x128xf32, #tpu.memory_space<vmem_shared>>) offsets(%dma_start3A_99 : memref<125xi32, #tpu.memory_space<vmem>>) semaphore(%run_scoped3A_92 : memref<!tpu.dma_semaphore, #tpu.memory_space<semaphore_mem>>) {add = true}
        %dma_wait3A_103 = arith.constant 0 : i32
        %dma_wait3A_104 = arith.constant 0 : i32
        %dma_wait3A_105 = tpu.memref_slice %arg9[%run_scoped3A_71, %dma_wait3A_103, %dma_wait3A_104] : memref<2x125x128xf32, #tpu.memory_space<vmem>> -> memref<1x125x128xf32, #tpu.memory_space<vmem>>
        %dma_wait3A_106 = tpu.memref_squeeze %dma_wait3A_105 : memref<1x125x128xf32, #tpu.memory_space<vmem>> -> memref<125x128xf32, #tpu.memory_space<vmem>>
        %dma_wait3A_107 = arith.constant 0 : i32
        %dma_wait3A_108 = tpu.memref_slice %arg8[%mul3A_47, %dma_wait3A_107] : memref<40x125xi32, #tpu.memory_space<vmem>> -> memref<1x125xi32, #tpu.memory_space<vmem>>
        %dma_wait3A_109 = tpu.memref_squeeze %dma_wait3A_108 : memref<1x125xi32, #tpu.memory_space<vmem>> -> memref<125xi32, #tpu.memory_space<vmem>>
        %dma_wait3A_110 = arith.constant 0 : i32
        %dma_wait3A_111 = arith.constant 0 : i32
        %dma_wait3A_112 = tpu.memref_slice %arg10[%dma_wait3A_110, %dma_wait3A_111] : memref<10240x128xf32, #tpu.memory_space<vmem_shared>> -> memref<10240x128xf32, #tpu.memory_space<vmem_shared>>
        tpu.wait_indirect_dma semaphore(%run_scoped3A_92 : memref<!tpu.dma_semaphore, #tpu.memory_space<semaphore_mem>>) src(%dma_wait3A_106 : memref<125x128xf32, #tpu.memory_space<vmem>>) dst(%dma_wait3A_112 : memref<10240x128xf32, #tpu.memory_space<vmem_shared>>)
        tpu.yield
      }) : () -> ()
      %add3A_72 = arith.constant 1 : i32
      %add3A_73 = arith.addi %mul3A_47, %add3A_72 : i32
      %dma_wait3A_74 = arith.constant 1 : i32
      %dma_wait3A_75 = arith.constant 0 : i32
      %dma_wait3A_76 = arith.constant 0 : i32
      %dma_wait3A_77 = tpu.memref_slice %arg9[%dma_wait3A_74, %dma_wait3A_75, %dma_wait3A_76] : memref<2x125x128xf32, #tpu.memory_space<vmem>> -> memref<1x125x128xf32, #tpu.memory_space<vmem>>
      %dma_wait3A_78 = tpu.memref_squeeze %dma_wait3A_77 : memref<1x125x128xf32, #tpu.memory_space<vmem>> -> memref<125x128xf32, #tpu.memory_space<vmem>>
      %dma_wait3A_79 = arith.constant 0 : i32
      %dma_wait3A_80 = tpu.memref_slice %arg7[%add3A_73, %dma_wait3A_79] : memref<40x125xi32, #tpu.memory_space<vmem>> -> memref<1x125xi32, #tpu.memory_space<vmem>>
      %dma_wait3A_81 = tpu.memref_squeeze %dma_wait3A_80 : memref<1x125xi32, #tpu.memory_space<vmem>> -> memref<125xi32, #tpu.memory_space<vmem>>
      %dma_wait3A_82 = arith.constant 0 : i32
      %dma_wait3A_83 = arith.constant 0 : i32
      %dma_wait3A_84 = tpu.memref_slice %arg2[%dma_wait3A_82, %dma_wait3A_83] : memref<10000x128xf32, #tpu.memory_space<hbm>> -> memref<10000x128xf32, #tpu.memory_space<hbm>>
      tpu.wait_indirect_dma semaphore(%arg11 : memref<!tpu.dma_semaphore, #tpu.memory_space<semaphore_mem>>) src(%dma_wait3A_84 : memref<10000x128xf32, #tpu.memory_space<hbm>>) dst(%dma_wait3A_78 : memref<125x128xf32, #tpu.memory_space<vmem>>)
      %add3A_85 = arith.constant 1 : i32
      %add3A_86 = arith.addi %scan3A_45, %add3A_85 : i32
      %lt3A = arith.constant 20 : i32
      %lt3A_87 = arith.cmpi slt, %add3A_86, %lt3A : i32
      %convert_element_type3A = arith.extui %lt3A_87 : i1 to i32
      %cond3A = arith.constant 0 : i32
      %cond3A_88 = arith.cmpi ne, %convert_element_type3A, %cond3A : i32
      scf.if %cond3A_88 {
        %add3A_92 = arith.constant 2 : i32
        %add3A_93 = arith.addi %mul3A_47, %add3A_92 : i32
        %dma_start3A_94 = arith.constant 0 : i32
        %dma_start3A_95 = arith.constant 0 : i32
        %dma_start3A_96 = arith.constant 0 : i32
        %dma_start3A_97 = tpu.memref_slice %arg9[%dma_start3A_94, %dma_start3A_95, %dma_start3A_96] : memref<2x125x128xf32, #tpu.memory_space<vmem>> -> memref<1x125x128xf32, #tpu.memory_space<vmem>>
        %dma_start3A_98 = tpu.memref_squeeze %dma_start3A_97 : memref<1x125x128xf32, #tpu.memory_space<vmem>> -> memref<125x128xf32, #tpu.memory_space<vmem>>
        %dma_start3A_99 = arith.constant 0 : i32
        %dma_start3A_100 = tpu.memref_slice %arg7[%add3A_93, %dma_start3A_99] : memref<40x125xi32, #tpu.memory_space<vmem>> -> memref<1x125xi32, #tpu.memory_space<vmem>>
        %dma_start3A_101 = tpu.memref_squeeze %dma_start3A_100 : memref<1x125xi32, #tpu.memory_space<vmem>> -> memref<125xi32, #tpu.memory_space<vmem>>
        %dma_start3A_102 = arith.constant 0 : i32
        %dma_start3A_103 = arith.constant 0 : i32
        %dma_start3A_104 = tpu.memref_slice %arg2[%dma_start3A_102, %dma_start3A_103] : memref<10000x128xf32, #tpu.memory_space<hbm>> -> memref<10000x128xf32, #tpu.memory_space<hbm>>
        tpu.enqueue_indirect_dma source(%dma_start3A_104 : memref<10000x128xf32, #tpu.memory_space<hbm>>) target(%dma_start3A_98 : memref<125x128xf32, #tpu.memory_space<vmem>>) offsets(%dma_start3A_101 : memref<125xi32, #tpu.memory_space<vmem>>) semaphore(%arg11 : memref<!tpu.dma_semaphore, #tpu.memory_space<semaphore_mem>>)
      } else {
      }
      %add3A_89 = arith.constant 1 : i32
      %add3A_90 = arith.addi %mul3A_47, %add3A_89 : i32
      %run_scoped3A_91 = arith.constant 1 : i32
      "tpu.region"() ({
        %run_scoped3A_92 = tpu.sem_alloc : memref<!tpu.dma_semaphore, #tpu.memory_space<semaphore_mem>>
        %dma_start3A_93 = arith.constant 0 : i32
        %dma_start3A_94 = arith.constant 0 : i32
        %dma_start3A_95 = tpu.memref_slice %arg9[%run_scoped3A_91, %dma_start3A_93, %dma_start3A_94] : memref<2x125x128xf32, #tpu.memory_space<vmem>> -> memref<1x125x128xf32, #tpu.memory_space<vmem>>
        %dma_start3A_96 = tpu.memref_squeeze %dma_start3A_95 : memref<1x125x128xf32, #tpu.memory_space<vmem>> -> memref<125x128xf32, #tpu.memory_space<vmem>>
        %dma_start3A_97 = arith.constant 0 : i32
        %dma_start3A_98 = tpu.memref_slice %arg8[%add3A_90, %dma_start3A_97] : memref<40x125xi32, #tpu.memory_space<vmem>> -> memref<1x125xi32, #tpu.memory_space<vmem>>
        %dma_start3A_99 = tpu.memref_squeeze %dma_start3A_98 : memref<1x125xi32, #tpu.memory_space<vmem>> -> memref<125xi32, #tpu.memory_space<vmem>>
        %dma_start3A_100 = arith.constant 0 : i32
        %dma_start3A_101 = arith.constant 0 : i32
        %dma_start3A_102 = tpu.memref_slice %arg10[%dma_start3A_100, %dma_start3A_101] : memref<10240x128xf32, #tpu.memory_space<vmem_shared>> -> memref<10240x128xf32, #tpu.memory_space<vmem_shared>>
        tpu.enqueue_indirect_dma source(%dma_start3A_96 : memref<125x128xf32, #tpu.memory_space<vmem>>) target(%dma_start3A_102 : memref<10240x128xf32, #tpu.memory_space<vmem_shared>>) offsets(%dma_start3A_99 : memref<125xi32, #tpu.memory_space<vmem>>) semaphore(%run_scoped3A_92 : memref<!tpu.dma_semaphore, #tpu.memory_space<semaphore_mem>>) {add = true}
        %dma_wait3A_103 = arith.constant 0 : i32
        %dma_wait3A_104 = arith.constant 0 : i32
        %dma_wait3A_105 = tpu.memref_slice %arg9[%run_scoped3A_91, %dma_wait3A_103, %dma_wait3A_104] : memref<2x125x128xf32, #tpu.memory_space<vmem>> -> memref<1x125x128xf32, #tpu.memory_space<vmem>>
        %dma_wait3A_106 = tpu.memref_squeeze %dma_wait3A_105 : memref<1x125x128xf32, #tpu.memory_space<vmem>> -> memref<125x128xf32, #tpu.memory_space<vmem>>
        %dma_wait3A_107 = arith.constant 0 : i32
        %dma_wait3A_108 = tpu.memref_slice %arg8[%add3A_90, %dma_wait3A_107] : memref<40x125xi32, #tpu.memory_space<vmem>> -> memref<1x125xi32, #tpu.memory_space<vmem>>
        %dma_wait3A_109 = tpu.memref_squeeze %dma_wait3A_108 : memref<1x125xi32, #tpu.memory_space<vmem>> -> memref<125xi32, #tpu.memory_space<vmem>>
        %dma_wait3A_110 = arith.constant 0 : i32
        %dma_wait3A_111 = arith.constant 0 : i32
        %dma_wait3A_112 = tpu.memref_slice %arg10[%dma_wait3A_110, %dma_wait3A_111] : memref<10240x128xf32, #tpu.memory_space<vmem_shared>> -> memref<10240x128xf32, #tpu.memory_space<vmem_shared>>
        tpu.wait_indirect_dma semaphore(%run_scoped3A_92 : memref<!tpu.dma_semaphore, #tpu.memory_space<semaphore_mem>>) src(%dma_wait3A_106 : memref<125x128xf32, #tpu.memory_space<vmem>>) dst(%dma_wait3A_112 : memref<10240x128xf32, #tpu.memory_space<vmem_shared>>)
        tpu.yield
      }) : () -> ()
    }
    %scan3A_19 = arith.constant 20 : i32
    %run_scoped3A_20 = arith.constant 1 : i32
    "tpu.region"() ({
      %run_scoped3A_45 = tpu.sem_alloc : memref<!tpu.dma_semaphore, #tpu.memory_space<semaphore_mem>>
      %dma_start3A_46 = arith.constant 0 : i32
      %dma_start3A_47 = arith.constant 0 : i32
      %dma_start3A_48 = tpu.memref_slice %arg3[%add3A, %run_scoped3A_20, %dma_start3A_46, %dma_start3A_47] : memref<32x2x40x125xi32, #tpu.memory_space<hbm>> -> memref<1x1x40x125xi32, #tpu.memory_space<hbm>>
      %dma_start3A_49 = tpu.memref_squeeze %dma_start3A_48 : memref<1x1x40x125xi32, #tpu.memory_space<hbm>> -> memref<40x125xi32, #tpu.memory_space<hbm>>
      %dma_start3A_50 = arith.constant 0 : i32
      %dma_start3A_51 = arith.constant 0 : i32
      %dma_start3A_52 = tpu.memref_slice %arg3[%add3A, %run_scoped3A_20, %dma_start3A_50, %dma_start3A_51] : memref<32x2x40x125xi32, #tpu.memory_space<hbm>> -> memref<1x1x40x125xi32, #tpu.memory_space<hbm>>
      %dma_start3A_53 = tpu.memref_squeeze %dma_start3A_52 : memref<1x1x40x125xi32, #tpu.memory_space<hbm>> -> memref<40x125xi32, #tpu.memory_space<hbm>>
      tpu.enqueue_dma source(%dma_start3A_53 : memref<40x125xi32, #tpu.memory_space<hbm>>) target(%arg7 : memref<40x125xi32, #tpu.memory_space<vmem>>) target_semaphore(%run_scoped3A_45 : memref<!tpu.dma_semaphore, #tpu.memory_space<semaphore_mem>>)
      %dma_wait3A = arith.constant 0 : i32
      %dma_wait3A_54 = arith.constant 0 : i32
      %dma_wait3A_55 = tpu.memref_slice %arg3[%add3A, %run_scoped3A_20, %dma_wait3A, %dma_wait3A_54] : memref<32x2x40x125xi32, #tpu.memory_space<hbm>> -> memref<1x1x40x125xi32, #tpu.memory_space<hbm>>
      %dma_wait3A_56 = tpu.memref_squeeze %dma_wait3A_55 : memref<1x1x40x125xi32, #tpu.memory_space<hbm>> -> memref<40x125xi32, #tpu.memory_space<hbm>>
      %dma_wait3A_57 = arith.constant 0 : i32
      %dma_wait3A_58 = arith.constant 0 : i32
      %dma_wait3A_59 = tpu.memref_slice %arg3[%add3A, %run_scoped3A_20, %dma_wait3A_57, %dma_wait3A_58] : memref<32x2x40x125xi32, #tpu.memory_space<hbm>> -> memref<1x1x40x125xi32, #tpu.memory_space<hbm>>
      %dma_wait3A_60 = tpu.memref_squeeze %dma_wait3A_59 : memref<1x1x40x125xi32, #tpu.memory_space<hbm>> -> memref<40x125xi32, #tpu.memory_space<hbm>>
      tpu.wait_dma2 semaphore(%run_scoped3A_45 : memref<!tpu.dma_semaphore, #tpu.memory_space<semaphore_mem>>) src(%dma_wait3A_60 : memref<40x125xi32, #tpu.memory_space<hbm>>) dst(%arg7 : memref<40x125xi32, #tpu.memory_space<vmem>>)
      tpu.yield
    }) : () -> ()
    %run_scoped3A_21 = arith.constant 1 : i32
    "tpu.region"() ({
      %run_scoped3A_45 = tpu.sem_alloc : memref<!tpu.dma_semaphore, #tpu.memory_space<semaphore_mem>>
      %dma_start3A_46 = arith.constant 0 : i32
      %dma_start3A_47 = arith.constant 0 : i32
      %dma_start3A_48 = tpu.memref_slice %arg4[%add3A, %run_scoped3A_21, %dma_start3A_46, %dma_start3A_47] : memref<32x2x40x125xi32, #tpu.memory_space<hbm>> -> memref<1x1x40x125xi32, #tpu.memory_space<hbm>>
      %dma_start3A_49 = tpu.memref_squeeze %dma_start3A_48 : memref<1x1x40x125xi32, #tpu.memory_space<hbm>> -> memref<40x125xi32, #tpu.memory_space<hbm>>
      %dma_start3A_50 = arith.constant 0 : i32
      %dma_start3A_51 = arith.constant 0 : i32
      %dma_start3A_52 = tpu.memref_slice %arg4[%add3A, %run_scoped3A_21, %dma_start3A_50, %dma_start3A_51] : memref<32x2x40x125xi32, #tpu.memory_space<hbm>> -> memref<1x1x40x125xi32, #tpu.memory_space<hbm>>
      %dma_start3A_53 = tpu.memref_squeeze %dma_start3A_52 : memref<1x1x40x125xi32, #tpu.memory_space<hbm>> -> memref<40x125xi32, #tpu.memory_space<hbm>>
      tpu.enqueue_dma source(%dma_start3A_53 : memref<40x125xi32, #tpu.memory_space<hbm>>) target(%arg8 : memref<40x125xi32, #tpu.memory_space<vmem>>) target_semaphore(%run_scoped3A_45 : memref<!tpu.dma_semaphore, #tpu.memory_space<semaphore_mem>>)
      %dma_wait3A = arith.constant 0 : i32
      %dma_wait3A_54 = arith.constant 0 : i32
      %dma_wait3A_55 = tpu.memref_slice %arg4[%add3A, %run_scoped3A_21, %dma_wait3A, %dma_wait3A_54] : memref<32x2x40x125xi32, #tpu.memory_space<hbm>> -> memref<1x1x40x125xi32, #tpu.memory_space<hbm>>
      %dma_wait3A_56 = tpu.memref_squeeze %dma_wait3A_55 : memref<1x1x40x125xi32, #tpu.memory_space<hbm>> -> memref<40x125xi32, #tpu.memory_space<hbm>>
      %dma_wait3A_57 = arith.constant 0 : i32
      %dma_wait3A_58 = arith.constant 0 : i32
      %dma_wait3A_59 = tpu.memref_slice %arg4[%add3A, %run_scoped3A_21, %dma_wait3A_57, %dma_wait3A_58] : memref<32x2x40x125xi32, #tpu.memory_space<hbm>> -> memref<1x1x40x125xi32, #tpu.memory_space<hbm>>
      %dma_wait3A_60 = tpu.memref_squeeze %dma_wait3A_59 : memref<1x1x40x125xi32, #tpu.memory_space<hbm>> -> memref<40x125xi32, #tpu.memory_space<hbm>>
      tpu.wait_dma2 semaphore(%run_scoped3A_45 : memref<!tpu.dma_semaphore, #tpu.memory_space<semaphore_mem>>) src(%dma_wait3A_60 : memref<40x125xi32, #tpu.memory_space<hbm>>) dst(%arg8 : memref<40x125xi32, #tpu.memory_space<vmem>>)
      tpu.yield
    }) : () -> ()
    %dma_start3A_22 = arith.constant 0 : i32
    %dma_start3A_23 = arith.constant 0 : i32
    %dma_start3A_24 = arith.constant 0 : i32
    %dma_start3A_25 = arith.constant 0 : i32
    %dma_start3A_26 = tpu.memref_slice %arg9[%dma_start3A_23, %dma_start3A_24, %dma_start3A_25] : memref<2x125x128xf32, #tpu.memory_space<vmem>> -> memref<1x125x128xf32, #tpu.memory_space<vmem>>
    %dma_start3A_27 = tpu.memref_squeeze %dma_start3A_26 : memref<1x125x128xf32, #tpu.memory_space<vmem>> -> memref<125x128xf32, #tpu.memory_space<vmem>>
    %dma_start3A_28 = arith.constant 0 : i32
    %dma_start3A_29 = tpu.memref_slice %arg7[%dma_start3A_22, %dma_start3A_28] : memref<40x125xi32, #tpu.memory_space<vmem>> -> memref<1x125xi32, #tpu.memory_space<vmem>>
    %dma_start3A_30 = tpu.memref_squeeze %dma_start3A_29 : memref<1x125xi32, #tpu.memory_space<vmem>> -> memref<125xi32, #tpu.memory_space<vmem>>
    %dma_start3A_31 = arith.constant 0 : i32
    %dma_start3A_32 = arith.constant 0 : i32
    %dma_start3A_33 = tpu.memref_slice %arg2[%dma_start3A_31, %dma_start3A_32] : memref<10000x128xf32, #tpu.memory_space<hbm>> -> memref<10000x128xf32, #tpu.memory_space<hbm>>
    tpu.enqueue_indirect_dma source(%dma_start3A_33 : memref<10000x128xf32, #tpu.memory_space<hbm>>) target(%dma_start3A_27 : memref<125x128xf32, #tpu.memory_space<vmem>>) offsets(%dma_start3A_30 : memref<125xi32, #tpu.memory_space<vmem>>) semaphore(%arg11 : memref<!tpu.dma_semaphore, #tpu.memory_space<semaphore_mem>>)
    %scan3A_34 = arith.constant 0 : i32
    %scan3A_35 = arith.constant 0 : i32
    %scan3A_36 = arith.constant 20 : i32
    %scan3A_37 = arith.addi %scan3A_35, %scan3A_36 : i32
    %scan3A_38 = arith.constant 1 : i32
    scf.for %scan3A_45 = %scan3A_35 to %scan3A_37 step %scan3A_38  : i32 {
      %mul3A_46 = arith.constant 2 : i32
      %mul3A_47 = arith.muli %mul3A_46, %scan3A_45 : i32
      %dma_wait3A = arith.constant 0 : i32
      %dma_wait3A_48 = arith.constant 0 : i32
      %dma_wait3A_49 = arith.constant 0 : i32
      %dma_wait3A_50 = tpu.memref_slice %arg9[%dma_wait3A, %dma_wait3A_48, %dma_wait3A_49] : memref<2x125x128xf32, #tpu.memory_space<vmem>> -> memref<1x125x128xf32, #tpu.memory_space<vmem>>
      %dma_wait3A_51 = tpu.memref_squeeze %dma_wait3A_50 : memref<1x125x128xf32, #tpu.memory_space<vmem>> -> memref<125x128xf32, #tpu.memory_space<vmem>>
      %dma_wait3A_52 = arith.constant 0 : i32
      %dma_wait3A_53 = tpu.memref_slice %arg7[%mul3A_47, %dma_wait3A_52] : memref<40x125xi32, #tpu.memory_space<vmem>> -> memref<1x125xi32, #tpu.memory_space<vmem>>
      %dma_wait3A_54 = tpu.memref_squeeze %dma_wait3A_53 : memref<1x125xi32, #tpu.memory_space<vmem>> -> memref<125xi32, #tpu.memory_space<vmem>>
      %dma_wait3A_55 = arith.constant 0 : i32
      %dma_wait3A_56 = arith.constant 0 : i32
      %dma_wait3A_57 = tpu.memref_slice %arg2[%dma_wait3A_55, %dma_wait3A_56] : memref<10000x128xf32, #tpu.memory_space<hbm>> -> memref<10000x128xf32, #tpu.memory_space<hbm>>
      tpu.wait_indirect_dma semaphore(%arg11 : memref<!tpu.dma_semaphore, #tpu.memory_space<semaphore_mem>>) src(%dma_wait3A_57 : memref<10000x128xf32, #tpu.memory_space<hbm>>) dst(%dma_wait3A_51 : memref<125x128xf32, #tpu.memory_space<vmem>>)
      %add3A_58 = arith.constant 1 : i32
      %add3A_59 = arith.addi %mul3A_47, %add3A_58 : i32
      %dma_start3A_60 = arith.constant 1 : i32
      %dma_start3A_61 = arith.constant 0 : i32
      %dma_start3A_62 = arith.constant 0 : i32
      %dma_start3A_63 = tpu.memref_slice %arg9[%dma_start3A_60, %dma_start3A_61, %dma_start3A_62] : memref<2x125x128xf32, #tpu.memory_space<vmem>> -> memref<1x125x128xf32, #tpu.memory_space<vmem>>
      %dma_start3A_64 = tpu.memref_squeeze %dma_start3A_63 : memref<1x125x128xf32, #tpu.memory_space<vmem>> -> memref<125x128xf32, #tpu.memory_space<vmem>>
      %dma_start3A_65 = arith.constant 0 : i32
      %dma_start3A_66 = tpu.memref_slice %arg7[%add3A_59, %dma_start3A_65] : memref<40x125xi32, #tpu.memory_space<vmem>> -> memref<1x125xi32, #tpu.memory_space<vmem>>
      %dma_start3A_67 = tpu.memref_squeeze %dma_start3A_66 : memref<1x125xi32, #tpu.memory_space<vmem>> -> memref<125xi32, #tpu.memory_space<vmem>>
      %dma_start3A_68 = arith.constant 0 : i32
      %dma_start3A_69 = arith.constant 0 : i32
      %dma_start3A_70 = tpu.memref_slice %arg2[%dma_start3A_68, %dma_start3A_69] : memref<10000x128xf32, #tpu.memory_space<hbm>> -> memref<10000x128xf32, #tpu.memory_space<hbm>>
      tpu.enqueue_indirect_dma source(%dma_start3A_70 : memref<10000x128xf32, #tpu.memory_space<hbm>>) target(%dma_start3A_64 : memref<125x128xf32, #tpu.memory_space<vmem>>) offsets(%dma_start3A_67 : memref<125xi32, #tpu.memory_space<vmem>>) semaphore(%arg11 : memref<!tpu.dma_semaphore, #tpu.memory_space<semaphore_mem>>)
      %run_scoped3A_71 = arith.constant 0 : i32
      "tpu.region"() ({
        %run_scoped3A_92 = tpu.sem_alloc : memref<!tpu.dma_semaphore, #tpu.memory_space<semaphore_mem>>
        %dma_start3A_93 = arith.constant 0 : i32
        %dma_start3A_94 = arith.constant 0 : i32
        %dma_start3A_95 = tpu.memref_slice %arg9[%run_scoped3A_71, %dma_start3A_93, %dma_start3A_94] : memref<2x125x128xf32, #tpu.memory_space<vmem>> -> memref<1x125x128xf32, #tpu.memory_space<vmem>>
        %dma_start3A_96 = tpu.memref_squeeze %dma_start3A_95 : memref<1x125x128xf32, #tpu.memory_space<vmem>> -> memref<125x128xf32, #tpu.memory_space<vmem>>
        %dma_start3A_97 = arith.constant 0 : i32
        %dma_start3A_98 = tpu.memref_slice %arg8[%mul3A_47, %dma_start3A_97] : memref<40x125xi32, #tpu.memory_space<vmem>> -> memref<1x125xi32, #tpu.memory_space<vmem>>
        %dma_start3A_99 = tpu.memref_squeeze %dma_start3A_98 : memref<1x125xi32, #tpu.memory_space<vmem>> -> memref<125xi32, #tpu.memory_space<vmem>>
        %dma_start3A_100 = arith.constant 0 : i32
        %dma_start3A_101 = arith.constant 0 : i32
        %dma_start3A_102 = tpu.memref_slice %arg10[%dma_start3A_100, %dma_start3A_101] : memref<10240x128xf32, #tpu.memory_space<vmem_shared>> -> memref<10240x128xf32, #tpu.memory_space<vmem_shared>>
        tpu.enqueue_indirect_dma source(%dma_start3A_96 : memref<125x128xf32, #tpu.memory_space<vmem>>) target(%dma_start3A_102 : memref<10240x128xf32, #tpu.memory_space<vmem_shared>>) offsets(%dma_start3A_99 : memref<125xi32, #tpu.memory_space<vmem>>) semaphore(%run_scoped3A_92 : memref<!tpu.dma_semaphore, #tpu.memory_space<semaphore_mem>>) {add = true}
        %dma_wait3A_103 = arith.constant 0 : i32
        %dma_wait3A_104 = arith.constant 0 : i32
        %dma_wait3A_105 = tpu.memref_slice %arg9[%run_scoped3A_71, %dma_wait3A_103, %dma_wait3A_104] : memref<2x125x128xf32, #tpu.memory_space<vmem>> -> memref<1x125x128xf32, #tpu.memory_space<vmem>>
        %dma_wait3A_106 = tpu.memref_squeeze %dma_wait3A_105 : memref<1x125x128xf32, #tpu.memory_space<vmem>> -> memref<125x128xf32, #tpu.memory_space<vmem>>
        %dma_wait3A_107 = arith.constant 0 : i32
        %dma_wait3A_108 = tpu.memref_slice %arg8[%mul3A_47, %dma_wait3A_107] : memref<40x125xi32, #tpu.memory_space<vmem>> -> memref<1x125xi32, #tpu.memory_space<vmem>>
        %dma_wait3A_109 = tpu.memref_squeeze %dma_wait3A_108 : memref<1x125xi32, #tpu.memory_space<vmem>> -> memref<125xi32, #tpu.memory_space<vmem>>
        %dma_wait3A_110 = arith.constant 0 : i32
        %dma_wait3A_111 = arith.constant 0 : i32
        %dma_wait3A_112 = tpu.memref_slice %arg10[%dma_wait3A_110, %dma_wait3A_111] : memref<10240x128xf32, #tpu.memory_space<vmem_shared>> -> memref<10240x128xf32, #tpu.memory_space<vmem_shared>>
        tpu.wait_indirect_dma semaphore(%run_scoped3A_92 : memref<!tpu.dma_semaphore, #tpu.memory_space<semaphore_mem>>) src(%dma_wait3A_106 : memref<125x128xf32, #tpu.memory_space<vmem>>) dst(%dma_wait3A_112 : memref<10240x128xf32, #tpu.memory_space<vmem_shared>>)
        tpu.yield
      }) : () -> ()
      %add3A_72 = arith.constant 1 : i32
      %add3A_73 = arith.addi %mul3A_47, %add3A_72 : i32
      %dma_wait3A_74 = arith.constant 1 : i32
      %dma_wait3A_75 = arith.constant 0 : i32
      %dma_wait3A_76 = arith.constant 0 : i32
      %dma_wait3A_77 = tpu.memref_slice %arg9[%dma_wait3A_74, %dma_wait3A_75, %dma_wait3A_76] : memref<2x125x128xf32, #tpu.memory_space<vmem>> -> memref<1x125x128xf32, #tpu.memory_space<vmem>>
      %dma_wait3A_78 = tpu.memref_squeeze %dma_wait3A_77 : memref<1x125x128xf32, #tpu.memory_space<vmem>> -> memref<125x128xf32, #tpu.memory_space<vmem>>
      %dma_wait3A_79 = arith.constant 0 : i32
      %dma_wait3A_80 = tpu.memref_slice %arg7[%add3A_73, %dma_wait3A_79] : memref<40x125xi32, #tpu.memory_space<vmem>> -> memref<1x125xi32, #tpu.memory_space<vmem>>
      %dma_wait3A_81 = tpu.memref_squeeze %dma_wait3A_80 : memref<1x125xi32, #tpu.memory_space<vmem>> -> memref<125xi32, #tpu.memory_space<vmem>>
      %dma_wait3A_82 = arith.constant 0 : i32
      %dma_wait3A_83 = arith.constant 0 : i32
      %dma_wait3A_84 = tpu.memref_slice %arg2[%dma_wait3A_82, %dma_wait3A_83] : memref<10000x128xf32, #tpu.memory_space<hbm>> -> memref<10000x128xf32, #tpu.memory_space<hbm>>
      tpu.wait_indirect_dma semaphore(%arg11 : memref<!tpu.dma_semaphore, #tpu.memory_space<semaphore_mem>>) src(%dma_wait3A_84 : memref<10000x128xf32, #tpu.memory_space<hbm>>) dst(%dma_wait3A_78 : memref<125x128xf32, #tpu.memory_space<vmem>>)
      %add3A_85 = arith.constant 1 : i32
      %add3A_86 = arith.addi %scan3A_45, %add3A_85 : i32
      %lt3A = arith.constant 20 : i32
      %lt3A_87 = arith.cmpi slt, %add3A_86, %lt3A : i32
      %convert_element_type3A = arith.extui %lt3A_87 : i1 to i32
      %cond3A = arith.constant 0 : i32
      %cond3A_88 = arith.cmpi ne, %convert_element_type3A, %cond3A : i32
      scf.if %cond3A_88 {
        %add3A_92 = arith.constant 2 : i32
        %add3A_93 = arith.addi %mul3A_47, %add3A_92 : i32
        %dma_start3A_94 = arith.constant 0 : i32
        %dma_start3A_95 = arith.constant 0 : i32
        %dma_start3A_96 = arith.constant 0 : i32
        %dma_start3A_97 = tpu.memref_slice %arg9[%dma_start3A_94, %dma_start3A_95, %dma_start3A_96] : memref<2x125x128xf32, #tpu.memory_space<vmem>> -> memref<1x125x128xf32, #tpu.memory_space<vmem>>
        %dma_start3A_98 = tpu.memref_squeeze %dma_start3A_97 : memref<1x125x128xf32, #tpu.memory_space<vmem>> -> memref<125x128xf32, #tpu.memory_space<vmem>>
        %dma_start3A_99 = arith.constant 0 : i32
        %dma_start3A_100 = tpu.memref_slice %arg7[%add3A_93, %dma_start3A_99] : memref<40x125xi32, #tpu.memory_space<vmem>> -> memref<1x125xi32, #tpu.memory_space<vmem>>
        %dma_start3A_101 = tpu.memref_squeeze %dma_start3A_100 : memref<1x125xi32, #tpu.memory_space<vmem>> -> memref<125xi32, #tpu.memory_space<vmem>>
        %dma_start3A_102 = arith.constant 0 : i32
        %dma_start3A_103 = arith.constant 0 : i32
        %dma_start3A_104 = tpu.memref_slice %arg2[%dma_start3A_102, %dma_start3A_103] : memref<10000x128xf32, #tpu.memory_space<hbm>> -> memref<10000x128xf32, #tpu.memory_space<hbm>>
        tpu.enqueue_indirect_dma source(%dma_start3A_104 : memref<10000x128xf32, #tpu.memory_space<hbm>>) target(%dma_start3A_98 : memref<125x128xf32, #tpu.memory_space<vmem>>) offsets(%dma_start3A_101 : memref<125xi32, #tpu.memory_space<vmem>>) semaphore(%arg11 : memref<!tpu.dma_semaphore, #tpu.memory_space<semaphore_mem>>)
      } else {
      }
      %add3A_89 = arith.constant 1 : i32
      %add3A_90 = arith.addi %mul3A_47, %add3A_89 : i32
      %run_scoped3A_91 = arith.constant 1 : i32
      "tpu.region"() ({
        %run_scoped3A_92 = tpu.sem_alloc : memref<!tpu.dma_semaphore, #tpu.memory_space<semaphore_mem>>
        %dma_start3A_93 = arith.constant 0 : i32
        %dma_start3A_94 = arith.constant 0 : i32
        %dma_start3A_95 = tpu.memref_slice %arg9[%run_scoped3A_91, %dma_start3A_93, %dma_start3A_94] : memref<2x125x128xf32, #tpu.memory_space<vmem>> -> memref<1x125x128xf32, #tpu.memory_space<vmem>>
        %dma_start3A_96 = tpu.memref_squeeze %dma_start3A_95 : memref<1x125x128xf32, #tpu.memory_space<vmem>> -> memref<125x128xf32, #tpu.memory_space<vmem>>
        %dma_start3A_97 = arith.constant 0 : i32
        %dma_start3A_98 = tpu.memref_slice %arg8[%add3A_90, %dma_start3A_97] : memref<40x125xi32, #tpu.memory_space<vmem>> -> memref<1x125xi32, #tpu.memory_space<vmem>>
        %dma_start3A_99 = tpu.memref_squeeze %dma_start3A_98 : memref<1x125xi32, #tpu.memory_space<vmem>> -> memref<125xi32, #tpu.memory_space<vmem>>
        %dma_start3A_100 = arith.constant 0 : i32
        %dma_start3A_101 = arith.constant 0 : i32
        %dma_start3A_102 = tpu.memref_slice %arg10[%dma_start3A_100, %dma_start3A_101] : memref<10240x128xf32, #tpu.memory_space<vmem_shared>> -> memref<10240x128xf32, #tpu.memory_space<vmem_shared>>
        tpu.enqueue_indirect_dma source(%dma_start3A_96 : memref<125x128xf32, #tpu.memory_space<vmem>>) target(%dma_start3A_102 : memref<10240x128xf32, #tpu.memory_space<vmem_shared>>) offsets(%dma_start3A_99 : memref<125xi32, #tpu.memory_space<vmem>>) semaphore(%run_scoped3A_92 : memref<!tpu.dma_semaphore, #tpu.memory_space<semaphore_mem>>) {add = true}
        %dma_wait3A_103 = arith.constant 0 : i32
        %dma_wait3A_104 = arith.constant 0 : i32
        %dma_wait3A_105 = tpu.memref_slice %arg9[%run_scoped3A_91, %dma_wait3A_103, %dma_wait3A_104] : memref<2x125x128xf32, #tpu.memory_space<vmem>> -> memref<1x125x128xf32, #tpu.memory_space<vmem>>
        %dma_wait3A_106 = tpu.memref_squeeze %dma_wait3A_105 : memref<1x125x128xf32, #tpu.memory_space<vmem>> -> memref<125x128xf32, #tpu.memory_space<vmem>>
        %dma_wait3A_107 = arith.constant 0 : i32
        %dma_wait3A_108 = tpu.memref_slice %arg8[%add3A_90, %dma_wait3A_107] : memref<40x125xi32, #tpu.memory_space<vmem>> -> memref<1x125xi32, #tpu.memory_space<vmem>>
        %dma_wait3A_109 = tpu.memref_squeeze %dma_wait3A_108 : memref<1x125xi32, #tpu.memory_space<vmem>> -> memref<125xi32, #tpu.memory_space<vmem>>
        %dma_wait3A_110 = arith.constant 0 : i32
        %dma_wait3A_111 = arith.constant 0 : i32
        %dma_wait3A_112 = tpu.memref_slice %arg10[%dma_wait3A_110, %dma_wait3A_111] : memref<10240x128xf32, #tpu.memory_space<vmem_shared>> -> memref<10240x128xf32, #tpu.memory_space<vmem_shared>>
        tpu.wait_indirect_dma semaphore(%run_scoped3A_92 : memref<!tpu.dma_semaphore, #tpu.memory_space<semaphore_mem>>) src(%dma_wait3A_106 : memref<125x128xf32, #tpu.memory_space<vmem>>) dst(%dma_wait3A_112 : memref<10240x128xf32, #tpu.memory_space<vmem_shared>>)
        tpu.yield
      }) : () -> ()
    }
    %scan3A_39 = arith.constant 20 : i32
    %barrier3A_40 = arith.constant 0 : index
    tpu.barrier barrier_id(%barrier3A_40)
    %mul3A_41 = arith.constant 640 : i32
    %mul3A_42 = arith.muli %arg1, %mul3A_41 : i32
    %mul3A_43 = arith.constant 640 : i32
    %mul3A_44 = arith.muli %arg1, %mul3A_43 : i32
    "tpu.region"() ({
      %run_scoped3A_45 = tpu.sem_alloc : memref<!tpu.dma_semaphore, #tpu.memory_space<semaphore_mem>>
      %dma_start3A_46 = arith.constant 0 : i32
      %dma_start3A_47 = tpu.memref_slice %arg6[%arg0, %mul3A_44, %dma_start3A_46] : memref<2x10240x128xf32, #tpu.memory_space<hbm>> -> memref<1x640x128xf32, #tpu.memory_space<hbm>>
      %dma_start3A_48 = tpu.memref_squeeze %dma_start3A_47 : memref<1x640x128xf32, #tpu.memory_space<hbm>> -> memref<640x128xf32, #tpu.memory_space<hbm>>
      %dma_start3A_49 = arith.constant 0 : i32
      %dma_start3A_50 = tpu.memref_slice %arg10[%mul3A_42, %dma_start3A_49] : memref<10240x128xf32, #tpu.memory_space<vmem_shared>> -> memref<640x128xf32, #tpu.memory_space<vmem_shared>>
      tpu.enqueue_dma source(%dma_start3A_50 : memref<640x128xf32, #tpu.memory_space<vmem_shared>>) target(%dma_start3A_48 : memref<640x128xf32, #tpu.memory_space<hbm>>) target_semaphore(%run_scoped3A_45 : memref<!tpu.dma_semaphore, #tpu.memory_space<semaphore_mem>>)
      %dma_wait3A = arith.constant 0 : i32
      %dma_wait3A_51 = tpu.memref_slice %arg6[%arg0, %mul3A_44, %dma_wait3A] : memref<2x10240x128xf32, #tpu.memory_space<hbm>> -> memref<1x640x128xf32, #tpu.memory_space<hbm>>
      %dma_wait3A_52 = tpu.memref_squeeze %dma_wait3A_51 : memref<1x640x128xf32, #tpu.memory_space<hbm>> -> memref<640x128xf32, #tpu.memory_space<hbm>>
      %dma_wait3A_53 = arith.constant 0 : i32
      %dma_wait3A_54 = tpu.memref_slice %arg10[%mul3A_42, %dma_wait3A_53] : memref<10240x128xf32, #tpu.memory_space<vmem_shared>> -> memref<640x128xf32, #tpu.memory_space<vmem_shared>>
      tpu.wait_dma2 semaphore(%run_scoped3A_45 : memref<!tpu.dma_semaphore, #tpu.memory_space<semaphore_mem>>) src(%dma_wait3A_54 : memref<640x128xf32, #tpu.memory_space<vmem_shared>>) dst(%dma_wait3A_52 : memref<640x128xf32, #tpu.memory_space<hbm>>)
      tpu.yield
    }) : () -> ()
    return
  }
}

#map = affine_map<(d0, d1) -> (0, 0, 0)>
#map1 = affine_map<(d0, d1) -> (0, 0)>
module attributes {stable_mosaic.version = 14 : i64} {
  func.func @_deg_body(%arg0: i32, %arg1: i32, %arg2: memref<32x625x16xi32, #tpu.memory_space<hbm>>, %arg3: memref<32x10000xf32, #tpu.memory_space<hbm>>, %arg4: memref<625x16xi32, #tpu.memory_space<vmem>>, %arg5: memref<10000xf32, #tpu.memory_space<vmem>>) attributes {dimension_semantics = [#tpu.dimension_semantics<core_parallel>, #tpu.dimension_semantics<subcore_parallel>], iteration_bounds = array<i64: 2, 16>, scalar_prefetch = 0 : i64, scratch_operands = 2 : i64, tpu.core_type = #tpu.core_type<sc_vector_subcore>, window_params = [{transform_indices = #map}, {transform_indices = #map1}]} {
    %mul3A = arith.constant 2 : i32
    %mul3A_0 = arith.muli %arg1, %mul3A : i32
    %add3A = arith.addi %mul3A_0, %arg0 : i32
    "tpu.region"() ({
      %run_scoped3A = tpu.sem_alloc : memref<!tpu.dma_semaphore, #tpu.memory_space<semaphore_mem>>
      %dma_start3A = arith.constant 0 : i32
      %dma_start3A_15 = arith.constant 0 : i32
      %dma_start3A_16 = tpu.memref_slice %arg2[%add3A, %dma_start3A, %dma_start3A_15] : memref<32x625x16xi32, #tpu.memory_space<hbm>> -> memref<1x625x16xi32, #tpu.memory_space<hbm>>
      %dma_start3A_17 = tpu.memref_squeeze %dma_start3A_16 : memref<1x625x16xi32, #tpu.memory_space<hbm>> -> memref<625x16xi32, #tpu.memory_space<hbm>>
      %dma_start3A_18 = arith.constant 0 : i32
      %dma_start3A_19 = arith.constant 0 : i32
      %dma_start3A_20 = tpu.memref_slice %arg2[%add3A, %dma_start3A_18, %dma_start3A_19] : memref<32x625x16xi32, #tpu.memory_space<hbm>> -> memref<1x625x16xi32, #tpu.memory_space<hbm>>
      %dma_start3A_21 = tpu.memref_squeeze %dma_start3A_20 : memref<1x625x16xi32, #tpu.memory_space<hbm>> -> memref<625x16xi32, #tpu.memory_space<hbm>>
      tpu.enqueue_dma source(%dma_start3A_21 : memref<625x16xi32, #tpu.memory_space<hbm>>) target(%arg4 : memref<625x16xi32, #tpu.memory_space<vmem>>) target_semaphore(%run_scoped3A : memref<!tpu.dma_semaphore, #tpu.memory_space<semaphore_mem>>)
      %dma_wait3A = arith.constant 0 : i32
      %dma_wait3A_22 = arith.constant 0 : i32
      %dma_wait3A_23 = tpu.memref_slice %arg2[%add3A, %dma_wait3A, %dma_wait3A_22] : memref<32x625x16xi32, #tpu.memory_space<hbm>> -> memref<1x625x16xi32, #tpu.memory_space<hbm>>
      %dma_wait3A_24 = tpu.memref_squeeze %dma_wait3A_23 : memref<1x625x16xi32, #tpu.memory_space<hbm>> -> memref<625x16xi32, #tpu.memory_space<hbm>>
      %dma_wait3A_25 = arith.constant 0 : i32
      %dma_wait3A_26 = arith.constant 0 : i32
      %dma_wait3A_27 = tpu.memref_slice %arg2[%add3A, %dma_wait3A_25, %dma_wait3A_26] : memref<32x625x16xi32, #tpu.memory_space<hbm>> -> memref<1x625x16xi32, #tpu.memory_space<hbm>>
      %dma_wait3A_28 = tpu.memref_squeeze %dma_wait3A_27 : memref<1x625x16xi32, #tpu.memory_space<hbm>> -> memref<625x16xi32, #tpu.memory_space<hbm>>
      tpu.wait_dma2 semaphore(%run_scoped3A : memref<!tpu.dma_semaphore, #tpu.memory_space<semaphore_mem>>) src(%dma_wait3A_28 : memref<625x16xi32, #tpu.memory_space<hbm>>) dst(%arg4 : memref<625x16xi32, #tpu.memory_space<vmem>>)
      tpu.yield
    }) : () -> ()
    %broadcast_in_dim3A = arith.constant 0.000000e+00 : f32
    %broadcast_in_dim3A_1 = vector.broadcast %broadcast_in_dim3A : f32 to vector<16xf32>
    %scan3A = arith.constant 0 : i32
    %scan3A_2 = arith.constant 0 : i32
    %scan3A_3 = arith.constant 625 : i32
    %scan3A_4 = arith.addi %scan3A_2, %scan3A_3 : i32
    %scan3A_5 = arith.constant 1 : i32
    scf.for %scan3A_15 = %scan3A_2 to %scan3A_4 step %scan3A_5  : i32 {
      %mul3A_16 = arith.constant 16 : i32
      %mul3A_17 = arith.muli %scan3A_15, %mul3A_16 : i32
      %multiple_of3A = tpu.assume_multiple %mul3A_17, 16 : i32
      %swap3A = arith.index_cast %multiple_of3A : i32 to index
      %swap3A_18 = tpu.vector_load %arg5[%swap3A] {strides = array<i32>} : memref<10000xf32, #tpu.memory_space<vmem>>, vector<16xf32>,
      tpu.vector_store %arg5[%swap3A], %broadcast_in_dim3A_1 {strides = array<i32>} : memref<10000xf32, #tpu.memory_space<vmem>>, vector<16xf32>,
    }
    %scan3A_6 = arith.constant 625 : i32
    %broadcast_in_dim3A_7 = arith.constant 1.000000e+00 : f32
    %broadcast_in_dim3A_8 = vector.broadcast %broadcast_in_dim3A_7 : f32 to vector<16xf32>
    %scan3A_9 = arith.constant 0 : i32
    %scan3A_10 = arith.constant 0 : i32
    %scan3A_11 = arith.constant 625 : i32
    %scan3A_12 = arith.addi %scan3A_10, %scan3A_11 : i32
    %scan3A_13 = arith.constant 1 : i32
    scf.for %scan3A_15 = %scan3A_10 to %scan3A_12 step %scan3A_13  : i32 {
      %get3A = arith.index_cast %scan3A_15 : i32 to index
      %get3A_16 = arith.constant 0 : index
      %get3A_17 = tpu.vector_load %arg4[%get3A, %get3A_16] {strides = array<i32>} : memref<625x16xi32, #tpu.memory_space<vmem>>, vector<16xi32>,
      tpu.vector_store_idx %arg5[%get3A_17], %broadcast_in_dim3A_8 {add = true} : memref<10000xf32, #tpu.memory_space<vmem>>[vector<16xi32>], vector<16xf32>,
    }
    %scan3A_14 = arith.constant 625 : i32
    "tpu.region"() ({
      %run_scoped3A = tpu.sem_alloc : memref<!tpu.dma_semaphore, #tpu.memory_space<semaphore_mem>>
      %dma_start3A = arith.constant 0 : i32
      %dma_start3A_15 = tpu.memref_slice %arg3[%add3A, %dma_start3A] : memref<32x10000xf32, #tpu.memory_space<hbm>> -> memref<1x10000xf32, #tpu.memory_space<hbm>>
      %dma_start3A_16 = tpu.memref_squeeze %dma_start3A_15 : memref<1x10000xf32, #tpu.memory_space<hbm>> -> memref<10000xf32, #tpu.memory_space<hbm>>
      %dma_start3A_17 = arith.constant 0 : i32
      %dma_start3A_18 = tpu.memref_slice %arg3[%add3A, %dma_start3A_17] : memref<32x10000xf32, #tpu.memory_space<hbm>> -> memref<1x10000xf32, #tpu.memory_space<hbm>>
      %dma_start3A_19 = tpu.memref_squeeze %dma_start3A_18 : memref<1x10000xf32, #tpu.memory_space<hbm>> -> memref<10000xf32, #tpu.memory_space<hbm>>
      tpu.enqueue_dma source(%arg5 : memref<10000xf32, #tpu.memory_space<vmem>>) target(%dma_start3A_19 : memref<10000xf32, #tpu.memory_space<hbm>>) target_semaphore(%run_scoped3A : memref<!tpu.dma_semaphore, #tpu.memory_space<semaphore_mem>>)
      %dma_wait3A = arith.constant 0 : i32
      %dma_wait3A_20 = tpu.memref_slice %arg3[%add3A, %dma_wait3A] : memref<32x10000xf32, #tpu.memory_space<hbm>> -> memref<1x10000xf32, #tpu.memory_space<hbm>>
      %dma_wait3A_21 = tpu.memref_squeeze %dma_wait3A_20 : memref<1x10000xf32, #tpu.memory_space<hbm>> -> memref<10000xf32, #tpu.memory_space<hbm>>
      %dma_wait3A_22 = arith.constant 0 : i32
      %dma_wait3A_23 = tpu.memref_slice %arg3[%add3A, %dma_wait3A_22] : memref<32x10000xf32, #tpu.memory_space<hbm>> -> memref<1x10000xf32, #tpu.memory_space<hbm>>
      %dma_wait3A_24 = tpu.memref_squeeze %dma_wait3A_23 : memref<1x10000xf32, #tpu.memory_space<hbm>> -> memref<10000xf32, #tpu.memory_space<hbm>>
      tpu.wait_dma2 semaphore(%run_scoped3A : memref<!tpu.dma_semaphore, #tpu.memory_space<semaphore_mem>>) src(%arg5 : memref<10000xf32, #tpu.memory_space<vmem>>) dst(%dma_wait3A_24 : memref<10000xf32, #tpu.memory_space<hbm>>)
      tpu.yield
    }) : () -> ()
    return
  }
}

#map = affine_map<(d0, d1) -> (0, 0)>
#map1 = affine_map<(d0, d1) -> (0, 0, 0, 0)>
#map2 = affine_map<(d0, d1) -> (0, 0, 0)>
module attributes {stable_mosaic.version = 14 : i64} {
  func.func @_agg_body(%arg0: i32, %arg1: i32, %arg2: memref<10000x128xf32, #tpu.memory_space<hbm>>, %arg3: memref<32x2x40x125xi32, #tpu.memory_space<hbm>>, %arg4: memref<32x2x40x125xi32, #tpu.memory_space<hbm>>, %arg5: memref<640x128xf32, #tpu.memory_space<hbm>>, %arg6: memref<2x10240x128xf32, #tpu.memory_space<hbm>>, %arg7: memref<40x125xi32, #tpu.memory_space<vmem>>, %arg8: memref<40x125xi32, #tpu.memory_space<vmem>>, %arg9: memref<2x125x128xf32, #tpu.memory_space<vmem>>, %arg10: memref<10240x128xf32, #tpu.memory_space<vmem_shared>>, %arg11: memref<!tpu.dma_semaphore, #tpu.memory_space<semaphore_mem>>) attributes {dimension_semantics = [#tpu.dimension_semantics<core_parallel>, #tpu.dimension_semantics<subcore_parallel>], iteration_bounds = array<i64: 2, 16>, scalar_prefetch = 0 : i64, scratch_operands = 5 : i64, tpu.core_type = #tpu.core_type<sc_vector_subcore>, window_params = [{transform_indices = #map}, {transform_indices = #map1}, {transform_indices = #map1}, {transform_indices = #map}, {transform_indices = #map2}]} {
    %mul3A = arith.constant 2 : i32
    %mul3A_0 = arith.muli %arg1, %mul3A : i32
    %add3A = arith.addi %mul3A_0, %arg0 : i32
    %mul3A_1 = arith.constant 640 : i32
    %mul3A_2 = arith.muli %arg1, %mul3A_1 : i32
    "tpu.region"() ({
      %run_scoped3A_45 = tpu.sem_alloc : memref<!tpu.dma_semaphore, #tpu.memory_space<semaphore_mem>>
      %dma_start3A_46 = arith.constant 0 : i32
      %dma_start3A_47 = tpu.memref_slice %arg10[%mul3A_2, %dma_start3A_46] : memref<10240x128xf32, #tpu.memory_space<vmem_shared>> -> memref<640x128xf32, #tpu.memory_space<vmem_shared>>
      tpu.enqueue_dma source(%arg5 : memref<640x128xf32, #tpu.memory_space<hbm>>) target(%dma_start3A_47 : memref<640x128xf32, #tpu.memory_space<vmem_shared>>) target_semaphore(%run_scoped3A_45 : memref<!tpu.dma_semaphore, #tpu.memory_space<semaphore_mem>>)
      %dma_wait3A = arith.constant 0 : i32
      %dma_wait3A_48 = tpu.memref_slice %arg10[%mul3A_2, %dma_wait3A] : memref<10240x128xf32, #tpu.memory_space<vmem_shared>> -> memref<640x128xf32, #tpu.memory_space<vmem_shared>>
      tpu.wait_dma2 semaphore(%run_scoped3A_45 : memref<!tpu.dma_semaphore, #tpu.memory_space<semaphore_mem>>) src(%arg5 : memref<640x128xf32, #tpu.memory_space<hbm>>) dst(%dma_wait3A_48 : memref<640x128xf32, #tpu.memory_space<vmem_shared>>)
      tpu.yield
    }) : () -> ()
    %barrier3A = arith.constant 0 : index
    tpu.barrier barrier_id(%barrier3A)
    %run_scoped3A = arith.constant 0 : i32
    "tpu.region"() ({
      %run_scoped3A_45 = tpu.sem_alloc : memref<!tpu.dma_semaphore, #tpu.memory_space<semaphore_mem>>
      %dma_start3A_46 = arith.constant 0 : i32
      %dma_start3A_47 = arith.constant 0 : i32
      %dma_start3A_48 = tpu.memref_slice %arg3[%add3A, %run_scoped3A, %dma_start3A_46, %dma_start3A_47] : memref<32x2x40x125xi32, #tpu.memory_space<hbm>> -> memref<1x1x40x125xi32, #tpu.memory_space<hbm>>
      %dma_start3A_49 = tpu.memref_squeeze %dma_start3A_48 : memref<1x1x40x125xi32, #tpu.memory_space<hbm>> -> memref<40x125xi32, #tpu.memory_space<hbm>>
      %dma_start3A_50 = arith.constant 0 : i32
      %dma_start3A_51 = arith.constant 0 : i32
      %dma_start3A_52 = tpu.memref_slice %arg3[%add3A, %run_scoped3A, %dma_start3A_50, %dma_start3A_51] : memref<32x2x40x125xi32, #tpu.memory_space<hbm>> -> memref<1x1x40x125xi32, #tpu.memory_space<hbm>>
      %dma_start3A_53 = tpu.memref_squeeze %dma_start3A_52 : memref<1x1x40x125xi32, #tpu.memory_space<hbm>> -> memref<40x125xi32, #tpu.memory_space<hbm>>
      tpu.enqueue_dma source(%dma_start3A_53 : memref<40x125xi32, #tpu.memory_space<hbm>>) target(%arg7 : memref<40x125xi32, #tpu.memory_space<vmem>>) target_semaphore(%run_scoped3A_45 : memref<!tpu.dma_semaphore, #tpu.memory_space<semaphore_mem>>)
      %dma_wait3A = arith.constant 0 : i32
      %dma_wait3A_54 = arith.constant 0 : i32
      %dma_wait3A_55 = tpu.memref_slice %arg3[%add3A, %run_scoped3A, %dma_wait3A, %dma_wait3A_54] : memref<32x2x40x125xi32, #tpu.memory_space<hbm>> -> memref<1x1x40x125xi32, #tpu.memory_space<hbm>>
      %dma_wait3A_56 = tpu.memref_squeeze %dma_wait3A_55 : memref<1x1x40x125xi32, #tpu.memory_space<hbm>> -> memref<40x125xi32, #tpu.memory_space<hbm>>
      %dma_wait3A_57 = arith.constant 0 : i32
      %dma_wait3A_58 = arith.constant 0 : i32
      %dma_wait3A_59 = tpu.memref_slice %arg3[%add3A, %run_scoped3A, %dma_wait3A_57, %dma_wait3A_58] : memref<32x2x40x125xi32, #tpu.memory_space<hbm>> -> memref<1x1x40x125xi32, #tpu.memory_space<hbm>>
      %dma_wait3A_60 = tpu.memref_squeeze %dma_wait3A_59 : memref<1x1x40x125xi32, #tpu.memory_space<hbm>> -> memref<40x125xi32, #tpu.memory_space<hbm>>
      tpu.wait_dma2 semaphore(%run_scoped3A_45 : memref<!tpu.dma_semaphore, #tpu.memory_space<semaphore_mem>>) src(%dma_wait3A_60 : memref<40x125xi32, #tpu.memory_space<hbm>>) dst(%arg7 : memref<40x125xi32, #tpu.memory_space<vmem>>)
      tpu.yield
    }) : () -> ()
    %run_scoped3A_3 = arith.constant 0 : i32
    "tpu.region"() ({
      %run_scoped3A_45 = tpu.sem_alloc : memref<!tpu.dma_semaphore, #tpu.memory_space<semaphore_mem>>
      %dma_start3A_46 = arith.constant 0 : i32
      %dma_start3A_47 = arith.constant 0 : i32
      %dma_start3A_48 = tpu.memref_slice %arg4[%add3A, %run_scoped3A_3, %dma_start3A_46, %dma_start3A_47] : memref<32x2x40x125xi32, #tpu.memory_space<hbm>> -> memref<1x1x40x125xi32, #tpu.memory_space<hbm>>
      %dma_start3A_49 = tpu.memref_squeeze %dma_start3A_48 : memref<1x1x40x125xi32, #tpu.memory_space<hbm>> -> memref<40x125xi32, #tpu.memory_space<hbm>>
      %dma_start3A_50 = arith.constant 0 : i32
      %dma_start3A_51 = arith.constant 0 : i32
      %dma_start3A_52 = tpu.memref_slice %arg4[%add3A, %run_scoped3A_3, %dma_start3A_50, %dma_start3A_51] : memref<32x2x40x125xi32, #tpu.memory_space<hbm>> -> memref<1x1x40x125xi32, #tpu.memory_space<hbm>>
      %dma_start3A_53 = tpu.memref_squeeze %dma_start3A_52 : memref<1x1x40x125xi32, #tpu.memory_space<hbm>> -> memref<40x125xi32, #tpu.memory_space<hbm>>
      tpu.enqueue_dma source(%dma_start3A_53 : memref<40x125xi32, #tpu.memory_space<hbm>>) target(%arg8 : memref<40x125xi32, #tpu.memory_space<vmem>>) target_semaphore(%run_scoped3A_45 : memref<!tpu.dma_semaphore, #tpu.memory_space<semaphore_mem>>)
      %dma_wait3A = arith.constant 0 : i32
      %dma_wait3A_54 = arith.constant 0 : i32
      %dma_wait3A_55 = tpu.memref_slice %arg4[%add3A, %run_scoped3A_3, %dma_wait3A, %dma_wait3A_54] : memref<32x2x40x125xi32, #tpu.memory_space<hbm>> -> memref<1x1x40x125xi32, #tpu.memory_space<hbm>>
      %dma_wait3A_56 = tpu.memref_squeeze %dma_wait3A_55 : memref<1x1x40x125xi32, #tpu.memory_space<hbm>> -> memref<40x125xi32, #tpu.memory_space<hbm>>
      %dma_wait3A_57 = arith.constant 0 : i32
      %dma_wait3A_58 = arith.constant 0 : i32
      %dma_wait3A_59 = tpu.memref_slice %arg4[%add3A, %run_scoped3A_3, %dma_wait3A_57, %dma_wait3A_58] : memref<32x2x40x125xi32, #tpu.memory_space<hbm>> -> memref<1x1x40x125xi32, #tpu.memory_space<hbm>>
      %dma_wait3A_60 = tpu.memref_squeeze %dma_wait3A_59 : memref<1x1x40x125xi32, #tpu.memory_space<hbm>> -> memref<40x125xi32, #tpu.memory_space<hbm>>
      tpu.wait_dma2 semaphore(%run_scoped3A_45 : memref<!tpu.dma_semaphore, #tpu.memory_space<semaphore_mem>>) src(%dma_wait3A_60 : memref<40x125xi32, #tpu.memory_space<hbm>>) dst(%arg8 : memref<40x125xi32, #tpu.memory_space<vmem>>)
      tpu.yield
    }) : () -> ()
    %dma_start3A = arith.constant 0 : i32
    %dma_start3A_4 = arith.constant 0 : i32
    %dma_start3A_5 = arith.constant 0 : i32
    %dma_start3A_6 = arith.constant 0 : i32
    %dma_start3A_7 = tpu.memref_slice %arg9[%dma_start3A_4, %dma_start3A_5, %dma_start3A_6] : memref<2x125x128xf32, #tpu.memory_space<vmem>> -> memref<1x125x128xf32, #tpu.memory_space<vmem>>
    %dma_start3A_8 = tpu.memref_squeeze %dma_start3A_7 : memref<1x125x128xf32, #tpu.memory_space<vmem>> -> memref<125x128xf32, #tpu.memory_space<vmem>>
    %dma_start3A_9 = arith.constant 0 : i32
    %dma_start3A_10 = tpu.memref_slice %arg7[%dma_start3A, %dma_start3A_9] : memref<40x125xi32, #tpu.memory_space<vmem>> -> memref<1x125xi32, #tpu.memory_space<vmem>>
    %dma_start3A_11 = tpu.memref_squeeze %dma_start3A_10 : memref<1x125xi32, #tpu.memory_space<vmem>> -> memref<125xi32, #tpu.memory_space<vmem>>
    %dma_start3A_12 = arith.constant 0 : i32
    %dma_start3A_13 = arith.constant 0 : i32
    %dma_start3A_14 = tpu.memref_slice %arg2[%dma_start3A_12, %dma_start3A_13] : memref<10000x128xf32, #tpu.memory_space<hbm>> -> memref<10000x128xf32, #tpu.memory_space<hbm>>
    tpu.enqueue_indirect_dma source(%dma_start3A_14 : memref<10000x128xf32, #tpu.memory_space<hbm>>) target(%dma_start3A_8 : memref<125x128xf32, #tpu.memory_space<vmem>>) offsets(%dma_start3A_11 : memref<125xi32, #tpu.memory_space<vmem>>) semaphore(%arg11 : memref<!tpu.dma_semaphore, #tpu.memory_space<semaphore_mem>>)
    %scan3A = arith.constant 0 : i32
    %scan3A_15 = arith.constant 0 : i32
    %scan3A_16 = arith.constant 20 : i32
    %scan3A_17 = arith.addi %scan3A_15, %scan3A_16 : i32
    %scan3A_18 = arith.constant 1 : i32
    scf.for %scan3A_45 = %scan3A_15 to %scan3A_17 step %scan3A_18  : i32 {
      %mul3A_46 = arith.constant 2 : i32
      %mul3A_47 = arith.muli %mul3A_46, %scan3A_45 : i32
      %dma_wait3A = arith.constant 0 : i32
      %dma_wait3A_48 = arith.constant 0 : i32
      %dma_wait3A_49 = arith.constant 0 : i32
      %dma_wait3A_50 = tpu.memref_slice %arg9[%dma_wait3A, %dma_wait3A_48, %dma_wait3A_49] : memref<2x125x128xf32, #tpu.memory_space<vmem>> -> memref<1x125x128xf32, #tpu.memory_space<vmem>>
      %dma_wait3A_51 = tpu.memref_squeeze %dma_wait3A_50 : memref<1x125x128xf32, #tpu.memory_space<vmem>> -> memref<125x128xf32, #tpu.memory_space<vmem>>
      %dma_wait3A_52 = arith.constant 0 : i32
      %dma_wait3A_53 = tpu.memref_slice %arg7[%mul3A_47, %dma_wait3A_52] : memref<40x125xi32, #tpu.memory_space<vmem>> -> memref<1x125xi32, #tpu.memory_space<vmem>>
      %dma_wait3A_54 = tpu.memref_squeeze %dma_wait3A_53 : memref<1x125xi32, #tpu.memory_space<vmem>> -> memref<125xi32, #tpu.memory_space<vmem>>
      %dma_wait3A_55 = arith.constant 0 : i32
      %dma_wait3A_56 = arith.constant 0 : i32
      %dma_wait3A_57 = tpu.memref_slice %arg2[%dma_wait3A_55, %dma_wait3A_56] : memref<10000x128xf32, #tpu.memory_space<hbm>> -> memref<10000x128xf32, #tpu.memory_space<hbm>>
      tpu.wait_indirect_dma semaphore(%arg11 : memref<!tpu.dma_semaphore, #tpu.memory_space<semaphore_mem>>) src(%dma_wait3A_57 : memref<10000x128xf32, #tpu.memory_space<hbm>>) dst(%dma_wait3A_51 : memref<125x128xf32, #tpu.memory_space<vmem>>)
      %add3A_58 = arith.constant 1 : i32
      %add3A_59 = arith.addi %mul3A_47, %add3A_58 : i32
      %dma_start3A_60 = arith.constant 1 : i32
      %dma_start3A_61 = arith.constant 0 : i32
      %dma_start3A_62 = arith.constant 0 : i32
      %dma_start3A_63 = tpu.memref_slice %arg9[%dma_start3A_60, %dma_start3A_61, %dma_start3A_62] : memref<2x125x128xf32, #tpu.memory_space<vmem>> -> memref<1x125x128xf32, #tpu.memory_space<vmem>>
      %dma_start3A_64 = tpu.memref_squeeze %dma_start3A_63 : memref<1x125x128xf32, #tpu.memory_space<vmem>> -> memref<125x128xf32, #tpu.memory_space<vmem>>
      %dma_start3A_65 = arith.constant 0 : i32
      %dma_start3A_66 = tpu.memref_slice %arg7[%add3A_59, %dma_start3A_65] : memref<40x125xi32, #tpu.memory_space<vmem>> -> memref<1x125xi32, #tpu.memory_space<vmem>>
      %dma_start3A_67 = tpu.memref_squeeze %dma_start3A_66 : memref<1x125xi32, #tpu.memory_space<vmem>> -> memref<125xi32, #tpu.memory_space<vmem>>
      %dma_start3A_68 = arith.constant 0 : i32
      %dma_start3A_69 = arith.constant 0 : i32
      %dma_start3A_70 = tpu.memref_slice %arg2[%dma_start3A_68, %dma_start3A_69] : memref<10000x128xf32, #tpu.memory_space<hbm>> -> memref<10000x128xf32, #tpu.memory_space<hbm>>
      tpu.enqueue_indirect_dma source(%dma_start3A_70 : memref<10000x128xf32, #tpu.memory_space<hbm>>) target(%dma_start3A_64 : memref<125x128xf32, #tpu.memory_space<vmem>>) offsets(%dma_start3A_67 : memref<125xi32, #tpu.memory_space<vmem>>) semaphore(%arg11 : memref<!tpu.dma_semaphore, #tpu.memory_space<semaphore_mem>>)
      %run_scoped3A_71 = arith.constant 0 : i32
      "tpu.region"() ({
        %run_scoped3A_92 = tpu.sem_alloc : memref<!tpu.dma_semaphore, #tpu.memory_space<semaphore_mem>>
        %dma_start3A_93 = arith.constant 0 : i32
        %dma_start3A_94 = arith.constant 0 : i32
        %dma_start3A_95 = tpu.memref_slice %arg9[%run_scoped3A_71, %dma_start3A_93, %dma_start3A_94] : memref<2x125x128xf32, #tpu.memory_space<vmem>> -> memref<1x125x128xf32, #tpu.memory_space<vmem>>
        %dma_start3A_96 = tpu.memref_squeeze %dma_start3A_95 : memref<1x125x128xf32, #tpu.memory_space<vmem>> -> memref<125x128xf32, #tpu.memory_space<vmem>>
        %dma_start3A_97 = arith.constant 0 : i32
        %dma_start3A_98 = tpu.memref_slice %arg8[%mul3A_47, %dma_start3A_97] : memref<40x125xi32, #tpu.memory_space<vmem>> -> memref<1x125xi32, #tpu.memory_space<vmem>>
        %dma_start3A_99 = tpu.memref_squeeze %dma_start3A_98 : memref<1x125xi32, #tpu.memory_space<vmem>> -> memref<125xi32, #tpu.memory_space<vmem>>
        %dma_start3A_100 = arith.constant 0 : i32
        %dma_start3A_101 = arith.constant 0 : i32
        %dma_start3A_102 = tpu.memref_slice %arg10[%dma_start3A_100, %dma_start3A_101] : memref<10240x128xf32, #tpu.memory_space<vmem_shared>> -> memref<10240x128xf32, #tpu.memory_space<vmem_shared>>
        tpu.enqueue_indirect_dma source(%dma_start3A_96 : memref<125x128xf32, #tpu.memory_space<vmem>>) target(%dma_start3A_102 : memref<10240x128xf32, #tpu.memory_space<vmem_shared>>) offsets(%dma_start3A_99 : memref<125xi32, #tpu.memory_space<vmem>>) semaphore(%run_scoped3A_92 : memref<!tpu.dma_semaphore, #tpu.memory_space<semaphore_mem>>) {add = true}
        %dma_wait3A_103 = arith.constant 0 : i32
        %dma_wait3A_104 = arith.constant 0 : i32
        %dma_wait3A_105 = tpu.memref_slice %arg9[%run_scoped3A_71, %dma_wait3A_103, %dma_wait3A_104] : memref<2x125x128xf32, #tpu.memory_space<vmem>> -> memref<1x125x128xf32, #tpu.memory_space<vmem>>
        %dma_wait3A_106 = tpu.memref_squeeze %dma_wait3A_105 : memref<1x125x128xf32, #tpu.memory_space<vmem>> -> memref<125x128xf32, #tpu.memory_space<vmem>>
        %dma_wait3A_107 = arith.constant 0 : i32
        %dma_wait3A_108 = tpu.memref_slice %arg8[%mul3A_47, %dma_wait3A_107] : memref<40x125xi32, #tpu.memory_space<vmem>> -> memref<1x125xi32, #tpu.memory_space<vmem>>
        %dma_wait3A_109 = tpu.memref_squeeze %dma_wait3A_108 : memref<1x125xi32, #tpu.memory_space<vmem>> -> memref<125xi32, #tpu.memory_space<vmem>>
        %dma_wait3A_110 = arith.constant 0 : i32
        %dma_wait3A_111 = arith.constant 0 : i32
        %dma_wait3A_112 = tpu.memref_slice %arg10[%dma_wait3A_110, %dma_wait3A_111] : memref<10240x128xf32, #tpu.memory_space<vmem_shared>> -> memref<10240x128xf32, #tpu.memory_space<vmem_shared>>
        tpu.wait_indirect_dma semaphore(%run_scoped3A_92 : memref<!tpu.dma_semaphore, #tpu.memory_space<semaphore_mem>>) src(%dma_wait3A_106 : memref<125x128xf32, #tpu.memory_space<vmem>>) dst(%dma_wait3A_112 : memref<10240x128xf32, #tpu.memory_space<vmem_shared>>)
        tpu.yield
      }) : () -> ()
      %add3A_72 = arith.constant 1 : i32
      %add3A_73 = arith.addi %mul3A_47, %add3A_72 : i32
      %dma_wait3A_74 = arith.constant 1 : i32
      %dma_wait3A_75 = arith.constant 0 : i32
      %dma_wait3A_76 = arith.constant 0 : i32
      %dma_wait3A_77 = tpu.memref_slice %arg9[%dma_wait3A_74, %dma_wait3A_75, %dma_wait3A_76] : memref<2x125x128xf32, #tpu.memory_space<vmem>> -> memref<1x125x128xf32, #tpu.memory_space<vmem>>
      %dma_wait3A_78 = tpu.memref_squeeze %dma_wait3A_77 : memref<1x125x128xf32, #tpu.memory_space<vmem>> -> memref<125x128xf32, #tpu.memory_space<vmem>>
      %dma_wait3A_79 = arith.constant 0 : i32
      %dma_wait3A_80 = tpu.memref_slice %arg7[%add3A_73, %dma_wait3A_79] : memref<40x125xi32, #tpu.memory_space<vmem>> -> memref<1x125xi32, #tpu.memory_space<vmem>>
      %dma_wait3A_81 = tpu.memref_squeeze %dma_wait3A_80 : memref<1x125xi32, #tpu.memory_space<vmem>> -> memref<125xi32, #tpu.memory_space<vmem>>
      %dma_wait3A_82 = arith.constant 0 : i32
      %dma_wait3A_83 = arith.constant 0 : i32
      %dma_wait3A_84 = tpu.memref_slice %arg2[%dma_wait3A_82, %dma_wait3A_83] : memref<10000x128xf32, #tpu.memory_space<hbm>> -> memref<10000x128xf32, #tpu.memory_space<hbm>>
      tpu.wait_indirect_dma semaphore(%arg11 : memref<!tpu.dma_semaphore, #tpu.memory_space<semaphore_mem>>) src(%dma_wait3A_84 : memref<10000x128xf32, #tpu.memory_space<hbm>>) dst(%dma_wait3A_78 : memref<125x128xf32, #tpu.memory_space<vmem>>)
      %add3A_85 = arith.constant 1 : i32
      %add3A_86 = arith.addi %scan3A_45, %add3A_85 : i32
      %lt3A = arith.constant 20 : i32
      %lt3A_87 = arith.cmpi slt, %add3A_86, %lt3A : i32
      %convert_element_type3A = arith.extui %lt3A_87 : i1 to i32
      %cond3A = arith.constant 0 : i32
      %cond3A_88 = arith.cmpi ne, %convert_element_type3A, %cond3A : i32
      scf.if %cond3A_88 {
        %add3A_92 = arith.constant 2 : i32
        %add3A_93 = arith.addi %mul3A_47, %add3A_92 : i32
        %dma_start3A_94 = arith.constant 0 : i32
        %dma_start3A_95 = arith.constant 0 : i32
        %dma_start3A_96 = arith.constant 0 : i32
        %dma_start3A_97 = tpu.memref_slice %arg9[%dma_start3A_94, %dma_start3A_95, %dma_start3A_96] : memref<2x125x128xf32, #tpu.memory_space<vmem>> -> memref<1x125x128xf32, #tpu.memory_space<vmem>>
        %dma_start3A_98 = tpu.memref_squeeze %dma_start3A_97 : memref<1x125x128xf32, #tpu.memory_space<vmem>> -> memref<125x128xf32, #tpu.memory_space<vmem>>
        %dma_start3A_99 = arith.constant 0 : i32
        %dma_start3A_100 = tpu.memref_slice %arg7[%add3A_93, %dma_start3A_99] : memref<40x125xi32, #tpu.memory_space<vmem>> -> memref<1x125xi32, #tpu.memory_space<vmem>>
        %dma_start3A_101 = tpu.memref_squeeze %dma_start3A_100 : memref<1x125xi32, #tpu.memory_space<vmem>> -> memref<125xi32, #tpu.memory_space<vmem>>
        %dma_start3A_102 = arith.constant 0 : i32
        %dma_start3A_103 = arith.constant 0 : i32
        %dma_start3A_104 = tpu.memref_slice %arg2[%dma_start3A_102, %dma_start3A_103] : memref<10000x128xf32, #tpu.memory_space<hbm>> -> memref<10000x128xf32, #tpu.memory_space<hbm>>
        tpu.enqueue_indirect_dma source(%dma_start3A_104 : memref<10000x128xf32, #tpu.memory_space<hbm>>) target(%dma_start3A_98 : memref<125x128xf32, #tpu.memory_space<vmem>>) offsets(%dma_start3A_101 : memref<125xi32, #tpu.memory_space<vmem>>) semaphore(%arg11 : memref<!tpu.dma_semaphore, #tpu.memory_space<semaphore_mem>>)
      } else {
      }
      %add3A_89 = arith.constant 1 : i32
      %add3A_90 = arith.addi %mul3A_47, %add3A_89 : i32
      %run_scoped3A_91 = arith.constant 1 : i32
      "tpu.region"() ({
        %run_scoped3A_92 = tpu.sem_alloc : memref<!tpu.dma_semaphore, #tpu.memory_space<semaphore_mem>>
        %dma_start3A_93 = arith.constant 0 : i32
        %dma_start3A_94 = arith.constant 0 : i32
        %dma_start3A_95 = tpu.memref_slice %arg9[%run_scoped3A_91, %dma_start3A_93, %dma_start3A_94] : memref<2x125x128xf32, #tpu.memory_space<vmem>> -> memref<1x125x128xf32, #tpu.memory_space<vmem>>
        %dma_start3A_96 = tpu.memref_squeeze %dma_start3A_95 : memref<1x125x128xf32, #tpu.memory_space<vmem>> -> memref<125x128xf32, #tpu.memory_space<vmem>>
        %dma_start3A_97 = arith.constant 0 : i32
        %dma_start3A_98 = tpu.memref_slice %arg8[%add3A_90, %dma_start3A_97] : memref<40x125xi32, #tpu.memory_space<vmem>> -> memref<1x125xi32, #tpu.memory_space<vmem>>
        %dma_start3A_99 = tpu.memref_squeeze %dma_start3A_98 : memref<1x125xi32, #tpu.memory_space<vmem>> -> memref<125xi32, #tpu.memory_space<vmem>>
        %dma_start3A_100 = arith.constant 0 : i32
        %dma_start3A_101 = arith.constant 0 : i32
        %dma_start3A_102 = tpu.memref_slice %arg10[%dma_start3A_100, %dma_start3A_101] : memref<10240x128xf32, #tpu.memory_space<vmem_shared>> -> memref<10240x128xf32, #tpu.memory_space<vmem_shared>>
        tpu.enqueue_indirect_dma source(%dma_start3A_96 : memref<125x128xf32, #tpu.memory_space<vmem>>) target(%dma_start3A_102 : memref<10240x128xf32, #tpu.memory_space<vmem_shared>>) offsets(%dma_start3A_99 : memref<125xi32, #tpu.memory_space<vmem>>) semaphore(%run_scoped3A_92 : memref<!tpu.dma_semaphore, #tpu.memory_space<semaphore_mem>>) {add = true}
        %dma_wait3A_103 = arith.constant 0 : i32
        %dma_wait3A_104 = arith.constant 0 : i32
        %dma_wait3A_105 = tpu.memref_slice %arg9[%run_scoped3A_91, %dma_wait3A_103, %dma_wait3A_104] : memref<2x125x128xf32, #tpu.memory_space<vmem>> -> memref<1x125x128xf32, #tpu.memory_space<vmem>>
        %dma_wait3A_106 = tpu.memref_squeeze %dma_wait3A_105 : memref<1x125x128xf32, #tpu.memory_space<vmem>> -> memref<125x128xf32, #tpu.memory_space<vmem>>
        %dma_wait3A_107 = arith.constant 0 : i32
        %dma_wait3A_108 = tpu.memref_slice %arg8[%add3A_90, %dma_wait3A_107] : memref<40x125xi32, #tpu.memory_space<vmem>> -> memref<1x125xi32, #tpu.memory_space<vmem>>
        %dma_wait3A_109 = tpu.memref_squeeze %dma_wait3A_108 : memref<1x125xi32, #tpu.memory_space<vmem>> -> memref<125xi32, #tpu.memory_space<vmem>>
        %dma_wait3A_110 = arith.constant 0 : i32
        %dma_wait3A_111 = arith.constant 0 : i32
        %dma_wait3A_112 = tpu.memref_slice %arg10[%dma_wait3A_110, %dma_wait3A_111] : memref<10240x128xf32, #tpu.memory_space<vmem_shared>> -> memref<10240x128xf32, #tpu.memory_space<vmem_shared>>
        tpu.wait_indirect_dma semaphore(%run_scoped3A_92 : memref<!tpu.dma_semaphore, #tpu.memory_space<semaphore_mem>>) src(%dma_wait3A_106 : memref<125x128xf32, #tpu.memory_space<vmem>>) dst(%dma_wait3A_112 : memref<10240x128xf32, #tpu.memory_space<vmem_shared>>)
        tpu.yield
      }) : () -> ()
    }
    %scan3A_19 = arith.constant 20 : i32
    %run_scoped3A_20 = arith.constant 1 : i32
    "tpu.region"() ({
      %run_scoped3A_45 = tpu.sem_alloc : memref<!tpu.dma_semaphore, #tpu.memory_space<semaphore_mem>>
      %dma_start3A_46 = arith.constant 0 : i32
      %dma_start3A_47 = arith.constant 0 : i32
      %dma_start3A_48 = tpu.memref_slice %arg3[%add3A, %run_scoped3A_20, %dma_start3A_46, %dma_start3A_47] : memref<32x2x40x125xi32, #tpu.memory_space<hbm>> -> memref<1x1x40x125xi32, #tpu.memory_space<hbm>>
      %dma_start3A_49 = tpu.memref_squeeze %dma_start3A_48 : memref<1x1x40x125xi32, #tpu.memory_space<hbm>> -> memref<40x125xi32, #tpu.memory_space<hbm>>
      %dma_start3A_50 = arith.constant 0 : i32
      %dma_start3A_51 = arith.constant 0 : i32
      %dma_start3A_52 = tpu.memref_slice %arg3[%add3A, %run_scoped3A_20, %dma_start3A_50, %dma_start3A_51] : memref<32x2x40x125xi32, #tpu.memory_space<hbm>> -> memref<1x1x40x125xi32, #tpu.memory_space<hbm>>
      %dma_start3A_53 = tpu.memref_squeeze %dma_start3A_52 : memref<1x1x40x125xi32, #tpu.memory_space<hbm>> -> memref<40x125xi32, #tpu.memory_space<hbm>>
      tpu.enqueue_dma source(%dma_start3A_53 : memref<40x125xi32, #tpu.memory_space<hbm>>) target(%arg7 : memref<40x125xi32, #tpu.memory_space<vmem>>) target_semaphore(%run_scoped3A_45 : memref<!tpu.dma_semaphore, #tpu.memory_space<semaphore_mem>>)
      %dma_wait3A = arith.constant 0 : i32
      %dma_wait3A_54 = arith.constant 0 : i32
      %dma_wait3A_55 = tpu.memref_slice %arg3[%add3A, %run_scoped3A_20, %dma_wait3A, %dma_wait3A_54] : memref<32x2x40x125xi32, #tpu.memory_space<hbm>> -> memref<1x1x40x125xi32, #tpu.memory_space<hbm>>
      %dma_wait3A_56 = tpu.memref_squeeze %dma_wait3A_55 : memref<1x1x40x125xi32, #tpu.memory_space<hbm>> -> memref<40x125xi32, #tpu.memory_space<hbm>>
      %dma_wait3A_57 = arith.constant 0 : i32
      %dma_wait3A_58 = arith.constant 0 : i32
      %dma_wait3A_59 = tpu.memref_slice %arg3[%add3A, %run_scoped3A_20, %dma_wait3A_57, %dma_wait3A_58] : memref<32x2x40x125xi32, #tpu.memory_space<hbm>> -> memref<1x1x40x125xi32, #tpu.memory_space<hbm>>
      %dma_wait3A_60 = tpu.memref_squeeze %dma_wait3A_59 : memref<1x1x40x125xi32, #tpu.memory_space<hbm>> -> memref<40x125xi32, #tpu.memory_space<hbm>>
      tpu.wait_dma2 semaphore(%run_scoped3A_45 : memref<!tpu.dma_semaphore, #tpu.memory_space<semaphore_mem>>) src(%dma_wait3A_60 : memref<40x125xi32, #tpu.memory_space<hbm>>) dst(%arg7 : memref<40x125xi32, #tpu.memory_space<vmem>>)
      tpu.yield
    }) : () -> ()
    %run_scoped3A_21 = arith.constant 1 : i32
    "tpu.region"() ({
      %run_scoped3A_45 = tpu.sem_alloc : memref<!tpu.dma_semaphore, #tpu.memory_space<semaphore_mem>>
      %dma_start3A_46 = arith.constant 0 : i32
      %dma_start3A_47 = arith.constant 0 : i32
      %dma_start3A_48 = tpu.memref_slice %arg4[%add3A, %run_scoped3A_21, %dma_start3A_46, %dma_start3A_47] : memref<32x2x40x125xi32, #tpu.memory_space<hbm>> -> memref<1x1x40x125xi32, #tpu.memory_space<hbm>>
      %dma_start3A_49 = tpu.memref_squeeze %dma_start3A_48 : memref<1x1x40x125xi32, #tpu.memory_space<hbm>> -> memref<40x125xi32, #tpu.memory_space<hbm>>
      %dma_start3A_50 = arith.constant 0 : i32
      %dma_start3A_51 = arith.constant 0 : i32
      %dma_start3A_52 = tpu.memref_slice %arg4[%add3A, %run_scoped3A_21, %dma_start3A_50, %dma_start3A_51] : memref<32x2x40x125xi32, #tpu.memory_space<hbm>> -> memref<1x1x40x125xi32, #tpu.memory_space<hbm>>
      %dma_start3A_53 = tpu.memref_squeeze %dma_start3A_52 : memref<1x1x40x125xi32, #tpu.memory_space<hbm>> -> memref<40x125xi32, #tpu.memory_space<hbm>>
      tpu.enqueue_dma source(%dma_start3A_53 : memref<40x125xi32, #tpu.memory_space<hbm>>) target(%arg8 : memref<40x125xi32, #tpu.memory_space<vmem>>) target_semaphore(%run_scoped3A_45 : memref<!tpu.dma_semaphore, #tpu.memory_space<semaphore_mem>>)
      %dma_wait3A = arith.constant 0 : i32
      %dma_wait3A_54 = arith.constant 0 : i32
      %dma_wait3A_55 = tpu.memref_slice %arg4[%add3A, %run_scoped3A_21, %dma_wait3A, %dma_wait3A_54] : memref<32x2x40x125xi32, #tpu.memory_space<hbm>> -> memref<1x1x40x125xi32, #tpu.memory_space<hbm>>
      %dma_wait3A_56 = tpu.memref_squeeze %dma_wait3A_55 : memref<1x1x40x125xi32, #tpu.memory_space<hbm>> -> memref<40x125xi32, #tpu.memory_space<hbm>>
      %dma_wait3A_57 = arith.constant 0 : i32
      %dma_wait3A_58 = arith.constant 0 : i32
      %dma_wait3A_59 = tpu.memref_slice %arg4[%add3A, %run_scoped3A_21, %dma_wait3A_57, %dma_wait3A_58] : memref<32x2x40x125xi32, #tpu.memory_space<hbm>> -> memref<1x1x40x125xi32, #tpu.memory_space<hbm>>
      %dma_wait3A_60 = tpu.memref_squeeze %dma_wait3A_59 : memref<1x1x40x125xi32, #tpu.memory_space<hbm>> -> memref<40x125xi32, #tpu.memory_space<hbm>>
      tpu.wait_dma2 semaphore(%run_scoped3A_45 : memref<!tpu.dma_semaphore, #tpu.memory_space<semaphore_mem>>) src(%dma_wait3A_60 : memref<40x125xi32, #tpu.memory_space<hbm>>) dst(%arg8 : memref<40x125xi32, #tpu.memory_space<vmem>>)
      tpu.yield
    }) : () -> ()
    %dma_start3A_22 = arith.constant 0 : i32
    %dma_start3A_23 = arith.constant 0 : i32
    %dma_start3A_24 = arith.constant 0 : i32
    %dma_start3A_25 = arith.constant 0 : i32
    %dma_start3A_26 = tpu.memref_slice %arg9[%dma_start3A_23, %dma_start3A_24, %dma_start3A_25] : memref<2x125x128xf32, #tpu.memory_space<vmem>> -> memref<1x125x128xf32, #tpu.memory_space<vmem>>
    %dma_start3A_27 = tpu.memref_squeeze %dma_start3A_26 : memref<1x125x128xf32, #tpu.memory_space<vmem>> -> memref<125x128xf32, #tpu.memory_space<vmem>>
    %dma_start3A_28 = arith.constant 0 : i32
    %dma_start3A_29 = tpu.memref_slice %arg7[%dma_start3A_22, %dma_start3A_28] : memref<40x125xi32, #tpu.memory_space<vmem>> -> memref<1x125xi32, #tpu.memory_space<vmem>>
    %dma_start3A_30 = tpu.memref_squeeze %dma_start3A_29 : memref<1x125xi32, #tpu.memory_space<vmem>> -> memref<125xi32, #tpu.memory_space<vmem>>
    %dma_start3A_31 = arith.constant 0 : i32
    %dma_start3A_32 = arith.constant 0 : i32
    %dma_start3A_33 = tpu.memref_slice %arg2[%dma_start3A_31, %dma_start3A_32] : memref<10000x128xf32, #tpu.memory_space<hbm>> -> memref<10000x128xf32, #tpu.memory_space<hbm>>
    tpu.enqueue_indirect_dma source(%dma_start3A_33 : memref<10000x128xf32, #tpu.memory_space<hbm>>) target(%dma_start3A_27 : memref<125x128xf32, #tpu.memory_space<vmem>>) offsets(%dma_start3A_30 : memref<125xi32, #tpu.memory_space<vmem>>) semaphore(%arg11 : memref<!tpu.dma_semaphore, #tpu.memory_space<semaphore_mem>>)
    %scan3A_34 = arith.constant 0 : i32
    %scan3A_35 = arith.constant 0 : i32
    %scan3A_36 = arith.constant 20 : i32
    %scan3A_37 = arith.addi %scan3A_35, %scan3A_36 : i32
    %scan3A_38 = arith.constant 1 : i32
    scf.for %scan3A_45 = %scan3A_35 to %scan3A_37 step %scan3A_38  : i32 {
      %mul3A_46 = arith.constant 2 : i32
      %mul3A_47 = arith.muli %mul3A_46, %scan3A_45 : i32
      %dma_wait3A = arith.constant 0 : i32
      %dma_wait3A_48 = arith.constant 0 : i32
      %dma_wait3A_49 = arith.constant 0 : i32
      %dma_wait3A_50 = tpu.memref_slice %arg9[%dma_wait3A, %dma_wait3A_48, %dma_wait3A_49] : memref<2x125x128xf32, #tpu.memory_space<vmem>> -> memref<1x125x128xf32, #tpu.memory_space<vmem>>
      %dma_wait3A_51 = tpu.memref_squeeze %dma_wait3A_50 : memref<1x125x128xf32, #tpu.memory_space<vmem>> -> memref<125x128xf32, #tpu.memory_space<vmem>>
      %dma_wait3A_52 = arith.constant 0 : i32
      %dma_wait3A_53 = tpu.memref_slice %arg7[%mul3A_47, %dma_wait3A_52] : memref<40x125xi32, #tpu.memory_space<vmem>> -> memref<1x125xi32, #tpu.memory_space<vmem>>
      %dma_wait3A_54 = tpu.memref_squeeze %dma_wait3A_53 : memref<1x125xi32, #tpu.memory_space<vmem>> -> memref<125xi32, #tpu.memory_space<vmem>>
      %dma_wait3A_55 = arith.constant 0 : i32
      %dma_wait3A_56 = arith.constant 0 : i32
      %dma_wait3A_57 = tpu.memref_slice %arg2[%dma_wait3A_55, %dma_wait3A_56] : memref<10000x128xf32, #tpu.memory_space<hbm>> -> memref<10000x128xf32, #tpu.memory_space<hbm>>
      tpu.wait_indirect_dma semaphore(%arg11 : memref<!tpu.dma_semaphore, #tpu.memory_space<semaphore_mem>>) src(%dma_wait3A_57 : memref<10000x128xf32, #tpu.memory_space<hbm>>) dst(%dma_wait3A_51 : memref<125x128xf32, #tpu.memory_space<vmem>>)
      %add3A_58 = arith.constant 1 : i32
      %add3A_59 = arith.addi %mul3A_47, %add3A_58 : i32
      %dma_start3A_60 = arith.constant 1 : i32
      %dma_start3A_61 = arith.constant 0 : i32
      %dma_start3A_62 = arith.constant 0 : i32
      %dma_start3A_63 = tpu.memref_slice %arg9[%dma_start3A_60, %dma_start3A_61, %dma_start3A_62] : memref<2x125x128xf32, #tpu.memory_space<vmem>> -> memref<1x125x128xf32, #tpu.memory_space<vmem>>
      %dma_start3A_64 = tpu.memref_squeeze %dma_start3A_63 : memref<1x125x128xf32, #tpu.memory_space<vmem>> -> memref<125x128xf32, #tpu.memory_space<vmem>>
      %dma_start3A_65 = arith.constant 0 : i32
      %dma_start3A_66 = tpu.memref_slice %arg7[%add3A_59, %dma_start3A_65] : memref<40x125xi32, #tpu.memory_space<vmem>> -> memref<1x125xi32, #tpu.memory_space<vmem>>
      %dma_start3A_67 = tpu.memref_squeeze %dma_start3A_66 : memref<1x125xi32, #tpu.memory_space<vmem>> -> memref<125xi32, #tpu.memory_space<vmem>>
      %dma_start3A_68 = arith.constant 0 : i32
      %dma_start3A_69 = arith.constant 0 : i32
      %dma_start3A_70 = tpu.memref_slice %arg2[%dma_start3A_68, %dma_start3A_69] : memref<10000x128xf32, #tpu.memory_space<hbm>> -> memref<10000x128xf32, #tpu.memory_space<hbm>>
      tpu.enqueue_indirect_dma source(%dma_start3A_70 : memref<10000x128xf32, #tpu.memory_space<hbm>>) target(%dma_start3A_64 : memref<125x128xf32, #tpu.memory_space<vmem>>) offsets(%dma_start3A_67 : memref<125xi32, #tpu.memory_space<vmem>>) semaphore(%arg11 : memref<!tpu.dma_semaphore, #tpu.memory_space<semaphore_mem>>)
      %run_scoped3A_71 = arith.constant 0 : i32
      "tpu.region"() ({
        %run_scoped3A_92 = tpu.sem_alloc : memref<!tpu.dma_semaphore, #tpu.memory_space<semaphore_mem>>
        %dma_start3A_93 = arith.constant 0 : i32
        %dma_start3A_94 = arith.constant 0 : i32
        %dma_start3A_95 = tpu.memref_slice %arg9[%run_scoped3A_71, %dma_start3A_93, %dma_start3A_94] : memref<2x125x128xf32, #tpu.memory_space<vmem>> -> memref<1x125x128xf32, #tpu.memory_space<vmem>>
        %dma_start3A_96 = tpu.memref_squeeze %dma_start3A_95 : memref<1x125x128xf32, #tpu.memory_space<vmem>> -> memref<125x128xf32, #tpu.memory_space<vmem>>
        %dma_start3A_97 = arith.constant 0 : i32
        %dma_start3A_98 = tpu.memref_slice %arg8[%mul3A_47, %dma_start3A_97] : memref<40x125xi32, #tpu.memory_space<vmem>> -> memref<1x125xi32, #tpu.memory_space<vmem>>
        %dma_start3A_99 = tpu.memref_squeeze %dma_start3A_98 : memref<1x125xi32, #tpu.memory_space<vmem>> -> memref<125xi32, #tpu.memory_space<vmem>>
        %dma_start3A_100 = arith.constant 0 : i32
        %dma_start3A_101 = arith.constant 0 : i32
        %dma_start3A_102 = tpu.memref_slice %arg10[%dma_start3A_100, %dma_start3A_101] : memref<10240x128xf32, #tpu.memory_space<vmem_shared>> -> memref<10240x128xf32, #tpu.memory_space<vmem_shared>>
        tpu.enqueue_indirect_dma source(%dma_start3A_96 : memref<125x128xf32, #tpu.memory_space<vmem>>) target(%dma_start3A_102 : memref<10240x128xf32, #tpu.memory_space<vmem_shared>>) offsets(%dma_start3A_99 : memref<125xi32, #tpu.memory_space<vmem>>) semaphore(%run_scoped3A_92 : memref<!tpu.dma_semaphore, #tpu.memory_space<semaphore_mem>>) {add = true}
        %dma_wait3A_103 = arith.constant 0 : i32
        %dma_wait3A_104 = arith.constant 0 : i32
        %dma_wait3A_105 = tpu.memref_slice %arg9[%run_scoped3A_71, %dma_wait3A_103, %dma_wait3A_104] : memref<2x125x128xf32, #tpu.memory_space<vmem>> -> memref<1x125x128xf32, #tpu.memory_space<vmem>>
        %dma_wait3A_106 = tpu.memref_squeeze %dma_wait3A_105 : memref<1x125x128xf32, #tpu.memory_space<vmem>> -> memref<125x128xf32, #tpu.memory_space<vmem>>
        %dma_wait3A_107 = arith.constant 0 : i32
        %dma_wait3A_108 = tpu.memref_slice %arg8[%mul3A_47, %dma_wait3A_107] : memref<40x125xi32, #tpu.memory_space<vmem>> -> memref<1x125xi32, #tpu.memory_space<vmem>>
        %dma_wait3A_109 = tpu.memref_squeeze %dma_wait3A_108 : memref<1x125xi32, #tpu.memory_space<vmem>> -> memref<125xi32, #tpu.memory_space<vmem>>
        %dma_wait3A_110 = arith.constant 0 : i32
        %dma_wait3A_111 = arith.constant 0 : i32
        %dma_wait3A_112 = tpu.memref_slice %arg10[%dma_wait3A_110, %dma_wait3A_111] : memref<10240x128xf32, #tpu.memory_space<vmem_shared>> -> memref<10240x128xf32, #tpu.memory_space<vmem_shared>>
        tpu.wait_indirect_dma semaphore(%run_scoped3A_92 : memref<!tpu.dma_semaphore, #tpu.memory_space<semaphore_mem>>) src(%dma_wait3A_106 : memref<125x128xf32, #tpu.memory_space<vmem>>) dst(%dma_wait3A_112 : memref<10240x128xf32, #tpu.memory_space<vmem_shared>>)
        tpu.yield
      }) : () -> ()
      %add3A_72 = arith.constant 1 : i32
      %add3A_73 = arith.addi %mul3A_47, %add3A_72 : i32
      %dma_wait3A_74 = arith.constant 1 : i32
      %dma_wait3A_75 = arith.constant 0 : i32
      %dma_wait3A_76 = arith.constant 0 : i32
      %dma_wait3A_77 = tpu.memref_slice %arg9[%dma_wait3A_74, %dma_wait3A_75, %dma_wait3A_76] : memref<2x125x128xf32, #tpu.memory_space<vmem>> -> memref<1x125x128xf32, #tpu.memory_space<vmem>>
      %dma_wait3A_78 = tpu.memref_squeeze %dma_wait3A_77 : memref<1x125x128xf32, #tpu.memory_space<vmem>> -> memref<125x128xf32, #tpu.memory_space<vmem>>
      %dma_wait3A_79 = arith.constant 0 : i32
      %dma_wait3A_80 = tpu.memref_slice %arg7[%add3A_73, %dma_wait3A_79] : memref<40x125xi32, #tpu.memory_space<vmem>> -> memref<1x125xi32, #tpu.memory_space<vmem>>
      %dma_wait3A_81 = tpu.memref_squeeze %dma_wait3A_80 : memref<1x125xi32, #tpu.memory_space<vmem>> -> memref<125xi32, #tpu.memory_space<vmem>>
      %dma_wait3A_82 = arith.constant 0 : i32
      %dma_wait3A_83 = arith.constant 0 : i32
      %dma_wait3A_84 = tpu.memref_slice %arg2[%dma_wait3A_82, %dma_wait3A_83] : memref<10000x128xf32, #tpu.memory_space<hbm>> -> memref<10000x128xf32, #tpu.memory_space<hbm>>
      tpu.wait_indirect_dma semaphore(%arg11 : memref<!tpu.dma_semaphore, #tpu.memory_space<semaphore_mem>>) src(%dma_wait3A_84 : memref<10000x128xf32, #tpu.memory_space<hbm>>) dst(%dma_wait3A_78 : memref<125x128xf32, #tpu.memory_space<vmem>>)
      %add3A_85 = arith.constant 1 : i32
      %add3A_86 = arith.addi %scan3A_45, %add3A_85 : i32
      %lt3A = arith.constant 20 : i32
      %lt3A_87 = arith.cmpi slt, %add3A_86, %lt3A : i32
      %convert_element_type3A = arith.extui %lt3A_87 : i1 to i32
      %cond3A = arith.constant 0 : i32
      %cond3A_88 = arith.cmpi ne, %convert_element_type3A, %cond3A : i32
      scf.if %cond3A_88 {
        %add3A_92 = arith.constant 2 : i32
        %add3A_93 = arith.addi %mul3A_47, %add3A_92 : i32
        %dma_start3A_94 = arith.constant 0 : i32
        %dma_start3A_95 = arith.constant 0 : i32
        %dma_start3A_96 = arith.constant 0 : i32
        %dma_start3A_97 = tpu.memref_slice %arg9[%dma_start3A_94, %dma_start3A_95, %dma_start3A_96] : memref<2x125x128xf32, #tpu.memory_space<vmem>> -> memref<1x125x128xf32, #tpu.memory_space<vmem>>
        %dma_start3A_98 = tpu.memref_squeeze %dma_start3A_97 : memref<1x125x128xf32, #tpu.memory_space<vmem>> -> memref<125x128xf32, #tpu.memory_space<vmem>>
        %dma_start3A_99 = arith.constant 0 : i32
        %dma_start3A_100 = tpu.memref_slice %arg7[%add3A_93, %dma_start3A_99] : memref<40x125xi32, #tpu.memory_space<vmem>> -> memref<1x125xi32, #tpu.memory_space<vmem>>
        %dma_start3A_101 = tpu.memref_squeeze %dma_start3A_100 : memref<1x125xi32, #tpu.memory_space<vmem>> -> memref<125xi32, #tpu.memory_space<vmem>>
        %dma_start3A_102 = arith.constant 0 : i32
        %dma_start3A_103 = arith.constant 0 : i32
        %dma_start3A_104 = tpu.memref_slice %arg2[%dma_start3A_102, %dma_start3A_103] : memref<10000x128xf32, #tpu.memory_space<hbm>> -> memref<10000x128xf32, #tpu.memory_space<hbm>>
        tpu.enqueue_indirect_dma source(%dma_start3A_104 : memref<10000x128xf32, #tpu.memory_space<hbm>>) target(%dma_start3A_98 : memref<125x128xf32, #tpu.memory_space<vmem>>) offsets(%dma_start3A_101 : memref<125xi32, #tpu.memory_space<vmem>>) semaphore(%arg11 : memref<!tpu.dma_semaphore, #tpu.memory_space<semaphore_mem>>)
      } else {
      }
      %add3A_89 = arith.constant 1 : i32
      %add3A_90 = arith.addi %mul3A_47, %add3A_89 : i32
      %run_scoped3A_91 = arith.constant 1 : i32
      "tpu.region"() ({
        %run_scoped3A_92 = tpu.sem_alloc : memref<!tpu.dma_semaphore, #tpu.memory_space<semaphore_mem>>
        %dma_start3A_93 = arith.constant 0 : i32
        %dma_start3A_94 = arith.constant 0 : i32
        %dma_start3A_95 = tpu.memref_slice %arg9[%run_scoped3A_91, %dma_start3A_93, %dma_start3A_94] : memref<2x125x128xf32, #tpu.memory_space<vmem>> -> memref<1x125x128xf32, #tpu.memory_space<vmem>>
        %dma_start3A_96 = tpu.memref_squeeze %dma_start3A_95 : memref<1x125x128xf32, #tpu.memory_space<vmem>> -> memref<125x128xf32, #tpu.memory_space<vmem>>
        %dma_start3A_97 = arith.constant 0 : i32
        %dma_start3A_98 = tpu.memref_slice %arg8[%add3A_90, %dma_start3A_97] : memref<40x125xi32, #tpu.memory_space<vmem>> -> memref<1x125xi32, #tpu.memory_space<vmem>>
        %dma_start3A_99 = tpu.memref_squeeze %dma_start3A_98 : memref<1x125xi32, #tpu.memory_space<vmem>> -> memref<125xi32, #tpu.memory_space<vmem>>
        %dma_start3A_100 = arith.constant 0 : i32
        %dma_start3A_101 = arith.constant 0 : i32
        %dma_start3A_102 = tpu.memref_slice %arg10[%dma_start3A_100, %dma_start3A_101] : memref<10240x128xf32, #tpu.memory_space<vmem_shared>> -> memref<10240x128xf32, #tpu.memory_space<vmem_shared>>
        tpu.enqueue_indirect_dma source(%dma_start3A_96 : memref<125x128xf32, #tpu.memory_space<vmem>>) target(%dma_start3A_102 : memref<10240x128xf32, #tpu.memory_space<vmem_shared>>) offsets(%dma_start3A_99 : memref<125xi32, #tpu.memory_space<vmem>>) semaphore(%run_scoped3A_92 : memref<!tpu.dma_semaphore, #tpu.memory_space<semaphore_mem>>) {add = true}
        %dma_wait3A_103 = arith.constant 0 : i32
        %dma_wait3A_104 = arith.constant 0 : i32
        %dma_wait3A_105 = tpu.memref_slice %arg9[%run_scoped3A_91, %dma_wait3A_103, %dma_wait3A_104] : memref<2x125x128xf32, #tpu.memory_space<vmem>> -> memref<1x125x128xf32, #tpu.memory_space<vmem>>
        %dma_wait3A_106 = tpu.memref_squeeze %dma_wait3A_105 : memref<1x125x128xf32, #tpu.memory_space<vmem>> -> memref<125x128xf32, #tpu.memory_space<vmem>>
        %dma_wait3A_107 = arith.constant 0 : i32
        %dma_wait3A_108 = tpu.memref_slice %arg8[%add3A_90, %dma_wait3A_107] : memref<40x125xi32, #tpu.memory_space<vmem>> -> memref<1x125xi32, #tpu.memory_space<vmem>>
        %dma_wait3A_109 = tpu.memref_squeeze %dma_wait3A_108 : memref<1x125xi32, #tpu.memory_space<vmem>> -> memref<125xi32, #tpu.memory_space<vmem>>
        %dma_wait3A_110 = arith.constant 0 : i32
        %dma_wait3A_111 = arith.constant 0 : i32
        %dma_wait3A_112 = tpu.memref_slice %arg10[%dma_wait3A_110, %dma_wait3A_111] : memref<10240x128xf32, #tpu.memory_space<vmem_shared>> -> memref<10240x128xf32, #tpu.memory_space<vmem_shared>>
        tpu.wait_indirect_dma semaphore(%run_scoped3A_92 : memref<!tpu.dma_semaphore, #tpu.memory_space<semaphore_mem>>) src(%dma_wait3A_106 : memref<125x128xf32, #tpu.memory_space<vmem>>) dst(%dma_wait3A_112 : memref<10240x128xf32, #tpu.memory_space<vmem_shared>>)
        tpu.yield
      }) : () -> ()
    }
    %scan3A_39 = arith.constant 20 : i32
    %barrier3A_40 = arith.constant 0 : index
    tpu.barrier barrier_id(%barrier3A_40)
    %mul3A_41 = arith.constant 640 : i32
    %mul3A_42 = arith.muli %arg1, %mul3A_41 : i32
    %mul3A_43 = arith.constant 640 : i32
    %mul3A_44 = arith.muli %arg1, %mul3A_43 : i32
    "tpu.region"() ({
      %run_scoped3A_45 = tpu.sem_alloc : memref<!tpu.dma_semaphore, #tpu.memory_space<semaphore_mem>>
      %dma_start3A_46 = arith.constant 0 : i32
      %dma_start3A_47 = tpu.memref_slice %arg6[%arg0, %mul3A_44, %dma_start3A_46] : memref<2x10240x128xf32, #tpu.memory_space<hbm>> -> memref<1x640x128xf32, #tpu.memory_space<hbm>>
      %dma_start3A_48 = tpu.memref_squeeze %dma_start3A_47 : memref<1x640x128xf32, #tpu.memory_space<hbm>> -> memref<640x128xf32, #tpu.memory_space<hbm>>
      %dma_start3A_49 = arith.constant 0 : i32
      %dma_start3A_50 = tpu.memref_slice %arg10[%mul3A_42, %dma_start3A_49] : memref<10240x128xf32, #tpu.memory_space<vmem_shared>> -> memref<640x128xf32, #tpu.memory_space<vmem_shared>>
      tpu.enqueue_dma source(%dma_start3A_50 : memref<640x128xf32, #tpu.memory_space<vmem_shared>>) target(%dma_start3A_48 : memref<640x128xf32, #tpu.memory_space<hbm>>) target_semaphore(%run_scoped3A_45 : memref<!tpu.dma_semaphore, #tpu.memory_space<semaphore_mem>>)
      %dma_wait3A = arith.constant 0 : i32
      %dma_wait3A_51 = tpu.memref_slice %arg6[%arg0, %mul3A_44, %dma_wait3A] : memref<2x10240x128xf32, #tpu.memory_space<hbm>> -> memref<1x640x128xf32, #tpu.memory_space<hbm>>
      %dma_wait3A_52 = tpu.memref_squeeze %dma_wait3A_51 : memref<1x640x128xf32, #tpu.memory_space<hbm>> -> memref<640x128xf32, #tpu.memory_space<hbm>>
      %dma_wait3A_53 = arith.constant 0 : i32
      %dma_wait3A_54 = tpu.memref_slice %arg10[%mul3A_42, %dma_wait3A_53] : memref<10240x128xf32, #tpu.memory_space<vmem_shared>> -> memref<640x128xf32, #tpu.memory_space<vmem_shared>>
      tpu.wait_dma2 semaphore(%run_scoped3A_45 : memref<!tpu.dma_semaphore, #tpu.memory_space<semaphore_mem>>) src(%dma_wait3A_54 : memref<640x128xf32, #tpu.memory_space<vmem_shared>>) dst(%dma_wait3A_52 : memref<640x128xf32, #tpu.memory_space<hbm>>)
      tpu.yield
    }) : () -> ()
    return
  }
}

module attributes {stable_mosaic.version = 14 : i64} {
  func.func @_layer1_body(%arg0: i32, %arg1: memref<2x1000x128xf32, #tpu.memory_space<vmem>>, %arg2: memref<1x1000x32xf32, #tpu.memory_space<vmem>>, %arg3: memref<1000x128xf32, #tpu.memory_space<vmem>>, %arg4: memref<128x128xf32, #tpu.memory_space<vmem>>, %arg5: memref<1x128xf32, #tpu.memory_space<vmem>>, %arg6: memref<128x128xf32, #tpu.memory_space<vmem>>, %arg7: memref<1000x128xf32, #tpu.memory_space<vmem>>, %arg8: memref<1000x1xf32, #tpu.memory_space<vmem>>) attributes {dimension_semantics = [#tpu.dimension_semantics<arbitrary>], iteration_bounds = array<i64: 10>, scalar_prefetch = 0 : i64, scratch_operands = 0 : i64, tpu.core_type = #tpu.core_type<tc>, window_params = [{transform_indices = @transform_0, window_bounds = array<i64: 2, 1000, 128>}, {transform_indices = @transform_1, window_bounds = array<i64: 1, 1000, 32>}, {transform_indices = @transform_2, window_bounds = array<i64: 1000, 128>}, {pipeline_mode = #tpu.pipeline_mode<synchronous>, transform_indices = @transform_3, window_bounds = array<i64: 128, 128>}, {pipeline_mode = #tpu.pipeline_mode<synchronous>, transform_indices = @transform_4, window_bounds = array<i64: 1, 128>}, {pipeline_mode = #tpu.pipeline_mode<synchronous>, transform_indices = @transform_5, window_bounds = array<i64: 128, 128>}, {transform_indices = @transform_6, window_bounds = array<i64: 1000, 128>}, {transform_indices = @transform_7, window_bounds = array<i64: 1000, 1>}]} {
    %get3A = arith.constant 0 : index
    %get3A_0 = arith.constant 0 : index
    %get3A_1 = arith.constant 0 : index
    %get3A_2 = vector.load %arg2[%get3A, %get3A_0, %get3A_1] : memref<1x1000x32xf32, #tpu.memory_space<vmem>>, vector<1x1000x32xf32>
    %get3A_3 = vector.shape_cast %get3A_2 : vector<1x1000x32xf32> to vector<1000x32xf32>
    %reduce_sum3A = arith.constant dense<0.000000e+00> : vector<1000xf32>
    %reduce_sum3A_4 = vector.multi_reduction <add>, %get3A_3, %reduce_sum3A [1] : vector<1000x32xf32> to vector<1000xf32>
    %max3A = arith.constant 1.000000e+00 : f32
    %max3A_5 = vector.broadcast %max3A : f32 to vector<1000xf32>
    %max3A_6 = arith.maximumf %reduce_sum3A_4, %max3A_5 : vector<1000xf32>
    %div3A = arith.constant 1.000000e+00 : f32
    %div3A_7 = vector.broadcast %div3A : f32 to vector<1000xf32>
    %div3A_8 = arith.divf %div3A_7, %max3A_6 : vector<1000xf32>
    %broadcast_in_dim3A = vector.shape_cast %div3A_8 : vector<1000xf32> to vector<1000x1xf32>
    %swap3A = arith.constant 0 : index
    %swap3A_9 = arith.constant 0 : index
    %swap3A_10 = vector.load %arg8[%swap3A, %swap3A_9] : memref<1000x1xf32, #tpu.memory_space<vmem>>, vector<1000x1xf32>
    tpu.vector_store %arg8[%swap3A, %swap3A_9], %broadcast_in_dim3A {strides = array<i32>} : memref<1000x1xf32, #tpu.memory_space<vmem>>, vector<1000x1xf32>,
    %get3A_11 = arith.constant 0 : index
    %get3A_12 = arith.constant 0 : index
    %get3A_13 = arith.constant 0 : index
    %get3A_14 = vector.load %arg1[%get3A_11, %get3A_12, %get3A_13] : memref<2x1000x128xf32, #tpu.memory_space<vmem>>, vector<1x1000x128xf32>
    %get3A_15 = vector.shape_cast %get3A_14 : vector<1x1000x128xf32> to vector<1000x128xf32>
    %get3A_16 = arith.constant 1 : index
    %get3A_17 = arith.constant 0 : index
    %get3A_18 = arith.constant 0 : index
    %get3A_19 = vector.load %arg1[%get3A_16, %get3A_17, %get3A_18] : memref<2x1000x128xf32, #tpu.memory_space<vmem>>, vector<1x1000x128xf32>
    %get3A_20 = vector.shape_cast %get3A_19 : vector<1x1000x128xf32> to vector<1000x128xf32>
    %add3A = arith.addf %get3A_15, %get3A_20 : vector<1000x128xf32>
    %mul3A = vector.broadcast %broadcast_in_dim3A : vector<1000x1xf32> to vector<1000x128xf32>
    %mul3A_21 = arith.mulf %add3A, %mul3A : vector<1000x128xf32>
    %get3A_22 = arith.constant 0 : index
    %get3A_23 = arith.constant 0 : index
    %get3A_24 = vector.load %arg4[%get3A_22, %get3A_23] : memref<128x128xf32, #tpu.memory_space<vmem>>, vector<128x128xf32>
    %dot_general3A = arith.constant dense<0.000000e+00> : vector<1000x128xf32>
    %dot_general3A_25 = tpu.matmul %mul3A_21, %get3A_24, %dot_general3A {dimension_numbers = #tpu.dot_dimension_numbers<[1], [0], [0], [1], [0, 0, 1, 1], [], []>, precision = #tpu.contract_precision<fp32>, transpose_lhs_hint = false} : vector<1000x128xf32>, vector<128x128xf32>, vector<1000x128xf32> -> vector<1000x128xf32>
    %get3A_26 = arith.constant 0 : index
    %get3A_27 = arith.constant 0 : index
    %get3A_28 = vector.load %arg5[%get3A_26, %get3A_27] : memref<1x128xf32, #tpu.memory_space<vmem>>, vector<1x128xf32>
    %add3A_29 = vector.broadcast %get3A_28 : vector<1x128xf32> to vector<1000x128xf32>
    %add3A_30 = arith.addf %dot_general3A_25, %add3A_29 : vector<1000x128xf32>
    %get3A_31 = arith.constant 0 : index
    %get3A_32 = arith.constant 0 : index
    %get3A_33 = vector.load %arg3[%get3A_31, %get3A_32] : memref<1000x128xf32, #tpu.memory_space<vmem>>, vector<1000x128xf32>
    %get3A_34 = arith.constant 0 : index
    %get3A_35 = arith.constant 0 : index
    %get3A_36 = vector.load %arg6[%get3A_34, %get3A_35] : memref<128x128xf32, #tpu.memory_space<vmem>>, vector<128x128xf32>
    %dot_general3A_37 = arith.constant dense<0.000000e+00> : vector<1000x128xf32>
    %dot_general3A_38 = tpu.matmul %get3A_33, %get3A_36, %dot_general3A_37 {dimension_numbers = #tpu.dot_dimension_numbers<[1], [0], [0], [1], [0, 0, 1, 1], [], []>, precision = #tpu.contract_precision<fp32>, transpose_lhs_hint = false} : vector<1000x128xf32>, vector<128x128xf32>, vector<1000x128xf32> -> vector<1000x128xf32>
    %add3A_39 = arith.addf %add3A_30, %dot_general3A_38 : vector<1000x128xf32>
    %max3A_40 = arith.constant 0.000000e+00 : f32
    %max3A_41 = vector.broadcast %max3A_40 : f32 to vector<1000x128xf32>
    %max3A_42 = arith.maximumf %add3A_39, %max3A_41 : vector<1000x128xf32>
    %swap3A_43 = arith.constant 0 : index
    %swap3A_44 = arith.constant 0 : index
    %swap3A_45 = vector.load %arg7[%swap3A_43, %swap3A_44] : memref<1000x128xf32, #tpu.memory_space<vmem>>, vector<1000x128xf32>
    tpu.vector_store %arg7[%swap3A_43, %swap3A_44], %max3A_42 {strides = array<i32>} : memref<1000x128xf32, #tpu.memory_space<vmem>>, vector<1000x128xf32>,
    return
  }
  func.func @transform_0(%arg0: i32) -> (i32, i32, i32) {
    %c0_i32 = arith.constant 0 : i32
    %c0_i32_0 = arith.constant 0 : i32
    %c0_i32_1 = arith.constant 0 : i32
    return %c0_i32, %arg0, %c0_i32_0 : i32, i32, i32
  }
  func.func @transform_1(%arg0: i32) -> (i32, i32, i32) {
    %c0_i32 = arith.constant 0 : i32
    %c0_i32_0 = arith.constant 0 : i32
    %c0_i32_1 = arith.constant 0 : i32
    return %arg0, %c0_i32, %c0_i32_0 : i32, i32, i32
  }
  func.func @transform_2(%arg0: i32) -> (i32, i32) {
    %c0_i32 = arith.constant 0 : i32
    %c0_i32_0 = arith.constant 0 : i32
    return %arg0, %c0_i32 : i32, i32
  }
  func.func @transform_3(%arg0: i32) -> (i32, i32) {
    %c0_i32 = arith.constant 0 : i32
    %c0_i32_0 = arith.constant 0 : i32
    %c0_i32_1 = arith.constant 0 : i32
    return %c0_i32, %c0_i32_0 : i32, i32
  }
  func.func @transform_4(%arg0: i32) -> (i32, i32) {
    %c0_i32 = arith.constant 0 : i32
    %c0_i32_0 = arith.constant 0 : i32
    %c0_i32_1 = arith.constant 0 : i32
    return %c0_i32, %c0_i32_0 : i32, i32
  }
  func.func @transform_5(%arg0: i32) -> (i32, i32) {
    %c0_i32 = arith.constant 0 : i32
    %c0_i32_0 = arith.constant 0 : i32
    %c0_i32_1 = arith.constant 0 : i32
    return %c0_i32, %c0_i32_0 : i32, i32
  }
  func.func @transform_6(%arg0: i32) -> (i32, i32) {
    %c0_i32 = arith.constant 0 : i32
    %c0_i32_0 = arith.constant 0 : i32
    return %arg0, %c0_i32 : i32, i32
  }
  func.func @transform_7(%arg0: i32) -> (i32, i32) {
    %c0_i32 = arith.constant 0 : i32
    %c0_i32_0 = arith.constant 0 : i32
    return %arg0, %c0_i32 : i32, i32
  }
}

module attributes {stable_mosaic.version = 14 : i64} {
  func.func @_layer_body(%arg0: i32, %arg1: memref<2x1000x128xf32, #tpu.memory_space<vmem>>, %arg2: memref<1000x1xf32, #tpu.memory_space<vmem>>, %arg3: memref<1000x128xf32, #tpu.memory_space<vmem>>, %arg4: memref<128x128xf32, #tpu.memory_space<vmem>>, %arg5: memref<1x128xf32, #tpu.memory_space<vmem>>, %arg6: memref<128x128xf32, #tpu.memory_space<vmem>>, %arg7: memref<1000x128xf32, #tpu.memory_space<vmem>>) attributes {dimension_semantics = [#tpu.dimension_semantics<arbitrary>], iteration_bounds = array<i64: 10>, scalar_prefetch = 0 : i64, scratch_operands = 0 : i64, tpu.core_type = #tpu.core_type<tc>, window_params = [{transform_indices = @transform_0, window_bounds = array<i64: 2, 1000, 128>}, {transform_indices = @transform_1, window_bounds = array<i64: 1000, 1>}, {transform_indices = @transform_2, window_bounds = array<i64: 1000, 128>}, {pipeline_mode = #tpu.pipeline_mode<synchronous>, transform_indices = @transform_3, window_bounds = array<i64: 128, 128>}, {pipeline_mode = #tpu.pipeline_mode<synchronous>, transform_indices = @transform_4, window_bounds = array<i64: 1, 128>}, {pipeline_mode = #tpu.pipeline_mode<synchronous>, transform_indices = @transform_5, window_bounds = array<i64: 128, 128>}, {transform_indices = @transform_6, window_bounds = array<i64: 1000, 128>}]} {
    %get3A = arith.constant 0 : index
    %get3A_0 = arith.constant 0 : index
    %get3A_1 = arith.constant 0 : index
    %get3A_2 = vector.load %arg1[%get3A, %get3A_0, %get3A_1] : memref<2x1000x128xf32, #tpu.memory_space<vmem>>, vector<1x1000x128xf32>
    %get3A_3 = vector.shape_cast %get3A_2 : vector<1x1000x128xf32> to vector<1000x128xf32>
    %get3A_4 = arith.constant 1 : index
    %get3A_5 = arith.constant 0 : index
    %get3A_6 = arith.constant 0 : index
    %get3A_7 = vector.load %arg1[%get3A_4, %get3A_5, %get3A_6] : memref<2x1000x128xf32, #tpu.memory_space<vmem>>, vector<1x1000x128xf32>
    %get3A_8 = vector.shape_cast %get3A_7 : vector<1x1000x128xf32> to vector<1000x128xf32>
    %add3A = arith.addf %get3A_3, %get3A_8 : vector<1000x128xf32>
    %get3A_9 = arith.constant 0 : index
    %get3A_10 = arith.constant 0 : index
    %get3A_11 = vector.load %arg2[%get3A_9, %get3A_10] : memref<1000x1xf32, #tpu.memory_space<vmem>>, vector<1000x1xf32>
    %mul3A = vector.broadcast %get3A_11 : vector<1000x1xf32> to vector<1000x128xf32>
    %mul3A_12 = arith.mulf %add3A, %mul3A : vector<1000x128xf32>
    %get3A_13 = arith.constant 0 : index
    %get3A_14 = arith.constant 0 : index
    %get3A_15 = vector.load %arg4[%get3A_13, %get3A_14] : memref<128x128xf32, #tpu.memory_space<vmem>>, vector<128x128xf32>
    %dot_general3A = arith.constant dense<0.000000e+00> : vector<1000x128xf32>
    %dot_general3A_16 = tpu.matmul %mul3A_12, %get3A_15, %dot_general3A {dimension_numbers = #tpu.dot_dimension_numbers<[1], [0], [0], [1], [0, 0, 1, 1], [], []>, precision = #tpu.contract_precision<fp32>, transpose_lhs_hint = false} : vector<1000x128xf32>, vector<128x128xf32>, vector<1000x128xf32> -> vector<1000x128xf32>
    %get3A_17 = arith.constant 0 : index
    %get3A_18 = arith.constant 0 : index
    %get3A_19 = vector.load %arg5[%get3A_17, %get3A_18] : memref<1x128xf32, #tpu.memory_space<vmem>>, vector<1x128xf32>
    %add3A_20 = vector.broadcast %get3A_19 : vector<1x128xf32> to vector<1000x128xf32>
    %add3A_21 = arith.addf %dot_general3A_16, %add3A_20 : vector<1000x128xf32>
    %get3A_22 = arith.constant 0 : index
    %get3A_23 = arith.constant 0 : index
    %get3A_24 = vector.load %arg3[%get3A_22, %get3A_23] : memref<1000x128xf32, #tpu.memory_space<vmem>>, vector<1000x128xf32>
    %get3A_25 = arith.constant 0 : index
    %get3A_26 = arith.constant 0 : index
    %get3A_27 = vector.load %arg6[%get3A_25, %get3A_26] : memref<128x128xf32, #tpu.memory_space<vmem>>, vector<128x128xf32>
    %dot_general3A_28 = arith.constant dense<0.000000e+00> : vector<1000x128xf32>
    %dot_general3A_29 = tpu.matmul %get3A_24, %get3A_27, %dot_general3A_28 {dimension_numbers = #tpu.dot_dimension_numbers<[1], [0], [0], [1], [0, 0, 1, 1], [], []>, precision = #tpu.contract_precision<fp32>, transpose_lhs_hint = false} : vector<1000x128xf32>, vector<128x128xf32>, vector<1000x128xf32> -> vector<1000x128xf32>
    %add3A_30 = arith.addf %add3A_21, %dot_general3A_29 : vector<1000x128xf32>
    %max3A = arith.constant 0.000000e+00 : f32
    %max3A_31 = vector.broadcast %max3A : f32 to vector<1000x128xf32>
    %max3A_32 = arith.maximumf %add3A_30, %max3A_31 : vector<1000x128xf32>
    %swap3A = arith.constant 0 : index
    %swap3A_33 = arith.constant 0 : index
    %swap3A_34 = vector.load %arg7[%swap3A, %swap3A_33] : memref<1000x128xf32, #tpu.memory_space<vmem>>, vector<1000x128xf32>
    tpu.vector_store %arg7[%swap3A, %swap3A_33], %max3A_32 {strides = array<i32>} : memref<1000x128xf32, #tpu.memory_space<vmem>>, vector<1000x128xf32>,
    return
  }
  func.func @transform_0(%arg0: i32) -> (i32, i32, i32) {
    %c0_i32 = arith.constant 0 : i32
    %c0_i32_0 = arith.constant 0 : i32
    %c0_i32_1 = arith.constant 0 : i32
    return %c0_i32, %arg0, %c0_i32_0 : i32, i32, i32
  }
  func.func @transform_1(%arg0: i32) -> (i32, i32) {
    %c0_i32 = arith.constant 0 : i32
    %c0_i32_0 = arith.constant 0 : i32
    return %arg0, %c0_i32 : i32, i32
  }
  func.func @transform_2(%arg0: i32) -> (i32, i32) {
    %c0_i32 = arith.constant 0 : i32
    %c0_i32_0 = arith.constant 0 : i32
    return %arg0, %c0_i32 : i32, i32
  }
  func.func @transform_3(%arg0: i32) -> (i32, i32) {
    %c0_i32 = arith.constant 0 : i32
    %c0_i32_0 = arith.constant 0 : i32
    %c0_i32_1 = arith.constant 0 : i32
    return %c0_i32, %c0_i32_0 : i32, i32
  }
  func.func @transform_4(%arg0: i32) -> (i32, i32) {
    %c0_i32 = arith.constant 0 : i32
    %c0_i32_0 = arith.constant 0 : i32
    %c0_i32_1 = arith.constant 0 : i32
    return %c0_i32, %c0_i32_0 : i32, i32
  }
  func.func @transform_5(%arg0: i32) -> (i32, i32) {
    %c0_i32 = arith.constant 0 : i32
    %c0_i32_0 = arith.constant 0 : i32
    %c0_i32_1 = arith.constant 0 : i32
    return %c0_i32, %c0_i32_0 : i32, i32
  }
  func.func @transform_6(%arg0: i32) -> (i32, i32) {
    %c0_i32 = arith.constant 0 : i32
    %c0_i32_0 = arith.constant 0 : i32
    return %arg0, %c0_i32 : i32, i32
  }
}

module attributes {stable_mosaic.version = 14 : i64} {
  func.func @_layer3_body(%arg0: i32, %arg1: memref<2x1000x128xf32, #tpu.memory_space<vmem>>, %arg2: memref<1000x1xf32, #tpu.memory_space<vmem>>, %arg3: memref<1000x128xf32, #tpu.memory_space<vmem>>, %arg4: memref<128x64xf32, #tpu.memory_space<vmem>>, %arg5: memref<1x64xf32, #tpu.memory_space<vmem>>, %arg6: memref<128x64xf32, #tpu.memory_space<vmem>>, %arg7: memref<64x32xf32, #tpu.memory_space<vmem>>, %arg8: memref<1x32xf32, #tpu.memory_space<vmem>>, %arg9: memref<32x1xf32, #tpu.memory_space<vmem>>, %arg10: memref<1x1xf32, #tpu.memory_space<vmem>>, %arg11: memref<1000x1xf32, #tpu.memory_space<vmem>>) attributes {dimension_semantics = [#tpu.dimension_semantics<arbitrary>], iteration_bounds = array<i64: 10>, scalar_prefetch = 0 : i64, scratch_operands = 0 : i64, tpu.core_type = #tpu.core_type<tc>, window_params = [{transform_indices = @transform_0, window_bounds = array<i64: 2, 1000, 128>}, {transform_indices = @transform_1, window_bounds = array<i64: 1000, 1>}, {transform_indices = @transform_2, window_bounds = array<i64: 1000, 128>}, {pipeline_mode = #tpu.pipeline_mode<synchronous>, transform_indices = @transform_3, window_bounds = array<i64: 128, 64>}, {pipeline_mode = #tpu.pipeline_mode<synchronous>, transform_indices = @transform_4, window_bounds = array<i64: 1, 64>}, {pipeline_mode = #tpu.pipeline_mode<synchronous>, transform_indices = @transform_5, window_bounds = array<i64: 128, 64>}, {pipeline_mode = #tpu.pipeline_mode<synchronous>, transform_indices = @transform_6, window_bounds = array<i64: 64, 32>}, {pipeline_mode = #tpu.pipeline_mode<synchronous>, transform_indices = @transform_7, window_bounds = array<i64: 1, 32>}, {pipeline_mode = #tpu.pipeline_mode<synchronous>, transform_indices = @transform_8, window_bounds = array<i64: 32, 1>}, {pipeline_mode = #tpu.pipeline_mode<synchronous>, transform_indices = @transform_9, window_bounds = array<i64: 1, 1>}, {transform_indices = @transform_10, window_bounds = array<i64: 1000, 1>}]} {
    %get3A = arith.constant 0 : index
    %get3A_0 = arith.constant 0 : index
    %get3A_1 = arith.constant 0 : index
    %get3A_2 = vector.load %arg1[%get3A, %get3A_0, %get3A_1] : memref<2x1000x128xf32, #tpu.memory_space<vmem>>, vector<1x1000x128xf32>
    %get3A_3 = vector.shape_cast %get3A_2 : vector<1x1000x128xf32> to vector<1000x128xf32>
    %get3A_4 = arith.constant 1 : index
    %get3A_5 = arith.constant 0 : index
    %get3A_6 = arith.constant 0 : index
    %get3A_7 = vector.load %arg1[%get3A_4, %get3A_5, %get3A_6] : memref<2x1000x128xf32, #tpu.memory_space<vmem>>, vector<1x1000x128xf32>
    %get3A_8 = vector.shape_cast %get3A_7 : vector<1x1000x128xf32> to vector<1000x128xf32>
    %add3A = arith.addf %get3A_3, %get3A_8 : vector<1000x128xf32>
    %get3A_9 = arith.constant 0 : index
    %get3A_10 = arith.constant 0 : index
    %get3A_11 = vector.load %arg2[%get3A_9, %get3A_10] : memref<1000x1xf32, #tpu.memory_space<vmem>>, vector<1000x1xf32>
    %mul3A = vector.broadcast %get3A_11 : vector<1000x1xf32> to vector<1000x128xf32>
    %mul3A_12 = arith.mulf %add3A, %mul3A : vector<1000x128xf32>
    %get3A_13 = arith.constant 0 : index
    %get3A_14 = arith.constant 0 : index
    %get3A_15 = vector.load %arg4[%get3A_13, %get3A_14] : memref<128x64xf32, #tpu.memory_space<vmem>>, vector<128x64xf32>
    %dot_general3A = arith.constant dense<0.000000e+00> : vector<1000x64xf32>
    %dot_general3A_16 = tpu.matmul %mul3A_12, %get3A_15, %dot_general3A {dimension_numbers = #tpu.dot_dimension_numbers<[1], [0], [0], [1], [0, 0, 1, 1], [], []>, precision = #tpu.contract_precision<fp32>, transpose_lhs_hint = false} : vector<1000x128xf32>, vector<128x64xf32>, vector<1000x64xf32> -> vector<1000x64xf32>
    %get3A_17 = arith.constant 0 : index
    %get3A_18 = arith.constant 0 : index
    %get3A_19 = vector.load %arg5[%get3A_17, %get3A_18] : memref<1x64xf32, #tpu.memory_space<vmem>>, vector<1x64xf32>
    %add3A_20 = vector.broadcast %get3A_19 : vector<1x64xf32> to vector<1000x64xf32>
    %add3A_21 = arith.addf %dot_general3A_16, %add3A_20 : vector<1000x64xf32>
    %get3A_22 = arith.constant 0 : index
    %get3A_23 = arith.constant 0 : index
    %get3A_24 = vector.load %arg3[%get3A_22, %get3A_23] : memref<1000x128xf32, #tpu.memory_space<vmem>>, vector<1000x128xf32>
    %get3A_25 = arith.constant 0 : index
    %get3A_26 = arith.constant 0 : index
    %get3A_27 = vector.load %arg6[%get3A_25, %get3A_26] : memref<128x64xf32, #tpu.memory_space<vmem>>, vector<128x64xf32>
    %dot_general3A_28 = arith.constant dense<0.000000e+00> : vector<1000x64xf32>
    %dot_general3A_29 = tpu.matmul %get3A_24, %get3A_27, %dot_general3A_28 {dimension_numbers = #tpu.dot_dimension_numbers<[1], [0], [0], [1], [0, 0, 1, 1], [], []>, precision = #tpu.contract_precision<fp32>, transpose_lhs_hint = false} : vector<1000x128xf32>, vector<128x64xf32>, vector<1000x64xf32> -> vector<1000x64xf32>
    %add3A_30 = arith.addf %add3A_21, %dot_general3A_29 : vector<1000x64xf32>
    %get3A_31 = arith.constant 0 : index
    %get3A_32 = arith.constant 0 : index
    %get3A_33 = vector.load %arg7[%get3A_31, %get3A_32] : memref<64x32xf32, #tpu.memory_space<vmem>>, vector<64x32xf32>
    %dot_general3A_34 = arith.constant dense<0.000000e+00> : vector<1000x32xf32>
    %dot_general3A_35 = tpu.matmul %add3A_30, %get3A_33, %dot_general3A_34 {dimension_numbers = #tpu.dot_dimension_numbers<[1], [0], [0], [1], [0, 0, 1, 1], [], []>, precision = #tpu.contract_precision<fp32>, transpose_lhs_hint = false} : vector<1000x64xf32>, vector<64x32xf32>, vector<1000x32xf32> -> vector<1000x32xf32>
    %get3A_36 = arith.constant 0 : index
    %get3A_37 = arith.constant 0 : index
    %get3A_38 = vector.load %arg8[%get3A_36, %get3A_37] : memref<1x32xf32, #tpu.memory_space<vmem>>, vector<1x32xf32>
    %add3A_39 = vector.broadcast %get3A_38 : vector<1x32xf32> to vector<1000x32xf32>
    %add3A_40 = arith.addf %dot_general3A_35, %add3A_39 : vector<1000x32xf32>
    %max3A = arith.constant 0.000000e+00 : f32
    %max3A_41 = vector.broadcast %max3A : f32 to vector<1000x32xf32>
    %max3A_42 = arith.maximumf %add3A_40, %max3A_41 : vector<1000x32xf32>
    %get3A_43 = arith.constant 0 : index
    %get3A_44 = arith.constant 0 : index
    %get3A_45 = vector.load %arg9[%get3A_43, %get3A_44] : memref<32x1xf32, #tpu.memory_space<vmem>>, vector<32x1xf32>
    %dot_general3A_46 = arith.constant dense<0.000000e+00> : vector<1000x1xf32>
    %dot_general3A_47 = tpu.matmul %max3A_42, %get3A_45, %dot_general3A_46 {dimension_numbers = #tpu.dot_dimension_numbers<[1], [0], [0], [1], [0, 0, 1, 1], [], []>, precision = #tpu.contract_precision<fp32>, transpose_lhs_hint = false} : vector<1000x32xf32>, vector<32x1xf32>, vector<1000x1xf32> -> vector<1000x1xf32>
    %get3A_48 = arith.constant 0 : index
    %get3A_49 = arith.constant 0 : index
    %get3A_50 = vector.load %arg10[%get3A_48, %get3A_49] : memref<1x1xf32, #tpu.memory_space<vmem>>, vector<1x1xf32>
    %add3A_51 = vector.broadcast %get3A_50 : vector<1x1xf32> to vector<1000x1xf32>
    %add3A_52 = arith.addf %dot_general3A_47, %add3A_51 : vector<1000x1xf32>
    %logistic3A = arith.negf %add3A_52 : vector<1000x1xf32>
    %logistic3A_53 = math.exp %logistic3A : vector<1000x1xf32>
    %logistic3A_54 = arith.constant 1.000000e+00 : f32
    %logistic3A_55 = vector.broadcast %logistic3A_54 : f32 to vector<1000x1xf32>
    %logistic3A_56 = arith.addf %logistic3A_55, %logistic3A_53 : vector<1000x1xf32>
    %logistic3A_57 = arith.divf %logistic3A_55, %logistic3A_56 : vector<1000x1xf32>
    %swap3A = arith.constant 0 : index
    %swap3A_58 = arith.constant 0 : index
    %swap3A_59 = vector.load %arg11[%swap3A, %swap3A_58] : memref<1000x1xf32, #tpu.memory_space<vmem>>, vector<1000x1xf32>
    tpu.vector_store %arg11[%swap3A, %swap3A_58], %logistic3A_57 {strides = array<i32>} : memref<1000x1xf32, #tpu.memory_space<vmem>>, vector<1000x1xf32>,
    return
  }
  func.func @transform_0(%arg0: i32) -> (i32, i32, i32) {
    %c0_i32 = arith.constant 0 : i32
    %c0_i32_0 = arith.constant 0 : i32
    %c0_i32_1 = arith.constant 0 : i32
    return %c0_i32, %arg0, %c0_i32_0 : i32, i32, i32
  }
  func.func @transform_1(%arg0: i32) -> (i32, i32) {
    %c0_i32 = arith.constant 0 : i32
    %c0_i32_0 = arith.constant 0 : i32
    return %arg0, %c0_i32 : i32, i32
  }
  func.func @transform_2(%arg0: i32) -> (i32, i32) {
    %c0_i32 = arith.constant 0 : i32
    %c0_i32_0 = arith.constant 0 : i32
    return %arg0, %c0_i32 : i32, i32
  }
  func.func @transform_3(%arg0: i32) -> (i32, i32) {
    %c0_i32 = arith.constant 0 : i32
    %c0_i32_0 = arith.constant 0 : i32
    %c0_i32_1 = arith.constant 0 : i32
    return %c0_i32, %c0_i32_0 : i32, i32
  }
  func.func @transform_4(%arg0: i32) -> (i32, i32) {
    %c0_i32 = arith.constant 0 : i32
    %c0_i32_0 = arith.constant 0 : i32
    %c0_i32_1 = arith.constant 0 : i32
    return %c0_i32, %c0_i32_0 : i32, i32
  }
  func.func @transform_5(%arg0: i32) -> (i32, i32) {
    %c0_i32 = arith.constant 0 : i32
    %c0_i32_0 = arith.constant 0 : i32
    %c0_i32_1 = arith.constant 0 : i32
    return %c0_i32, %c0_i32_0 : i32, i32
  }
  func.func @transform_6(%arg0: i32) -> (i32, i32) {
    %c0_i32 = arith.constant 0 : i32
    %c0_i32_0 = arith.constant 0 : i32
    %c0_i32_1 = arith.constant 0 : i32
    return %c0_i32, %c0_i32_0 : i32, i32
  }
  func.func @transform_7(%arg0: i32) -> (i32, i32) {
    %c0_i32 = arith.constant 0 : i32
    %c0_i32_0 = arith.constant 0 : i32
    %c0_i32_1 = arith.constant 0 : i32
    return %c0_i32, %c0_i32_0 : i32, i32
  }
  func.func @transform_8(%arg0: i32) -> (i32, i32) {
    %c0_i32 = arith.constant 0 : i32
    %c0_i32_0 = arith.constant 0 : i32
    %c0_i32_1 = arith.constant 0 : i32
    return %c0_i32, %c0_i32_0 : i32, i32
  }
  func.func @transform_9(%arg0: i32) -> (i32, i32) {
    %c0_i32 = arith.constant 0 : i32
    %c0_i32_0 = arith.constant 0 : i32
    %c0_i32_1 = arith.constant 0 : i32
    return %c0_i32, %c0_i32_0 : i32, i32
  }
  func.func @transform_10(%arg0: i32) -> (i32, i32) {
    %c0_i32 = arith.constant 0 : i32
    %c0_i32_0 = arith.constant 0 : i32
    return %arg0, %c0_i32 : i32, i32
  }
}

</mosaic_0001>

<sc_bundles>
// kernel: kernel.12.cloned.1.call-start
scs
__scs_entry_jumppad:
0x0: {  	(pc) =	sbr.rel $0x88, $3  }
0x1: {  	(tag) =	ssettag $0x0;
	lr =	simm.s32 $0x1  }
0x2: {  	[smem:$0x3F92] =	sst lr;
	_ =	strace $0xD0000000  }
0x3: {  	_ = 	snop  }
0x4: {  	_ = 	snop  }
0x5: {  	_ = 	snop  }
0x6: {  	_ = 	snop  }
0x7: {  	_ = 	snop  }
__scs_overlays_trampoline_lowered:
0x8: {  	[smem:$0x3FA1] =	sst s0  }
0x9: {  	[smem:$0x3FA2] =	sst s1  }
0xa: {  	[smem:$0x3FA3] =	sst s2  }
0xb: {  	[smem:$0x3FA4] =	sst s3  }
0xc: {  	[smem:$0x3FA5] =	sst s4  }
0xd: {  	[smem:$0x3FA6] =	sst s5  }
0xe: {  	[smem:$0x3FA7] =	sst s6  }
0xf: {  	[smem:$0x3FA8] =	sst s7  }
0x10: {  	[smem:$0x3FA9] =	sst s8  }
0x11: {  	[smem:$0x3FAA] =	sst s9;
	s0 =	simm.s32 @!p0 $0x0  }
0x12: {  	s1 =	sld [smem:$0x3F90];
	s0 =	simm.s32 @p0 $0x1  }
0x13: {  	[smem:$0x3FAB] =	sst s0;
	s0 =	simm.s32 @!p1 $0x0  }
0x14: {  	s2 =	sld [smem:$0x3F8F];
	s0 =	simm.s32 @p1 $0x1  }
0x15: {  	[smem:$0x3FAC] =	sst s0;
	s0 =	simm.s32 @!p2 $0x0  }
0x16: {  	s3 =	sld [smem:$0x3FDB];
	s0 =	simm.s32 @p2 $0x1  }
0x17: {  	s4 =	simm.s32 $0x1BF5;
	[smem:$0x3FAE] =	sst s0  }
0x18: {  	s0 =	sld [smem:$0x3F91];
	_ =	swait.ge [sflag:s4], $0x0  }
0x19: {  	s7 =	sld [smem:$0x3F92]  }
0x1a: {  	s8 =	sadd.s32 $0xFFFFE003, lr  }
0x1b: {  	s9 =	sadd.s32 $0xFFFFFEF7, lr;
	s5 =	simm.s32 $0xFFFFFFFF;
	p2 =	slt.u32 s8, $0xFFFFF086  }
0x1c: {  	p1 =	slt.u32 s9, $0xF7A;
	s5 =	simm.s32 @!p2 $0x0  }
0x1d: {  	s5 =	simm.s32 @p1 $0x1;
	p0 =	seq.s32 s7, s2  }
0x1e: {  	s7 =	smul.u32 @!p0 $0xF7A, s2;
	p2 =	seq.s32 @!p0 s5, $0x0  }
0x1f: {  	s9 =	smul.u32 $0xF7A, s1;
	s8 =	simm.s32 @!p0 $0x1BF5;
	p2 =	por !p2, p0  }
0x20: {  	[sflag:s8] =	ssyncset.s32 @!p0 $0xFFFFF086;
	s6 =	sadd.s32 @!p0 s3, s7;
	s7 =	simm.s32 @!p0 $0x108  }
0x21: {  	s3 =	sadd.s32 s3, s9;
	s6 =	sadd.s32 @!p0 $0x88, s6;
	s7 =	simm.s32 @p2 $0x1082  }
0x22: {  	[simem:s7], [sflag:s8] =	dma.local @!p0 [hbm:s6], $0xF7A  }
0x23: {  	s9 =	sor.u32 $0xD0000000, s2;
	s6 =	simm.s32 $0x108;
	_ =	swait.ge @!p0 [sflag:s8], $0x0  }
0x24: {  	s3 =	sadd.s32 $0x88, s3;
	s6 =	simm.s32 @!p1 $0x1082;
	[sflag:s4] =	ssyncset.s32 $0xFFFFF086  }
0x25: {  	[simem:s6], [sflag:s4] =	dma.local [hbm:s3], $0xF7A  }
0x26: {  	[smem:$0x3F92] =	sst s1;
	(tag) =	ssettag s2;
	_ =	strace s9  }
0x27: {  	s1 =	sld [smem:$0x3FA2]  }
0x28: {  	s2 =	sld [smem:$0x3FA3]  }
0x29: {  	s4 =	sld [smem:$0x3FA5]  }
0x2a: {  	p0 =	seq.s32 s5, $0x0;
	s5 =	sld [smem:$0x3FA6]  }
0x2b: {  	s6 =	sld [smem:$0x3FA7]  }
0x2c: {  	s7 =	sld [smem:$0x3FA8]  }
0x2d: {  	s3 =	simm.s32 $0x108;
	s8 =	sld [smem:$0x3FA9]  }
0x2e: {  	s3 =	simm.s32 @!p0 $0x1082;
	s9 =	sld [smem:$0x3FAA]  }
0x2f: {  	lr =	sadd.s32 s0, s3;
	s0 =	sld [smem:$0x3FA1]  }
0x30: {  	s3 =	sld [smem:$0x3FA4]  }
0x31: {  	[smem:$0x3FAD] =	sst s10  }
0x32: {  	s10 =	sld [smem:$0x3FAB];
	_ =	sdelay $0x3  }
0x33: {  	p0 =	seq.s32 s10, $0x1;
	s10 =	sld [smem:$0x3FAD];
	_ =	sdelay $0x3  }
0x34: {  	[smem:$0x3FAD] =	sst s10  }
0x35: {  	s10 =	sld [smem:$0x3FAC];
	_ =	sdelay $0x3  }
0x36: {  	p1 =	seq.s32 s10, $0x1;
	s10 =	sld [smem:$0x3FAD];
	_ =	sdelay $0x3  }
0x37: {  	[smem:$0x3FAD] =	sst s10  }
0x38: {  	s10 =	sld [smem:$0x3FAE]  }
0x39: {  	_ = 	snop;
	(pc) =	sbr.ind lr, $3  }
0x3a: {  	_ = 	snop  }
0x3b: {  	_ = 	snop  }
0x3c: {  	p2 =	seq.s32 s10, $0x1;
	s10 =	sld [smem:$0x3FAD]  }
0x3d: {  	_ =	shalt  }
0x3e: {  	_ =	shalt  }
0x3f: {  	_ =	shalt  }
0x40: {  	_ =	shalt  }
0x41: {  	_ =	shalt  }
0x42: {  	_ =	shalt  }
0x43: {  	_ =	shalt  }
0x44: {  	_ =	shalt  }
0x45: {  	_ =	shalt  }
0x46: {  	_ =	shalt  }
0x47: {  	_ =	shalt  }
0x48: {  	_ =	shalt  }
0x49: {  	_ =	shalt  }
0x4a: {  	_ =	shalt  }
0x4b: {  	_ =	shalt  }
0x4c: {  	_ =	shalt  }
0x4d: {  	_ =	shalt  }
0x4e: {  	_ =	shalt  }
0x4f: {  	_ =	shalt  }
0x50: {  	_ =	shalt  }
0x51: {  	_ =	shalt  }
0x52: {  	_ =	shalt  }
0x53: {  	_ =	shalt  }
0x54: {  	_ =	shalt  }
0x55: {  	_ =	shalt  }
0x56: {  	_ =	shalt  }
0x57: {  	_ =	shalt  }
0x58: {  	_ =	shalt  }
0x59: {  	_ =	shalt  }
0x5a: {  	_ =	shalt  }
0x5b: {  	_ =	shalt  }
0x5c: {  	_ =	shalt  }
0x5d: {  	_ =	shalt  }
0x5e: {  	_ =	shalt  }
0x5f: {  	_ =	shalt  }
0x60: {  	_ =	shalt  }
0x61: {  	_ =	shalt  }
0x62: {  	_ =	shalt  }
0x63: {  	_ =	shalt  }
0x64: {  	_ =	shalt  }
0x65: {  	_ =	shalt  }
0x66: {  	_ =	shalt  }
0x67: {  	_ =	shalt  }
0x68: {  	_ =	shalt  }
0x69: {  	_ =	shalt  }
0x6a: {  	_ =	shalt  }
0x6b: {  	_ =	shalt  }
0x6c: {  	_ =	shalt  }
0x6d: {  	_ =	shalt  }
0x6e: {  	_ =	shalt  }
0x6f: {  	_ =	shalt  }
0x70: {  	_ =	shalt  }
0x71: {  	_ =	shalt  }
0x72: {  	_ =	shalt  }
0x73: {  	_ =	shalt  }
0x74: {  	_ =	shalt  }
0x75: {  	_ =	shalt  }
0x76: {  	_ =	shalt  }
0x77: {  	_ =	shalt  }
0x78: {  	_ =	shalt  }
0x79: {  	_ =	shalt  }
0x7a: {  	_ =	shalt  }
0x7b: {  	_ =	shalt  }
0x7c: {  	_ =	shalt  }
0x7d: {  	_ =	shalt  }
0x7e: {  	_ =	shalt  }
0x7f: {  	_ =	shalt  }
0x80: {  	_ =	shalt  }
0x81: {  	_ =	shalt  }
0x82: {  	_ =	shalt  }
0x83: {  	_ =	shalt  }
0x84: {  	_ =	shalt  }
0x85: {  	_ =	shalt  }
0x86: {  	_ =	shalt  }
0x87: {  	_ =	shalt  }
.Lfunc_end0:
.L_simem_size_0:
called_computation.1_lowered:
.L_overlay_start_0:
0x88: {  	s2 =	sld [smem:$0x3FD9]  }
0x89: {  	s3 =	sld [smem:$0x3FFE];
	_ =	sdelay $0x1  }
0x8a: {  	s1 =	srdreg.scid  }
0x8b: {  	s0 =	sand.u32 $0x1, s1  }
0x8c: {  	s17 =	sshll.u32 s0, $0xA;
	s2 =	sadd.s32 s3, s2  }
0x8d: {  	s2 =	sadd.s32 s2, s17  }
0x8e: {  	[smem:$0x3FB9] =	sst s2  }
0x8f: {  	_ = 	snop  }
0x90: {  	s18 =	sld [smem:$0x3FC9];
	(tm) =	ssettm $0x1  }
0x91: {  	s19 =	sld [smem:$0x3FFB];
	_ =	sdelay $0x3  }
0x92: {  	_ =	strace s19  }
0x93: {  	s2 =	sld [smem:$0x3FFC];
	_ =	sdelay $0x3  }
0x94: {  	_ =	strace s2  }
0x95: {  	s2 =	sld [smem:$0x3FFD];
	_ =	sdelay $0x3  }
0x96: {  	_ =	strace s2  }
0x97: {  	_ =	strace $0x8FFFFFFF  }
0x98: {  	s20 =	sld [smem:$0x3FDB];
	_ =	sdelay $0x1  }
0x99: {  	s4 =	simm.s32 $_scs_section_size  }
0x9a: {  	s5 =	simm.s32 $_size__tile_overlayer_lowered;
	s6 =	simm.s32 $_tile_overlayer_lowered  }
0x9b: {  	s7 =	simm.s32 $0x1BFF;
	s21 =	sshll.u32 s6, $0x1;
	s4 =	sadd.s32 s4, s20  }
0x9c: {  	s22 =	simm.s32 $0x0;
	s5 =	sshll.u32 s5, $0x1;
	s6 =	sadd.s32 s21, s4  }
0x9d: {  	[timem:s22], [sflag:s7] =	dma.local [hbm:s6], s5  }
0x9e: {  	_ =	swait.ge [sflag:s7], s5  }
0x9f: {  	s5 =	ssub.s32 $0x0, s5;
	[sflag:s7] =	ssyncset.done $0x0  }
0xa0: {  	[sflag:s7] =	ssyncadd.s32 s5;
	_ =	sdelay $0x1  }
0xa1: {  	s23 =	simm.s32 $0x1B8B  }
0xa2: {  	_ =	swait.ge [sflag:s23], $0x1  }
0xa3: {  	[sflag:s23] =	ssyncset.done $0x0  }
0xa4: {  	[sflag:s23] =	ssyncadd.s32 $0xFFFFFFFF  }
0xa5: {  	s5 =	sld [smem:$0x0]  }
0xa6: {  	s6 =	sand.u32 $0xFFFFFFFE, s1  }
0xa7: {  	p0 =	sne.s32 s1, s6  }
0xa8: {  	s6 =	sshll.u32 @p0 s6, $0xE  }
0xa9: {  	s6 =	sadd.s32 @p0 $0x11B8D, s6;
	s7 =	sshll.u32 @p0 s5, $0x11  }
0xaa: {  	s6 =	sor.u32 @p0 s7, s6  }
0xab: {  	[sflag:s6] =	ssyncadd.remote.s32 @p0 $0x1;
	_ =	sdelay $0x1  }
0xac: {  	s6 =	simm.s32 @p0 $0x1B8D  }
0xad: {  	_ =	swait.eq @p0 [sflag:s6], $0x1  }
0xae: {  	[sflag:s6] =	ssyncadd.s32 @p0 $0xFFFFFFFF  }
0xaf: {  	s7 =	sshll.u32 @!p0 s1, $0xE  }
0xb0: {  	s7 =	sor.u32 @!p0 $0x4000, s7;
	s6 =	simm.s32 @!p0 $0x1B8D  }
0xb1: {  	s5 =	sshll.u32 @!p0 s5, $0x11;
	s7 =	sadd.s32 @!p0 $0x11B8D, s7;
	_ =	swait.eq @!p0 [sflag:s6], $0x1  }
0xb2: {  	s5 =	sor.u32 @!p0 s5, s7;
	[sflag:s6] =	ssyncadd.s32 @!p0 $0xFFFFFFFF  }
0xb3: {  	s25 =	simm.s32 $0x1B8E;
	s24 =	sld [smem:$0x3FFE];
	[sflag:s5] =	ssyncadd.remote.s32 @!p0 $0x1  }
0xb4: {  	s26 =	simm.s32 $execute0_lowered;
	[smem:$0x3FD2] =	sst s25  }
0xb5: {  	s6 =	sshll.u32 s26, $0x1;
	_ =	strace $0x80000049;
	[dreg:$0x1] =	wrdreg $0xFFFFFFFF  }
0xb6: {  	s28 =	simm.s32 $_size_execute0_lowered;
	s4 =	sadd.s32 s4, s6;
	[dreg:$0x0] =	wrdreg $0x0  }
0xb7: {  	s6 =	sshll.u32 s28, $0x1;
	[dreg:$0x2] =	wrdreg s4  }
0xb8: {  	[dreg:$0x3] =	wrdreg s6  }
0xb9: {  	[dreg:$0x4] =	wrdreg $0xC0  }
0xba: {  	_ =	task [dreg:s22], $0x5FFFF  }
0xbb: {  	[dreg:$0x1] =	wrdreg $0xFFFFFFFF  }
0xbc: {  	[dreg:$0x0] =	wrdreg $0x60  }
0xbd: {  	[dreg:$0x2] =	wrdreg s18  }
0xbe: {  	[dreg:$0x3] =	wrdreg s24  }
0xbf: {  	[dreg:$0x4] =	wrdreg $0xA8000  }
0xc0: {  	[dreg:$0x5] =	wrdreg $0xA  }
0xc1: {  	_ =	task.clear_ibuf [dreg:s22], $0x6FFFF;
	_ =	strace $0x90000049  }
0xc2: {  	s29 =	simm.s32 $0xA;
	_ =	strace $0x8000004B  }
0xc3: {  	_ =	swait.ge [sflag:s29], $0x1  }
0xc4: {  	[sflag:s29] =	ssyncadd.s32 $0xFFFFFFFF  }
0xc5: {  	_ =	strace $0x9000004B  }
0xc6: {  	_ =	sfence  }
0xc7: {  	s30 =	sld [smem:$0x0];
	_ =	sdelay $0x2  }
0xc8: {  	s31 =	sshll.u32 s1, $0xD;
	s1 =	sshrl.u32 s1, $0x2  }
0xc9: {  	s4 =	sand.u32 $0x4000, s31;
	s1 =	sadd.s32 s1, s30  }
0xca: {  	s0 =	sor.u32 s4, s0;
	s1 =	sshll.u32 s1, $0x11  }
0xcb: {  	s0 =	sor.u32 s1, s0  }
0xcc: {  	s0 =	sadd.s32 $0x8F2B, s0  }
0xcd: {  	[sflag:s0] =	ssyncadd.remote.s32 $0x1  }
0xce: {  	_ =	sfence.sel $0xFFFF  }
0xcf: {  	[dreg:$0x0] =	wrdreg $0xFFFFFFFF;
	(pc) =	sbr.abs _section_cstart, $3  }
0xd0: {  	[dreg:$0x1] =	wrdreg $0xFFFFFFFF  }
0xd1: {  	_ =	task.clear_ibuf [dreg:s22], $0x2FFFF;
	_ =	strace $0x9FFFFFFF  }
0xd2: {  	(tm) =	ssettm $0x7FFFFFFF  }
0xd3: {  	_ =	shalt  }
tec
execute0_lowered:
.L_overlay_start_1:
0x0: {  	(tag) =	ssettag $0x1  }
0x1: {  	s1 =	rddreg [dreg:$0x0]  }
0x2: {  	s6 =	rddreg [dreg:$0x1]  }
0x3: {  	s2 =	rddreg [dreg:$0x2]  }
0x4: {  	s3 =	srdreg.scid;
	s0 =	rddreg [dreg:$0x3];
	s4 =	simm.s32 $0x0  }
0x5: {  	s15 =	simm.s32 $0x1400;
	s16 =	simm.s32 $0x7D;
	s17 =	simm.s32 $0x2800  }
0x6: {  	s18 =	simm.s32 $0x1;
	s19 =	simm.s32 $0x6800;
	s20 =	simm.s32 $0x1380  }
0x7: {  	s21 =	simm.s32 $0x2700;
	s22 =	simm.s32 $0x2780;
	s23 =	simm.s32 $0x0  }
0x8: {  	s7 =	sand.u32 $0x1, s3;
	s3 =	stileid.u32;
	[smem:$0x7FF] =	sst s4  }
0x9: {  	s9 =	sadd.s32 $0x66600, s6;
	s10 =	sadd.s32 $0x5C600, s6;
	s5 =	smul.u32 $0x140000, s7  }
0xa: {  	s8 =	smul.u32 $0x14000, s3;
	_ =	strace $0x8000004A;
	s11 =	sshll.u32 s3, $0x1  }
0xb: {  	s12 =	ssub.s32 $0x2, s7;
	s26 =	smul.u32 $0x50000, s3;
	s30 =	sshll.u32 s3, $0x6  }
0xc: {  	s7 =	sor.u32 s7, s11;
	s28 =	sshrl.u32 s12, $0x1;
	s8 =	sadd.s32 s8, s5  }
0xd: {  	s5 =	sadd.s32 $0x70600, s6;
	s7 =	smul.u32 $0x2800, s7;
	s29 =	sshrl.u32 s26, $0x2  }
0xe: {  	s12 =	ssub.s32 s12, s28;
	s8 =	sshrl.u32 s8, $0x3;
	s14 =	sadd.s32 s29, s2  }
0xf: {  	s12 =	smax.u32 s12, $0x1;
	s13 =	sadd.s32 s8, s6;
	s31 =	sshrl.u32 s7, $0x3  }
0x10: {  	s6 =	sor.u32 $0x1C02, s30;
	s7 =	sadd.s32 s9, s31;
	s11 =	sadd.s32 $0x280, s31  }
0x11: {  	s8 =	sadd.s32 s10, s31;
	s9 =	sadd.s32 s9, s11;
	s10 =	sadd.s32 s10, s11  }
0x12: {  	s11 =	sadd.s32 $0x72E00, s13;
	s13 =	sshrl.u32 s14, $0x3;
	s14 =	simm.s32 $0x2  }
.LBB2_1:
0x13: {  	[spmem:s13], [sflag:s6] =	dma.local [hbm:s5], $0x2800  }
0x14: {  	_ =	swait.ge [sflag:s14], $0x2800  }
0x15: {  	[sflag:s14] =	ssyncset.done $0x0  }
0x16: {  	[sflag:s14] =	ssyncadd.s32 $0xFFFFD800  }
0x17: {  	[bflag:$0x0] =	sbarrier.arrive $0xFFFF  }
0x18: {  	[tilespmem:s4], [sflag:$0x2] =	stream.linear.gather [hbm4b:s7+s4], $0x1400, $0x38;
	[tilespmem:$0x1E800] =	vst v63  }
0x19: {  	_ =	swait.ge [sflag:s14], $0x1400  }
0x1a: {  	[sflag:s14] =	ssyncset.done $0x0  }
0x1b: {  	[sflag:s14] =	ssyncadd.s32 $0xFFFFEC00  }
0x1c: {  	[tilespmem:s15], [sflag:$0x2] =	stream.linear.gather [hbm4b:s8+s4], $0x1400, $0x38;
	[tilespmem:$0x1E800] =	vst v63  }
0x1d: {  	_ =	swait.ge [sflag:s14], $0x1400  }
0x1e: {  	[sflag:s14] =	ssyncset.done $0x0  }
0x1f: {  	[sflag:s14] =	ssyncadd.s32 $0xFFFFEC00  }
0x20: {  	[tilespmem:s17], [sflag:$0x1] =	stream.indirect.gather [hbm4b:s1+s16], $0x80, s4, s16, $0xb8;
	[tilespmem:$0x1E800] =	vst v63  }
0x21: {  	_ =	swait.ge [sflag:s18], $0x3E80  }
0x22: {  	[sflag:s18] =	ssyncset.done $0x0  }
0x23: {  	s24 =	simm.s32 $0x80;
	[sflag:s18] =	ssyncadd.s32 $0xFFFFC180  }
0x24: {  	[tilespmem:s19], [sflag:$0x1] =	stream.indirect.gather [hbm4b:s1+s16], $0x80, s24, s16, $0xb8;
	[tilespmem:$0x1E800] =	vst v63  }
0x25: {  	s29 =	simm.s32 $0x1400  }
0x26: {  	[spmem:s2] =	stream.indirect.scatter.add.f32 [tilespmem:s17], [sflag:$0x2], $0x80, s29, s16, $0xb8;
	[tilespmem:$0x1E800] =	vst v63  }
0x27: {  	_ =	swait.ge [sflag:s14], $0x3E80  }
0x28: {  	[sflag:s14] =	ssyncset.done $0x0  }
0x29: {  	[sflag:s14] =	ssyncadd.s32 $0xFFFFC180  }
0x2a: {  	_ =	swait.ge [sflag:s18], $0x3E80  }
0x2b: {  	[sflag:s18] =	ssyncset.done $0x0  }
0x2c: {  	s30 =	simm.s32 $0x100;
	[sflag:s18] =	ssyncadd.s32 $0xFFFFC180  }
0x2d: {  	[tilespmem:s17], [sflag:$0x1] =	stream.indirect.gather [hbm4b:s1+s16], $0x80, s30, s16, $0xb8;
	[tilespmem:$0x1E800] =	vst v63  }
0x2e: {  	s31 =	simm.s32 $0x1480  }
0x2f: {  	[spmem:s2] =	stream.indirect.scatter.add.f32 [tilespmem:s19], [sflag:$0x2], $0x80, s31, s16, $0xb8;
	[tilespmem:$0x1E800] =	vst v63  }
0x30: {  	_ =	swait.ge [sflag:s14], $0x3E80  }
0x31: {  	s24 =	simm.s32 $0x400;
	[sflag:s14] =	ssyncset.done $0x0  }
.LBB2_2:
0x32: {  	p0 =	sne.s32 s24, $0x4800  }
0x33: {  	[sflag:s14] =	ssyncadd.s32 $0xFFFFC180;
	s25 =	smov.u32 s24;
	s24 =	sadd.s32 $0x400, s24  }
0x34: {  	_ = 	snop  }
0x35: {  	_ =	swait.ge [sflag:s18], $0x3E80  }
0x36: {  	s25 =	sshra.s32 s25, $0x2;
	[sflag:s18] =	ssyncset.done $0x0  }
0x37: {  	s26 =	sadd.s32 $0x80, s25;
	[sflag:s18] =	ssyncadd.s32 $0xFFFFC180  }
0x38: {  	[tilespmem:s19], [sflag:$0x1] =	stream.indirect.gather [hbm4b:s1+s16], $0x80, s26, s16, $0xb8;
	[tilespmem:$0x1E800] =	vst v63  }
0x39: {  	s26 =	sadd.s32 $0x1400, s25  }
0x3a: {  	[spmem:s2] =	stream.indirect.scatter.add.f32 [tilespmem:s17], [sflag:$0x2], $0x80, s26, s16, $0xb8;
	[tilespmem:$0x1E800] =	vst v63  }
0x3b: {  	_ =	swait.ge [sflag:s14], $0x3E80  }
0x3c: {  	[sflag:s14] =	ssyncset.done $0x0  }
0x3d: {  	[sflag:s14] =	ssyncadd.s32 $0xFFFFC180  }
0x3e: {  	_ =	swait.ge [sflag:s18], $0x3E80  }
0x3f: {  	[sflag:s18] =	ssyncset.done $0x0  }
0x40: {  	s26 =	sadd.s32 $0x100, s25;
	[sflag:s18] =	ssyncadd.s32 $0xFFFFC180  }
0x41: {  	[tilespmem:s17], [sflag:$0x1] =	stream.indirect.gather [hbm4b:s1+s16], $0x80, s26, s16, $0xb8;
	[tilespmem:$0x1E800] =	vst v63  }
.Ltmp0:
0x42: {  	_ = 	snop;
	(pc) =	sbr.rel @p0 .LBB2_2-.Ltmp0, $4  }
0x43: {  	s25 =	sadd.s32 $0x1480, s25  }
0x44: {  	[spmem:s2] =	stream.indirect.scatter.add.f32 [tilespmem:s19], [sflag:$0x2], $0x80, s25, s16, $0xb8;
	[tilespmem:$0x1E800] =	vst v63  }
0x45: {  	_ =	swait.ge [sflag:s14], $0x3E80  }
0x46: {  	[sflag:s14] =	ssyncset.done $0x0  }
0x47: {  	[sflag:s14] =	ssyncadd.s32 $0xFFFFC180  }
0x48: {  	_ =	swait.ge [sflag:s18], $0x3E80  }
0x49: {  	[sflag:s18] =	ssyncset.done $0x0  }
0x4a: {  	[sflag:s18] =	ssyncadd.s32 $0xFFFFC180  }
0x4b: {  	[tilespmem:s19], [sflag:$0x1] =	stream.indirect.gather [hbm4b:s1+s16], $0x80, s20, s16, $0xb8;
	[tilespmem:$0x1E800] =	vst v63  }
0x4c: {  	_ = 	snop  }
0x4d: {  	[spmem:s2] =	stream.indirect.scatter.add.f32 [tilespmem:s17], [sflag:$0x2], $0x80, s21, s16, $0xb8;
	[tilespmem:$0x1E800] =	vst v63  }
0x4e: {  	_ =	swait.ge [sflag:s14], $0x3E80  }
0x4f: {  	[sflag:s14] =	ssyncset.done $0x0  }
0x50: {  	[sflag:s14] =	ssyncadd.s32 $0xFFFFC180  }
0x51: {  	_ =	swait.ge [sflag:s18], $0x3E80  }
0x52: {  	[sflag:s18] =	ssyncset.done $0x0  }
0x53: {  	[sflag:s18] =	ssyncadd.s32 $0xFFFFC180  }
0x54: {  	[spmem:s2] =	stream.indirect.scatter.add.f32 [tilespmem:s19], [sflag:$0x2], $0x80, s22, s16, $0xb8;
	[tilespmem:$0x1E800] =	vst v63  }
0x55: {  	_ =	swait.ge [sflag:s14], $0x3E80  }
0x56: {  	[sflag:s14] =	ssyncset.done $0x0  }
0x57: {  	s24 =	simm.s32 $0x0;
	[sflag:s14] =	ssyncadd.s32 $0xFFFFC180  }
0x58: {  	[tilespmem:s24], [sflag:$0x2] =	stream.linear.gather [hbm4b:s9+s24], $0x1400, $0x38;
	[tilespmem:$0x1E800] =	vst v63  }
0x59: {  	_ =	swait.ge [sflag:s14], $0x1400  }
0x5a: {  	[sflag:s14] =	ssyncset.done $0x0  }
0x5b: {  	[sflag:s14] =	ssyncadd.s32 $0xFFFFEC00  }
0x5c: {  	[tilespmem:s15], [sflag:$0x2] =	stream.linear.gather [hbm4b:s10+s24], $0x1400, $0x38;
	[tilespmem:$0x1E800] =	vst v63  }
0x5d: {  	_ =	swait.ge [sflag:s14], $0x1400  }
0x5e: {  	[sflag:s14] =	ssyncset.done $0x0  }
0x5f: {  	[sflag:s14] =	ssyncadd.s32 $0xFFFFEC00  }
0x60: {  	[tilespmem:s17], [sflag:$0x1] =	stream.indirect.gather [hbm4b:s1+s16], $0x80, s24, s16, $0xb8;
	[tilespmem:$0x1E800] =	vst v63  }
0x61: {  	_ =	swait.ge [sflag:s18], $0x3E80  }
0x62: {  	[sflag:s18] =	ssyncset.done $0x0  }
0x63: {  	s28 =	simm.s32 $0x80;
	[sflag:s18] =	ssyncadd.s32 $0xFFFFC180  }
0x64: {  	[tilespmem:s19], [sflag:$0x1] =	stream.indirect.gather [hbm4b:s1+s16], $0x80, s28, s16, $0xb8;
	[tilespmem:$0x1E800] =	vst v63  }
0x65: {  	s29 =	simm.s32 $0x1400  }
0x66: {  	[spmem:s2] =	stream.indirect.scatter.add.f32 [tilespmem:s17], [sflag:$0x2], $0x80, s29, s16, $0xb8;
	[tilespmem:$0x1E800] =	vst v63  }
0x67: {  	_ =	swait.ge [sflag:s14], $0x3E80  }
0x68: {  	[sflag:s14] =	ssyncset.done $0x0  }
0x69: {  	[sflag:s14] =	ssyncadd.s32 $0xFFFFC180  }
0x6a: {  	_ =	swait.ge [sflag:s18], $0x3E80  }
0x6b: {  	[sflag:s18] =	ssyncset.done $0x0  }
0x6c: {  	s30 =	simm.s32 $0x100;
	[sflag:s18] =	ssyncadd.s32 $0xFFFFC180  }
0x6d: {  	[tilespmem:s17], [sflag:$0x1] =	stream.indirect.gather [hbm4b:s1+s16], $0x80, s30, s16, $0xb8;
	[tilespmem:$0x1E800] =	vst v63  }
0x6e: {  	s31 =	simm.s32 $0x1480  }
0x6f: {  	[spmem:s2] =	stream.indirect.scatter.add.f32 [tilespmem:s19], [sflag:$0x2], $0x80, s31, s16, $0xb8;
	[tilespmem:$0x1E800] =	vst v63  }
0x70: {  	_ =	swait.ge [sflag:s14], $0x3E80  }
0x71: {  	s24 =	simm.s32 $0x400;
	[sflag:s14] =	ssyncset.done $0x0  }
.LBB2_4:
0x72: {  	p0 =	sne.s32 s24, $0x4800  }
0x73: {  	[sflag:s14] =	ssyncadd.s32 $0xFFFFC180;
	s25 =	smov.u32 s24;
	s24 =	sadd.s32 $0x400, s24  }
0x74: {  	_ = 	snop  }
0x75: {  	_ =	swait.ge [sflag:s18], $0x3E80  }
0x76: {  	s25 =	sshra.s32 s25, $0x2;
	[sflag:s18] =	ssyncset.done $0x0  }
0x77: {  	s26 =	sadd.s32 $0x80, s25;
	[sflag:s18] =	ssyncadd.s32 $0xFFFFC180  }
0x78: {  	[tilespmem:s19], [sflag:$0x1] =	stream.indirect.gather [hbm4b:s1+s16], $0x80, s26, s16, $0xb8;
	[tilespmem:$0x1E800] =	vst v63  }
0x79: {  	s26 =	sadd.s32 $0x1400, s25  }
0x7a: {  	[spmem:s2] =	stream.indirect.scatter.add.f32 [tilespmem:s17], [sflag:$0x2], $0x80, s26, s16, $0xb8;
	[tilespmem:$0x1E800] =	vst v63  }
0x7b: {  	_ =	swait.ge [sflag:s14], $0x3E80  }
0x7c: {  	[sflag:s14] =	ssyncset.done $0x0  }
0x7d: {  	[sflag:s14] =	ssyncadd.s32 $0xFFFFC180  }
0x7e: {  	_ =	swait.ge [sflag:s18], $0x3E80  }
0x7f: {  	[sflag:s18] =	ssyncset.done $0x0  }
0x80: {  	s26 =	sadd.s32 $0x100, s25;
	[sflag:s18] =	ssyncadd.s32 $0xFFFFC180  }
0x81: {  	[tilespmem:s17], [sflag:$0x1] =	stream.indirect.gather [hbm4b:s1+s16], $0x80, s26, s16, $0xb8;
	[tilespmem:$0x1E800] =	vst v63  }
.Ltmp1:
0x82: {  	_ = 	snop;
	(pc) =	sbr.rel @p0 .LBB2_4-.Ltmp1, $4  }
0x83: {  	s25 =	sadd.s32 $0x1480, s25  }
0x84: {  	[spmem:s2] =	stream.indirect.scatter.add.f32 [tilespmem:s19], [sflag:$0x2], $0x80, s25, s16, $0xb8;
	[tilespmem:$0x1E800] =	vst v63  }
0x85: {  	_ =	swait.ge [sflag:s14], $0x3E80  }
0x86: {  	[sflag:s14] =	ssyncset.done $0x0  }
0x87: {  	[sflag:s14] =	ssyncadd.s32 $0xFFFFC180  }
0x88: {  	_ =	swait.ge [sflag:s18], $0x3E80  }
0x89: {  	[sflag:s18] =	ssyncset.done $0x0  }
0x8a: {  	[sflag:s18] =	ssyncadd.s32 $0xFFFFC180  }
0x8b: {  	[tilespmem:s19], [sflag:$0x1] =	stream.indirect.gather [hbm4b:s1+s16], $0x80, s20, s16, $0xb8;
	[tilespmem:$0x1E800] =	vst v63  }
0x8c: {  	_ = 	snop  }
0x8d: {  	[spmem:s2] =	stream.indirect.scatter.add.f32 [tilespmem:s17], [sflag:$0x2], $0x80, s21, s16, $0xb8;
	[tilespmem:$0x1E800] =	vst v63  }
0x8e: {  	_ =	swait.ge [sflag:s14], $0x3E80  }
0x8f: {  	[sflag:s14] =	ssyncset.done $0x0  }
0x90: {  	[sflag:s14] =	ssyncadd.s32 $0xFFFFC180  }
0x91: {  	_ =	swait.ge [sflag:s18], $0x3E80  }
0x92: {  	[sflag:s18] =	ssyncset.done $0x0  }
0x93: {  	[sflag:s18] =	ssyncadd.s32 $0xFFFFC180  }
0x94: {  	[spmem:s2] =	stream.indirect.scatter.add.f32 [tilespmem:s19], [sflag:$0x2], $0x80, s22, s16, $0xb8;
	[tilespmem:$0x1E800] =	vst v63  }
0x95: {  	_ =	swait.ge [sflag:s14], $0x3E80  }
0x96: {  	s23 =	sadd.s32 $0x1, s23;
	[sflag:s14] =	ssyncset.done $0x0  }
0x97: {  	p0 =	sne.s32 s23, s12;
	[sflag:s14] =	ssyncadd.s32 $0xFFFFC180  }
.Ltmp2:
0x98: {  	[bflag:$0x0] =	sbarrier.arrive $0xFFFF;
	(pc) =	sbr.rel @p0 .LBB2_1-.Ltmp2, $4  }
0x99: {  	[hbm:s11], [sflag:s6] =	dma.local [spmem:s13], $0x2800  }
0x9a: {  	_ =	swait.ge [sflag:s14], $0x2800  }
0x9b: {  	[sflag:s14] =	ssyncset.done $0x0  }
0x9c: {  	[sflag:s14] =	ssyncadd.s32 $0xFFFFD800  }
0x9d: {  	_ =	sfence.sel $0x180000  }
0x9e: {  	[bflag:$0x0] =	sbarrier.arrive $0xFFFF  }
0x9f: {  	p0 =	sne.s32 s3, $0x0;
	_ =	strace $0x9000004A  }
0xa0: {  	s0 =	sadd.s32 @!p0 $0x100000, s0;
	[bflag:$0x2] =	sbarrier.arrive $0xFFFF  }
0xa1: {  	[sflag:s0] =	ssyncadd.tile.s32 @!p0 $0x1;
	_ =	shalt  }
.Lfunc_end2:
_tile_overlayer_lowered:
.L_overlay_start_2:
0xa2: {  	(tag) =	ssettag $0x2  }
0xa3: {  	s0 =	rddreg [dreg:$0x0];
	s2 =	stileid.u32  }
0xa4: {  	s1 =	rddreg [dreg:$0x1];
	p0 =	sne.s32 s2, $0x0  }
0xa5: {  	s3 =	rddreg [dreg:$0x2];
	[bflag:$0x3] =	sbarrier.arrive $0xFFFF;
	s2 =	simm.s32 @!p0 $0x1C02  }
0xa6: {  	[timem:s3], [sflag:s2] =	dma.local @!p0 [hbm:s0], s1  }
0xa7: {  	s0 =	simm.s32 @!p0 $0x2  }
0xa8: {  	_ =	swait.ge @!p0 [sflag:s0], s1  }
0xa9: {  	s1 =	ssub.s32 @!p0 $0x0, s1;
	[sflag:s0] =	ssyncset.done @!p0 $0x0  }
0xaa: {  	[sflag:s0] =	ssyncadd.s32 @!p0 s1  }
0xab: {  	[bflag:$0x3] =	sbarrier.arrive $0xFFFF  }
0xac: {  	_ =	shalt  }

// kernel: kernel.15.cloned.1.call-start
scs
__scs_entry_jumppad:
0x0: {  	(pc) =	sbr.rel $0x88, $3  }
0x1: {  	(tag) =	ssettag $0x0;
	lr =	simm.s32 $0x1  }
0x2: {  	[smem:$0x3F92] =	sst lr;
	_ =	strace $0xD0000000  }
0x3: {  	_ = 	snop  }
0x4: {  	_ = 	snop  }
0x5: {  	_ = 	snop  }
0x6: {  	_ = 	snop  }
0x7: {  	_ = 	snop  }
__scs_overlays_trampoline_lowered:
0x8: {  	[smem:$0x3FA1] =	sst s0  }
0x9: {  	[smem:$0x3FA2] =	sst s1  }
0xa: {  	[smem:$0x3FA3] =	sst s2  }
0xb: {  	[smem:$0x3FA4] =	sst s3  }
0xc: {  	[smem:$0x3FA5] =	sst s4  }
0xd: {  	[smem:$0x3FA6] =	sst s5  }
0xe: {  	[smem:$0x3FA7] =	sst s6  }
0xf: {  	[smem:$0x3FA8] =	sst s7  }
0x10: {  	[smem:$0x3FA9] =	sst s8  }
0x11: {  	[smem:$0x3FAA] =	sst s9;
	s0 =	simm.s32 @!p0 $0x0  }
0x12: {  	s1 =	sld [smem:$0x3F90];
	s0 =	simm.s32 @p0 $0x1  }
0x13: {  	[smem:$0x3FAB] =	sst s0;
	s0 =	simm.s32 @!p1 $0x0  }
0x14: {  	s2 =	sld [smem:$0x3F8F];
	s0 =	simm.s32 @p1 $0x1  }
0x15: {  	[smem:$0x3FAC] =	sst s0;
	s0 =	simm.s32 @!p2 $0x0  }
0x16: {  	s3 =	sld [smem:$0x3FDB];
	s0 =	simm.s32 @p2 $0x1  }
0x17: {  	s4 =	simm.s32 $0x1BF5;
	[smem:$0x3FAE] =	sst s0  }
0x18: {  	s0 =	sld [smem:$0x3F91];
	_ =	swait.ge [sflag:s4], $0x0  }
0x19: {  	s7 =	sld [smem:$0x3F92]  }
0x1a: {  	s8 =	sadd.s32 $0xFFFFE003, lr  }
0x1b: {  	s9 =	sadd.s32 $0xFFFFFEF7, lr;
	s5 =	simm.s32 $0xFFFFFFFF;
	p2 =	slt.u32 s8, $0xFFFFF086  }
0x1c: {  	p1 =	slt.u32 s9, $0xF7A;
	s5 =	simm.s32 @!p2 $0x0  }
0x1d: {  	s5 =	simm.s32 @p1 $0x1;
	p0 =	seq.s32 s7, s2  }
0x1e: {  	s7 =	smul.u32 @!p0 $0xF7A, s2;
	p2 =	seq.s32 @!p0 s5, $0x0  }
0x1f: {  	s9 =	smul.u32 $0xF7A, s1;
	s8 =	simm.s32 @!p0 $0x1BF5;
	p2 =	por !p2, p0  }
0x20: {  	[sflag:s8] =	ssyncset.s32 @!p0 $0xFFFFF086;
	s6 =	sadd.s32 @!p0 s3, s7;
	s7 =	simm.s32 @!p0 $0x108  }
0x21: {  	s3 =	sadd.s32 s3, s9;
	s6 =	sadd.s32 @!p0 $0x88, s6;
	s7 =	simm.s32 @p2 $0x1082  }
0x22: {  	[simem:s7], [sflag:s8] =	dma.local @!p0 [hbm:s6], $0xF7A  }
0x23: {  	s9 =	sor.u32 $0xD0000000, s2;
	s6 =	simm.s32 $0x108;
	_ =	swait.ge @!p0 [sflag:s8], $0x0  }
0x24: {  	s3 =	sadd.s32 $0x88, s3;
	s6 =	simm.s32 @!p1 $0x1082;
	[sflag:s4] =	ssyncset.s32 $0xFFFFF086  }
0x25: {  	[simem:s6], [sflag:s4] =	dma.local [hbm:s3], $0xF7A  }
0x26: {  	[smem:$0x3F92] =	sst s1;
	(tag) =	ssettag s2;
	_ =	strace s9  }
0x27: {  	s1 =	sld [smem:$0x3FA2]  }
0x28: {  	s2 =	sld [smem:$0x3FA3]  }
0x29: {  	s4 =	sld [smem:$0x3FA5]  }
0x2a: {  	p0 =	seq.s32 s5, $0x0;
	s5 =	sld [smem:$0x3FA6]  }
0x2b: {  	s6 =	sld [smem:$0x3FA7]  }
0x2c: {  	s7 =	sld [smem:$0x3FA8]  }
0x2d: {  	s3 =	simm.s32 $0x108;
	s8 =	sld [smem:$0x3FA9]  }
0x2e: {  	s3 =	simm.s32 @!p0 $0x1082;
	s9 =	sld [smem:$0x3FAA]  }
0x2f: {  	lr =	sadd.s32 s0, s3;
	s0 =	sld [smem:$0x3FA1]  }
0x30: {  	s3 =	sld [smem:$0x3FA4]  }
0x31: {  	[smem:$0x3FAD] =	sst s10  }
0x32: {  	s10 =	sld [smem:$0x3FAB];
	_ =	sdelay $0x3  }
0x33: {  	p0 =	seq.s32 s10, $0x1;
	s10 =	sld [smem:$0x3FAD];
	_ =	sdelay $0x3  }
0x34: {  	[smem:$0x3FAD] =	sst s10  }
0x35: {  	s10 =	sld [smem:$0x3FAC];
	_ =	sdelay $0x3  }
0x36: {  	p1 =	seq.s32 s10, $0x1;
	s10 =	sld [smem:$0x3FAD];
	_ =	sdelay $0x3  }
0x37: {  	[smem:$0x3FAD] =	sst s10  }
0x38: {  	s10 =	sld [smem:$0x3FAE]  }
0x39: {  	_ = 	snop;
	(pc) =	sbr.ind lr, $3  }
0x3a: {  	_ = 	snop  }
0x3b: {  	_ = 	snop  }
0x3c: {  	p2 =	seq.s32 s10, $0x1;
	s10 =	sld [smem:$0x3FAD]  }
0x3d: {  	_ =	shalt  }
0x3e: {  	_ =	shalt  }
0x3f: {  	_ =	shalt  }
0x40: {  	_ =	shalt  }
0x41: {  	_ =	shalt  }
0x42: {  	_ =	shalt  }
0x43: {  	_ =	shalt  }
0x44: {  	_ =	shalt  }
0x45: {  	_ =	shalt  }
0x46: {  	_ =	shalt  }
0x47: {  	_ =	shalt  }
0x48: {  	_ =	shalt  }
0x49: {  	_ =	shalt  }
0x4a: {  	_ =	shalt  }
0x4b: {  	_ =	shalt  }
0x4c: {  	_ =	shalt  }
0x4d: {  	_ =	shalt  }
0x4e: {  	_ =	shalt  }
0x4f: {  	_ =	shalt  }
0x50: {  	_ =	shalt  }
0x51: {  	_ =	shalt  }
0x52: {  	_ =	shalt  }
0x53: {  	_ =	shalt  }
0x54: {  	_ =	shalt  }
0x55: {  	_ =	shalt  }
0x56: {  	_ =	shalt  }
0x57: {  	_ =	shalt  }
0x58: {  	_ =	shalt  }
0x59: {  	_ =	shalt  }
0x5a: {  	_ =	shalt  }
0x5b: {  	_ =	shalt  }
0x5c: {  	_ =	shalt  }
0x5d: {  	_ =	shalt  }
0x5e: {  	_ =	shalt  }
0x5f: {  	_ =	shalt  }
0x60: {  	_ =	shalt  }
0x61: {  	_ =	shalt  }
0x62: {  	_ =	shalt  }
0x63: {  	_ =	shalt  }
0x64: {  	_ =	shalt  }
0x65: {  	_ =	shalt  }
0x66: {  	_ =	shalt  }
0x67: {  	_ =	shalt  }
0x68: {  	_ =	shalt  }
0x69: {  	_ =	shalt  }
0x6a: {  	_ =	shalt  }
0x6b: {  	_ =	shalt  }
0x6c: {  	_ =	shalt  }
0x6d: {  	_ =	shalt  }
0x6e: {  	_ =	shalt  }
0x6f: {  	_ =	shalt  }
0x70: {  	_ =	shalt  }
0x71: {  	_ =	shalt  }
0x72: {  	_ =	shalt  }
0x73: {  	_ =	shalt  }
0x74: {  	_ =	shalt  }
0x75: {  	_ =	shalt  }
0x76: {  	_ =	shalt  }
0x77: {  	_ =	shalt  }
0x78: {  	_ =	shalt  }
0x79: {  	_ =	shalt  }
0x7a: {  	_ =	shalt  }
0x7b: {  	_ =	shalt  }
0x7c: {  	_ =	shalt  }
0x7d: {  	_ =	shalt  }
0x7e: {  	_ =	shalt  }
0x7f: {  	_ =	shalt  }
0x80: {  	_ =	shalt  }
0x81: {  	_ =	shalt  }
0x82: {  	_ =	shalt  }
0x83: {  	_ =	shalt  }
0x84: {  	_ =	shalt  }
0x85: {  	_ =	shalt  }
0x86: {  	_ =	shalt  }
0x87: {  	_ =	shalt  }
.Lfunc_end0:
.L_simem_size_0:
called_computation.2_lowered:
.L_overlay_start_0:
0x88: {  	s2 =	sld [smem:$0x3FD9]  }
0x89: {  	s3 =	sld [smem:$0x3FFE];
	_ =	sdelay $0x1  }
0x8a: {  	s1 =	srdreg.scid  }
0x8b: {  	s0 =	sand.u32 $0x1, s1  }
0x8c: {  	s16 =	sshll.u32 s0, $0xA;
	s2 =	sadd.s32 s3, s2  }
0x8d: {  	s2 =	sadd.s32 s2, s16  }
0x8e: {  	[smem:$0x3FB9] =	sst s2  }
0x8f: {  	_ = 	snop  }
0x90: {  	(tm) =	ssettm $0x1  }
0x91: {  	s17 =	sld [smem:$0x3FFB];
	_ =	sdelay $0x3  }
0x92: {  	_ =	strace s17  }
0x93: {  	s2 =	sld [smem:$0x3FFC];
	_ =	sdelay $0x3  }
0x94: {  	_ =	strace s2  }
0x95: {  	s2 =	sld [smem:$0x3FFD];
	_ =	sdelay $0x3  }
0x96: {  	_ =	strace s2  }
0x97: {  	_ =	strace $0x8FFFFFFF  }
0x98: {  	s18 =	sld [smem:$0x3FDB];
	_ =	sdelay $0x1  }
0x99: {  	s19 =	simm.s32 $_scs_section_size  }
0x9a: {  	s4 =	simm.s32 $_size__tile_overlayer_lowered;
	s5 =	simm.s32 $_tile_overlayer_lowered  }
0x9b: {  	s22 =	simm.s32 $0x1BFF;
	s21 =	sshll.u32 s5, $0x1;
	s2 =	sadd.s32 s19, s18  }
0x9c: {  	s6 =	simm.s32 $0x0;
	s20 =	sshll.u32 s4, $0x1;
	s4 =	sadd.s32 s21, s2  }
0x9d: {  	[timem:s6], [sflag:s22] =	dma.local [hbm:s4], s20  }
0x9e: {  	_ =	swait.ge [sflag:s22], s20  }
0x9f: {  	s3 =	ssub.s32 $0x0, s20;
	[sflag:s22] =	ssyncset.done $0x0  }
0xa0: {  	[sflag:s22] =	ssyncadd.s32 s3;
	_ =	sdelay $0x1  }
0xa1: {  	s23 =	simm.s32 $0x1B8B  }
0xa2: {  	_ =	swait.ge [sflag:s23], $0x1  }
0xa3: {  	[sflag:s23] =	ssyncset.done $0x0  }
0xa4: {  	s25 =	simm.s32 $0x1B8E;
	s24 =	sld [smem:$0x3FFE];
	[sflag:s23] =	ssyncadd.s32 $0xFFFFFFFF  }
0xa5: {  	s26 =	simm.s32 $execute0_lowered;
	[smem:$0x3FD2] =	sst s25  }
0xa6: {  	s4 =	sshll.u32 s26, $0x1;
	_ =	strace $0x8000004C;
	[dreg:$0x1] =	wrdreg $0xFFFFFFFF  }
0xa7: {  	s28 =	simm.s32 $_size_execute0_lowered;
	s2 =	sadd.s32 s2, s4;
	[dreg:$0x0] =	wrdreg $0x0  }
0xa8: {  	s4 =	sshll.u32 s28, $0x1;
	[dreg:$0x2] =	wrdreg s2  }
0xa9: {  	[dreg:$0x3] =	wrdreg s4  }
0xaa: {  	[dreg:$0x4] =	wrdreg $0xC0  }
0xab: {  	_ =	task [dreg:s6], $0x5FFFF  }
0xac: {  	[dreg:$0x1] =	wrdreg $0xFFFFFFFF  }
0xad: {  	[dreg:$0x0] =	wrdreg $0x60  }
0xae: {  	[dreg:$0x2] =	wrdreg s24  }
0xaf: {  	[dreg:$0x3] =	wrdreg $0xA8000  }
0xb0: {  	[dreg:$0x4] =	wrdreg $0x9  }
0xb1: {  	_ =	task.clear_ibuf [dreg:s6], $0x5FFFF;
	_ =	strace $0x9000004C  }
0xb2: {  	s29 =	simm.s32 $0x9;
	_ =	strace $0x8000004E  }
0xb3: {  	_ =	swait.ge [sflag:s29], $0x1  }
0xb4: {  	[sflag:s29] =	ssyncadd.s32 $0xFFFFFFFF  }
0xb5: {  	_ =	strace $0x9000004E  }
0xb6: {  	_ =	sfence  }
0xb7: {  	s30 =	sld [smem:$0x0];
	_ =	sdelay $0x2  }
0xb8: {  	s31 =	sshll.u32 s1, $0xD;
	s1 =	sshrl.u32 s1, $0x2  }
0xb9: {  	s3 =	sand.u32 $0x4000, s31;
	s1 =	sadd.s32 s1, s30  }
0xba: {  	s0 =	sor.u32 s3, s0;
	s1 =	sshll.u32 s1, $0x11  }
0xbb: {  	s0 =	sor.u32 s1, s0  }
0xbc: {  	s0 =	sadd.s32 $0x8F2B, s0  }
0xbd: {  	[sflag:s0] =	ssyncadd.remote.s32 $0x1  }
0xbe: {  	_ =	sfence.sel $0xFFFF  }
0xbf: {  	[dreg:$0x0] =	wrdreg $0xFFFFFFFF;
	(pc) =	sbr.abs _section_cstart, $3  }
0xc0: {  	[dreg:$0x1] =	wrdreg $0xFFFFFFFF  }
0xc1: {  	_ =	task.clear_ibuf [dreg:s6], $0x2FFFF;
	_ =	strace $0x9FFFFFFF  }
0xc2: {  	(tm) =	ssettm $0x7FFFFFFF  }
0xc3: {  	_ =	shalt  }
tec
execute0_lowered:
.L_overlay_start_1:
0x0: {  	(tag) =	ssettag $0x1  }
0x1: {  	s6 =	rddreg [dreg:$0x0]  }
0x2: {  	s1 =	rddreg [dreg:$0x1];
	s2 =	srdreg.scid  }
0x3: {  	s0 =	rddreg [dreg:$0x2];
	s3 =	simm.s32 $0x0;
	s15 =	simm.s32 $0x1400  }
0x4: {  	s16 =	simm.s32 $0x7D;
	s17 =	simm.s32 $0x2800;
	s18 =	simm.s32 $0x1  }
0x5: {  	s19 =	simm.s32 $0x6800;
	s20 =	simm.s32 $0x1380;
	s21 =	simm.s32 $0x2700  }
0x6: {  	s22 =	simm.s32 $0x2780;
	s23 =	simm.s32 $0x0;
	s7 =	sand.u32 $0x1, s2  }
0x7: {  	s2 =	stileid.u32;
	[smem:$0x7FF] =	sst s3;
	s4 =	sadd.s32 $0x3800, s6  }
0x8: {  	s9 =	sadd.s32 $0x66600, s6;
	s10 =	sadd.s32 $0x5C600, s6;
	s5 =	smul.u32 $0x140000, s7  }
0x9: {  	s8 =	smul.u32 $0x14000, s2;
	_ =	strace $0x8000004D;
	s11 =	sshll.u32 s2, $0x1  }
0xa: {  	s12 =	ssub.s32 $0x2, s7;
	s26 =	smul.u32 $0x50000, s2;
	s30 =	sshll.u32 s2, $0x6  }
0xb: {  	s7 =	sor.u32 s7, s11;
	s28 =	sshrl.u32 s12, $0x1;
	s8 =	sadd.s32 s8, s5  }
0xc: {  	s5 =	sadd.s32 $0x70600, s6;
	s7 =	smul.u32 $0x2800, s7;
	s29 =	sshrl.u32 s26, $0x2  }
0xd: {  	s12 =	ssub.s32 s12, s28;
	s8 =	sshrl.u32 s8, $0x3;
	s14 =	sadd.s32 s29, s1  }
0xe: {  	s12 =	smax.u32 s12, $0x1;
	s13 =	sadd.s32 s8, s6;
	s31 =	sshrl.u32 s7, $0x3  }
0xf: {  	s6 =	sor.u32 $0x1C02, s30;
	s7 =	sadd.s32 s9, s31;
	s11 =	sadd.s32 $0x280, s31  }
0x10: {  	s8 =	sadd.s32 s10, s31;
	s9 =	sadd.s32 s9, s11;
	s10 =	sadd.s32 s10, s11  }
0x11: {  	s11 =	sadd.s32 $0x72E00, s13;
	s13 =	sshrl.u32 s14, $0x3;
	s14 =	simm.s32 $0x2  }
.LBB2_1:
0x12: {  	[spmem:s13], [sflag:s6] =	dma.local [hbm:s5], $0x2800  }
0x13: {  	_ =	swait.ge [sflag:s14], $0x2800  }
0x14: {  	[sflag:s14] =	ssyncset.done $0x0  }
0x15: {  	[sflag:s14] =	ssyncadd.s32 $0xFFFFD800  }
0x16: {  	[bflag:$0x0] =	sbarrier.arrive $0xFFFF  }
0x17: {  	[tilespmem:s3], [sflag:$0x2] =	stream.linear.gather [hbm4b:s7+s3], $0x1400, $0x38;
	[tilespmem:$0x1E800] =	vst v63  }
0x18: {  	_ =	swait.ge [sflag:s14], $0x1400  }
0x19: {  	[sflag:s14] =	ssyncset.done $0x0  }
0x1a: {  	[sflag:s14] =	ssyncadd.s32 $0xFFFFEC00  }
0x1b: {  	[tilespmem:s15], [sflag:$0x2] =	stream.linear.gather [hbm4b:s8+s3], $0x1400, $0x38;
	[tilespmem:$0x1E800] =	vst v63  }
0x1c: {  	_ =	swait.ge [sflag:s14], $0x1400  }
0x1d: {  	[sflag:s14] =	ssyncset.done $0x0  }
0x1e: {  	[sflag:s14] =	ssyncadd.s32 $0xFFFFEC00  }
0x1f: {  	[tilespmem:s17], [sflag:$0x1] =	stream.indirect.gather [hbm4b:s4+s16], $0x80, s3, s16, $0xb8;
	[tilespmem:$0x1E800] =	vst v63  }
0x20: {  	_ =	swait.ge [sflag:s18], $0x3E80  }
0x21: {  	[sflag:s18] =	ssyncset.done $0x0  }
0x22: {  	s24 =	simm.s32 $0x80;
	[sflag:s18] =	ssyncadd.s32 $0xFFFFC180  }
0x23: {  	[tilespmem:s19], [sflag:$0x1] =	stream.indirect.gather [hbm4b:s4+s16], $0x80, s24, s16, $0xb8;
	[tilespmem:$0x1E800] =	vst v63  }
0x24: {  	s29 =	simm.s32 $0x1400  }
0x25: {  	[spmem:s1] =	stream.indirect.scatter.add.f32 [tilespmem:s17], [sflag:$0x2], $0x80, s29, s16, $0xb8;
	[tilespmem:$0x1E800] =	vst v63  }
0x26: {  	_ =	swait.ge [sflag:s14], $0x3E80  }
0x27: {  	[sflag:s14] =	ssyncset.done $0x0  }
0x28: {  	[sflag:s14] =	ssyncadd.s32 $0xFFFFC180  }
0x29: {  	_ =	swait.ge [sflag:s18], $0x3E80  }
0x2a: {  	[sflag:s18] =	ssyncset.done $0x0  }
0x2b: {  	s30 =	simm.s32 $0x100;
	[sflag:s18] =	ssyncadd.s32 $0xFFFFC180  }
0x2c: {  	[tilespmem:s17], [sflag:$0x1] =	stream.indirect.gather [hbm4b:s4+s16], $0x80, s30, s16, $0xb8;
	[tilespmem:$0x1E800] =	vst v63  }
0x2d: {  	s31 =	simm.s32 $0x1480  }
0x2e: {  	[spmem:s1] =	stream.indirect.scatter.add.f32 [tilespmem:s19], [sflag:$0x2], $0x80, s31, s16, $0xb8;
	[tilespmem:$0x1E800] =	vst v63  }
0x2f: {  	_ =	swait.ge [sflag:s14], $0x3E80  }
0x30: {  	s24 =	simm.s32 $0x400;
	[sflag:s14] =	ssyncset.done $0x0  }
.LBB2_2:
0x31: {  	p0 =	sne.s32 s24, $0x4800  }
0x32: {  	[sflag:s14] =	ssyncadd.s32 $0xFFFFC180;
	s25 =	smov.u32 s24;
	s24 =	sadd.s32 $0x400, s24  }
0x33: {  	_ = 	snop  }
0x34: {  	_ =	swait.ge [sflag:s18], $0x3E80  }
0x35: {  	s25 =	sshra.s32 s25, $0x2;
	[sflag:s18] =	ssyncset.done $0x0  }
0x36: {  	s26 =	sadd.s32 $0x80, s25;
	[sflag:s18] =	ssyncadd.s32 $0xFFFFC180  }
0x37: {  	[tilespmem:s19], [sflag:$0x1] =	stream.indirect.gather [hbm4b:s4+s16], $0x80, s26, s16, $0xb8;
	[tilespmem:$0x1E800] =	vst v63  }
0x38: {  	s26 =	sadd.s32 $0x1400, s25  }
0x39: {  	[spmem:s1] =	stream.indirect.scatter.add.f32 [tilespmem:s17], [sflag:$0x2], $0x80, s26, s16, $0xb8;
	[tilespmem:$0x1E800] =	vst v63  }
0x3a: {  	_ =	swait.ge [sflag:s14], $0x3E80  }
0x3b: {  	[sflag:s14] =	ssyncset.done $0x0  }
0x3c: {  	[sflag:s14] =	ssyncadd.s32 $0xFFFFC180  }
0x3d: {  	_ =	swait.ge [sflag:s18], $0x3E80  }
0x3e: {  	[sflag:s18] =	ssyncset.done $0x0  }
0x3f: {  	s26 =	sadd.s32 $0x100, s25;
	[sflag:s18] =	ssyncadd.s32 $0xFFFFC180  }
0x40: {  	[tilespmem:s17], [sflag:$0x1] =	stream.indirect.gather [hbm4b:s4+s16], $0x80, s26, s16, $0xb8;
	[tilespmem:$0x1E800] =	vst v63  }
.Ltmp0:
0x41: {  	_ = 	snop;
	(pc) =	sbr.rel @p0 .LBB2_2-.Ltmp0, $4  }
0x42: {  	s25 =	sadd.s32 $0x1480, s25  }
0x43: {  	[spmem:s1] =	stream.indirect.scatter.add.f32 [tilespmem:s19], [sflag:$0x2], $0x80, s25, s16, $0xb8;
	[tilespmem:$0x1E800] =	vst v63  }
0x44: {  	_ =	swait.ge [sflag:s14], $0x3E80  }
0x45: {  	[sflag:s14] =	ssyncset.done $0x0  }
0x46: {  	[sflag:s14] =	ssyncadd.s32 $0xFFFFC180  }
0x47: {  	_ =	swait.ge [sflag:s18], $0x3E80  }
0x48: {  	[sflag:s18] =	ssyncset.done $0x0  }
0x49: {  	[sflag:s18] =	ssyncadd.s32 $0xFFFFC180  }
0x4a: {  	[tilespmem:s19], [sflag:$0x1] =	stream.indirect.gather [hbm4b:s4+s16], $0x80, s20, s16, $0xb8;
	[tilespmem:$0x1E800] =	vst v63  }
0x4b: {  	_ = 	snop  }
0x4c: {  	[spmem:s1] =	stream.indirect.scatter.add.f32 [tilespmem:s17], [sflag:$0x2], $0x80, s21, s16, $0xb8;
	[tilespmem:$0x1E800] =	vst v63  }
0x4d: {  	_ =	swait.ge [sflag:s14], $0x3E80  }
0x4e: {  	[sflag:s14] =	ssyncset.done $0x0  }
0x4f: {  	[sflag:s14] =	ssyncadd.s32 $0xFFFFC180  }
0x50: {  	_ =	swait.ge [sflag:s18], $0x3E80  }
0x51: {  	[sflag:s18] =	ssyncset.done $0x0  }
0x52: {  	[sflag:s18] =	ssyncadd.s32 $0xFFFFC180  }
0x53: {  	[spmem:s1] =	stream.indirect.scatter.add.f32 [tilespmem:s19], [sflag:$0x2], $0x80, s22, s16, $0xb8;
	[tilespmem:$0x1E800] =	vst v63  }
0x54: {  	_ =	swait.ge [sflag:s14], $0x3E80  }
0x55: {  	[sflag:s14] =	ssyncset.done $0x0  }
0x56: {  	s24 =	simm.s32 $0x0;
	[sflag:s14] =	ssyncadd.s32 $0xFFFFC180  }
0x57: {  	[tilespmem:s24], [sflag:$0x2] =	stream.linear.gather [hbm4b:s9+s24], $0x1400, $0x38;
	[tilespmem:$0x1E800] =	vst v63  }
0x58: {  	_ =	swait.ge [sflag:s14], $0x1400  }
0x59: {  	[sflag:s14] =	ssyncset.done $0x0  }
0x5a: {  	[sflag:s14] =	ssyncadd.s32 $0xFFFFEC00  }
0x5b: {  	[tilespmem:s15], [sflag:$0x2] =	stream.linear.gather [hbm4b:s10+s24], $0x1400, $0x38;
	[tilespmem:$0x1E800] =	vst v63  }
0x5c: {  	_ =	swait.ge [sflag:s14], $0x1400  }
0x5d: {  	[sflag:s14] =	ssyncset.done $0x0  }
0x5e: {  	[sflag:s14] =	ssyncadd.s32 $0xFFFFEC00  }
0x5f: {  	[tilespmem:s17], [sflag:$0x1] =	stream.indirect.gather [hbm4b:s4+s16], $0x80, s24, s16, $0xb8;
	[tilespmem:$0x1E800] =	vst v63  }
0x60: {  	_ =	swait.ge [sflag:s18], $0x3E80  }
0x61: {  	[sflag:s18] =	ssyncset.done $0x0  }
0x62: {  	s28 =	simm.s32 $0x80;
	[sflag:s18] =	ssyncadd.s32 $0xFFFFC180  }
0x63: {  	[tilespmem:s19], [sflag:$0x1] =	stream.indirect.gather [hbm4b:s4+s16], $0x80, s28, s16, $0xb8;
	[tilespmem:$0x1E800] =	vst v63  }
0x64: {  	s29 =	simm.s32 $0x1400  }
0x65: {  	[spmem:s1] =	stream.indirect.scatter.add.f32 [tilespmem:s17], [sflag:$0x2], $0x80, s29, s16, $0xb8;
	[tilespmem:$0x1E800] =	vst v63  }
0x66: {  	_ =	swait.ge [sflag:s14], $0x3E80  }
0x67: {  	[sflag:s14] =	ssyncset.done $0x0  }
0x68: {  	[sflag:s14] =	ssyncadd.s32 $0xFFFFC180  }
0x69: {  	_ =	swait.ge [sflag:s18], $0x3E80  }
0x6a: {  	[sflag:s18] =	ssyncset.done $0x0  }
0x6b: {  	s30 =	simm.s32 $0x100;
	[sflag:s18] =	ssyncadd.s32 $0xFFFFC180  }
0x6c: {  	[tilespmem:s17], [sflag:$0x1] =	stream.indirect.gather [hbm4b:s4+s16], $0x80, s30, s16, $0xb8;
	[tilespmem:$0x1E800] =	vst v63  }
0x6d: {  	s31 =	simm.s32 $0x1480  }
0x6e: {  	[spmem:s1] =	stream.indirect.scatter.add.f32 [tilespmem:s19], [sflag:$0x2], $0x80, s31, s16, $0xb8;
	[tilespmem:$0x1E800] =	vst v63  }
0x6f: {  	_ =	swait.ge [sflag:s14], $0x3E80  }
0x70: {  	s24 =	simm.s32 $0x400;
	[sflag:s14] =	ssyncset.done $0x0  }
.LBB2_4:
0x71: {  	p0 =	sne.s32 s24, $0x4800  }
0x72: {  	[sflag:s14] =	ssyncadd.s32 $0xFFFFC180;
	s25 =	smov.u32 s24;
	s24 =	sadd.s32 $0x400, s24  }
0x73: {  	_ = 	snop  }
0x74: {  	_ =	swait.ge [sflag:s18], $0x3E80  }
0x75: {  	s25 =	sshra.s32 s25, $0x2;
	[sflag:s18] =	ssyncset.done $0x0  }
0x76: {  	s26 =	sadd.s32 $0x80, s25;
	[sflag:s18] =	ssyncadd.s32 $0xFFFFC180  }
0x77: {  	[tilespmem:s19], [sflag:$0x1] =	stream.indirect.gather [hbm4b:s4+s16], $0x80, s26, s16, $0xb8;
	[tilespmem:$0x1E800] =	vst v63  }
0x78: {  	s26 =	sadd.s32 $0x1400, s25  }
0x79: {  	[spmem:s1] =	stream.indirect.scatter.add.f32 [tilespmem:s17], [sflag:$0x2], $0x80, s26, s16, $0xb8;
	[tilespmem:$0x1E800] =	vst v63  }
0x7a: {  	_ =	swait.ge [sflag:s14], $0x3E80  }
0x7b: {  	[sflag:s14] =	ssyncset.done $0x0  }
0x7c: {  	[sflag:s14] =	ssyncadd.s32 $0xFFFFC180  }
0x7d: {  	_ =	swait.ge [sflag:s18], $0x3E80  }
0x7e: {  	[sflag:s18] =	ssyncset.done $0x0  }
0x7f: {  	s26 =	sadd.s32 $0x100, s25;
	[sflag:s18] =	ssyncadd.s32 $0xFFFFC180  }
0x80: {  	[tilespmem:s17], [sflag:$0x1] =	stream.indirect.gather [hbm4b:s4+s16], $0x80, s26, s16, $0xb8;
	[tilespmem:$0x1E800] =	vst v63  }
.Ltmp1:
0x81: {  	_ = 	snop;
	(pc) =	sbr.rel @p0 .LBB2_4-.Ltmp1, $4  }
0x82: {  	s25 =	sadd.s32 $0x1480, s25  }
0x83: {  	[spmem:s1] =	stream.indirect.scatter.add.f32 [tilespmem:s19], [sflag:$0x2], $0x80, s25, s16, $0xb8;
	[tilespmem:$0x1E800] =	vst v63  }
0x84: {  	_ =	swait.ge [sflag:s14], $0x3E80  }
0x85: {  	[sflag:s14] =	ssyncset.done $0x0  }
0x86: {  	[sflag:s14] =	ssyncadd.s32 $0xFFFFC180  }
0x87: {  	_ =	swait.ge [sflag:s18], $0x3E80  }
0x88: {  	[sflag:s18] =	ssyncset.done $0x0  }
0x89: {  	[sflag:s18] =	ssyncadd.s32 $0xFFFFC180  }
0x8a: {  	[tilespmem:s19], [sflag:$0x1] =	stream.indirect.gather [hbm4b:s4+s16], $0x80, s20, s16, $0xb8;
	[tilespmem:$0x1E800] =	vst v63  }
0x8b: {  	_ = 	snop  }
0x8c: {  	[spmem:s1] =	stream.indirect.scatter.add.f32 [tilespmem:s17], [sflag:$0x2], $0x80, s21, s16, $0xb8;
	[tilespmem:$0x1E800] =	vst v63  }
0x8d: {  	_ =	swait.ge [sflag:s14], $0x3E80  }
0x8e: {  	[sflag:s14] =	ssyncset.done $0x0  }
0x8f: {  	[sflag:s14] =	ssyncadd.s32 $0xFFFFC180  }
0x90: {  	_ =	swait.ge [sflag:s18], $0x3E80  }
0x91: {  	[sflag:s18] =	ssyncset.done $0x0  }
0x92: {  	[sflag:s18] =	ssyncadd.s32 $0xFFFFC180  }
0x93: {  	[spmem:s1] =	stream.indirect.scatter.add.f32 [tilespmem:s19], [sflag:$0x2], $0x80, s22, s16, $0xb8;
	[tilespmem:$0x1E800] =	vst v63  }
0x94: {  	_ =	swait.ge [sflag:s14], $0x3E80  }
0x95: {  	s23 =	sadd.s32 $0x1, s23;
	[sflag:s14] =	ssyncset.done $0x0  }
0x96: {  	p0 =	sne.s32 s23, s12;
	[sflag:s14] =	ssyncadd.s32 $0xFFFFC180  }
.Ltmp2:
0x97: {  	[bflag:$0x0] =	sbarrier.arrive $0xFFFF;
	(pc) =	sbr.rel @p0 .LBB2_1-.Ltmp2, $4  }
0x98: {  	[hbm:s11], [sflag:s6] =	dma.local [spmem:s13], $0x2800  }
0x99: {  	_ =	swait.ge [sflag:s14], $0x2800  }
0x9a: {  	[sflag:s14] =	ssyncset.done $0x0  }
0x9b: {  	[sflag:s14] =	ssyncadd.s32 $0xFFFFD800  }
0x9c: {  	_ =	sfence.sel $0x180000  }
0x9d: {  	[bflag:$0x0] =	sbarrier.arrive $0xFFFF  }
0x9e: {  	p0 =	sne.s32 s2, $0x0;
	_ =	strace $0x9000004D  }
0x9f: {  	s0 =	sadd.s32 @!p0 $0x100000, s0;
	[bflag:$0x2] =	sbarrier.arrive $0xFFFF  }
0xa0: {  	[sflag:s0] =	ssyncadd.tile.s32 @!p0 $0x1;
	_ =	shalt  }
.Lfunc_end2:
_tile_overlayer_lowered:
.L_overlay_start_2:
0xa1: {  	(tag) =	ssettag $0x2  }
0xa2: {  	s0 =	rddreg [dreg:$0x0];
	s2 =	stileid.u32  }
0xa3: {  	s1 =	rddreg [dreg:$0x1];
	p0 =	sne.s32 s2, $0x0  }
0xa4: {  	s3 =	rddreg [dreg:$0x2];
	[bflag:$0x3] =	sbarrier.arrive $0xFFFF;
	s2 =	simm.s32 @!p0 $0x1C02  }
0xa5: {  	[timem:s3], [sflag:s2] =	dma.local @!p0 [hbm:s0], s1  }
0xa6: {  	s0 =	simm.s32 @!p0 $0x2  }
0xa7: {  	_ =	swait.ge @!p0 [sflag:s0], s1  }
0xa8: {  	s1 =	ssub.s32 @!p0 $0x0, s1;
	[sflag:s0] =	ssyncset.done @!p0 $0x0  }
0xa9: {  	[sflag:s0] =	ssyncadd.s32 @!p0 s1  }
0xaa: {  	[bflag:$0x3] =	sbarrier.arrive $0xFFFF  }
0xab: {  	_ =	shalt  }

// kernel: kernel.18.cloned.1.call-start
scs
__scs_entry_jumppad:
0x0: {  	(pc) =	sbr.rel $0x88, $3  }
0x1: {  	(tag) =	ssettag $0x0;
	lr =	simm.s32 $0x1  }
0x2: {  	[smem:$0x3F92] =	sst lr;
	_ =	strace $0xD0000000  }
0x3: {  	_ = 	snop  }
0x4: {  	_ = 	snop  }
0x5: {  	_ = 	snop  }
0x6: {  	_ = 	snop  }
0x7: {  	_ = 	snop  }
__scs_overlays_trampoline_lowered:
0x8: {  	[smem:$0x3FA1] =	sst s0  }
0x9: {  	[smem:$0x3FA2] =	sst s1  }
0xa: {  	[smem:$0x3FA3] =	sst s2  }
0xb: {  	[smem:$0x3FA4] =	sst s3  }
0xc: {  	[smem:$0x3FA5] =	sst s4  }
0xd: {  	[smem:$0x3FA6] =	sst s5  }
0xe: {  	[smem:$0x3FA7] =	sst s6  }
0xf: {  	[smem:$0x3FA8] =	sst s7  }
0x10: {  	[smem:$0x3FA9] =	sst s8  }
0x11: {  	[smem:$0x3FAA] =	sst s9;
	s0 =	simm.s32 @!p0 $0x0  }
0x12: {  	s1 =	sld [smem:$0x3F90];
	s0 =	simm.s32 @p0 $0x1  }
0x13: {  	[smem:$0x3FAB] =	sst s0;
	s0 =	simm.s32 @!p1 $0x0  }
0x14: {  	s2 =	sld [smem:$0x3F8F];
	s0 =	simm.s32 @p1 $0x1  }
0x15: {  	[smem:$0x3FAC] =	sst s0;
	s0 =	simm.s32 @!p2 $0x0  }
0x16: {  	s3 =	sld [smem:$0x3FDB];
	s0 =	simm.s32 @p2 $0x1  }
0x17: {  	s4 =	simm.s32 $0x1BF5;
	[smem:$0x3FAE] =	sst s0  }
0x18: {  	s0 =	sld [smem:$0x3F91];
	_ =	swait.ge [sflag:s4], $0x0  }
0x19: {  	s7 =	sld [smem:$0x3F92]  }
0x1a: {  	s8 =	sadd.s32 $0xFFFFE003, lr  }
0x1b: {  	s9 =	sadd.s32 $0xFFFFFEF7, lr;
	s5 =	simm.s32 $0xFFFFFFFF;
	p2 =	slt.u32 s8, $0xFFFFF086  }
0x1c: {  	p1 =	slt.u32 s9, $0xF7A;
	s5 =	simm.s32 @!p2 $0x0  }
0x1d: {  	s5 =	simm.s32 @p1 $0x1;
	p0 =	seq.s32 s7, s2  }
0x1e: {  	s7 =	smul.u32 @!p0 $0xF7A, s2;
	p2 =	seq.s32 @!p0 s5, $0x0  }
0x1f: {  	s9 =	smul.u32 $0xF7A, s1;
	s8 =	simm.s32 @!p0 $0x1BF5;
	p2 =	por !p2, p0  }
0x20: {  	[sflag:s8] =	ssyncset.s32 @!p0 $0xFFFFF086;
	s6 =	sadd.s32 @!p0 s3, s7;
	s7 =	simm.s32 @!p0 $0x108  }
0x21: {  	s3 =	sadd.s32 s3, s9;
	s6 =	sadd.s32 @!p0 $0x88, s6;
	s7 =	simm.s32 @p2 $0x1082  }
0x22: {  	[simem:s7], [sflag:s8] =	dma.local @!p0 [hbm:s6], $0xF7A  }
0x23: {  	s9 =	sor.u32 $0xD0000000, s2;
	s6 =	simm.s32 $0x108;
	_ =	swait.ge @!p0 [sflag:s8], $0x0  }
0x24: {  	s3 =	sadd.s32 $0x88, s3;
	s6 =	simm.s32 @!p1 $0x1082;
	[sflag:s4] =	ssyncset.s32 $0xFFFFF086  }
0x25: {  	[simem:s6], [sflag:s4] =	dma.local [hbm:s3], $0xF7A  }
0x26: {  	[smem:$0x3F92] =	sst s1;
	(tag) =	ssettag s2;
	_ =	strace s9  }
0x27: {  	s1 =	sld [smem:$0x3FA2]  }
0x28: {  	s2 =	sld [smem:$0x3FA3]  }
0x29: {  	s4 =	sld [smem:$0x3FA5]  }
0x2a: {  	p0 =	seq.s32 s5, $0x0;
	s5 =	sld [smem:$0x3FA6]  }
0x2b: {  	s6 =	sld [smem:$0x3FA7]  }
0x2c: {  	s7 =	sld [smem:$0x3FA8]  }
0x2d: {  	s3 =	simm.s32 $0x108;
	s8 =	sld [smem:$0x3FA9]  }
0x2e: {  	s3 =	simm.s32 @!p0 $0x1082;
	s9 =	sld [smem:$0x3FAA]  }
0x2f: {  	lr =	sadd.s32 s0, s3;
	s0 =	sld [smem:$0x3FA1]  }
0x30: {  	s3 =	sld [smem:$0x3FA4]  }
0x31: {  	[smem:$0x3FAD] =	sst s10  }
0x32: {  	s10 =	sld [smem:$0x3FAB];
	_ =	sdelay $0x3  }
0x33: {  	p0 =	seq.s32 s10, $0x1;
	s10 =	sld [smem:$0x3FAD];
	_ =	sdelay $0x3  }
0x34: {  	[smem:$0x3FAD] =	sst s10  }
0x35: {  	s10 =	sld [smem:$0x3FAC];
	_ =	sdelay $0x3  }
0x36: {  	p1 =	seq.s32 s10, $0x1;
	s10 =	sld [smem:$0x3FAD];
	_ =	sdelay $0x3  }
0x37: {  	[smem:$0x3FAD] =	sst s10  }
0x38: {  	s10 =	sld [smem:$0x3FAE]  }
0x39: {  	_ = 	snop;
	(pc) =	sbr.ind lr, $3  }
0x3a: {  	_ = 	snop  }
0x3b: {  	_ = 	snop  }
0x3c: {  	p2 =	seq.s32 s10, $0x1;
	s10 =	sld [smem:$0x3FAD]  }
0x3d: {  	_ =	shalt  }
0x3e: {  	_ =	shalt  }
0x3f: {  	_ =	shalt  }
0x40: {  	_ =	shalt  }
0x41: {  	_ =	shalt  }
0x42: {  	_ =	shalt  }
0x43: {  	_ =	shalt  }
0x44: {  	_ =	shalt  }
0x45: {  	_ =	shalt  }
0x46: {  	_ =	shalt  }
0x47: {  	_ =	shalt  }
0x48: {  	_ =	shalt  }
0x49: {  	_ =	shalt  }
0x4a: {  	_ =	shalt  }
0x4b: {  	_ =	shalt  }
0x4c: {  	_ =	shalt  }
0x4d: {  	_ =	shalt  }
0x4e: {  	_ =	shalt  }
0x4f: {  	_ =	shalt  }
0x50: {  	_ =	shalt  }
0x51: {  	_ =	shalt  }
0x52: {  	_ =	shalt  }
0x53: {  	_ =	shalt  }
0x54: {  	_ =	shalt  }
0x55: {  	_ =	shalt  }
0x56: {  	_ =	shalt  }
0x57: {  	_ =	shalt  }
0x58: {  	_ =	shalt  }
0x59: {  	_ =	shalt  }
0x5a: {  	_ =	shalt  }
0x5b: {  	_ =	shalt  }
0x5c: {  	_ =	shalt  }
0x5d: {  	_ =	shalt  }
0x5e: {  	_ =	shalt  }
0x5f: {  	_ =	shalt  }
0x60: {  	_ =	shalt  }
0x61: {  	_ =	shalt  }
0x62: {  	_ =	shalt  }
0x63: {  	_ =	shalt  }
0x64: {  	_ =	shalt  }
0x65: {  	_ =	shalt  }
0x66: {  	_ =	shalt  }
0x67: {  	_ =	shalt  }
0x68: {  	_ =	shalt  }
0x69: {  	_ =	shalt  }
0x6a: {  	_ =	shalt  }
0x6b: {  	_ =	shalt  }
0x6c: {  	_ =	shalt  }
0x6d: {  	_ =	shalt  }
0x6e: {  	_ =	shalt  }
0x6f: {  	_ =	shalt  }
0x70: {  	_ =	shalt  }
0x71: {  	_ =	shalt  }
0x72: {  	_ =	shalt  }
0x73: {  	_ =	shalt  }
0x74: {  	_ =	shalt  }
0x75: {  	_ =	shalt  }
0x76: {  	_ =	shalt  }
0x77: {  	_ =	shalt  }
0x78: {  	_ =	shalt  }
0x79: {  	_ =	shalt  }
0x7a: {  	_ =	shalt  }
0x7b: {  	_ =	shalt  }
0x7c: {  	_ =	shalt  }
0x7d: {  	_ =	shalt  }
0x7e: {  	_ =	shalt  }
0x7f: {  	_ =	shalt  }
0x80: {  	_ =	shalt  }
0x81: {  	_ =	shalt  }
0x82: {  	_ =	shalt  }
0x83: {  	_ =	shalt  }
0x84: {  	_ =	shalt  }
0x85: {  	_ =	shalt  }
0x86: {  	_ =	shalt  }
0x87: {  	_ =	shalt  }
.Lfunc_end0:
.L_simem_size_0:
called_computation.3_lowered:
.L_overlay_start_0:
0x88: {  	s2 =	sld [smem:$0x3FD9]  }
0x89: {  	s3 =	sld [smem:$0x3FFE];
	_ =	sdelay $0x1  }
0x8a: {  	s1 =	srdreg.scid  }
0x8b: {  	s0 =	sand.u32 $0x1, s1  }
0x8c: {  	s16 =	sshll.u32 s0, $0xA;
	s2 =	sadd.s32 s3, s2  }
0x8d: {  	s2 =	sadd.s32 s2, s16  }
0x8e: {  	[smem:$0x3FB9] =	sst s2  }
0x8f: {  	_ = 	snop  }
0x90: {  	(tm) =	ssettm $0x1  }
0x91: {  	s17 =	sld [smem:$0x3FFB];
	_ =	sdelay $0x3  }
0x92: {  	_ =	strace s17  }
0x93: {  	s2 =	sld [smem:$0x3FFC];
	_ =	sdelay $0x3  }
0x94: {  	_ =	strace s2  }
0x95: {  	s2 =	sld [smem:$0x3FFD];
	_ =	sdelay $0x3  }
0x96: {  	_ =	strace s2  }
0x97: {  	_ =	strace $0x8FFFFFFF  }
0x98: {  	s18 =	sld [smem:$0x3FDB];
	_ =	sdelay $0x1  }
0x99: {  	s19 =	simm.s32 $_scs_section_size  }
0x9a: {  	s4 =	simm.s32 $_size__tile_overlayer_lowered;
	s5 =	simm.s32 $_tile_overlayer_lowered  }
0x9b: {  	s22 =	simm.s32 $0x1BFF;
	s21 =	sshll.u32 s5, $0x1;
	s2 =	sadd.s32 s19, s18  }
0x9c: {  	s6 =	simm.s32 $0x0;
	s20 =	sshll.u32 s4, $0x1;
	s4 =	sadd.s32 s21, s2  }
0x9d: {  	[timem:s6], [sflag:s22] =	dma.local [hbm:s4], s20  }
0x9e: {  	_ =	swait.ge [sflag:s22], s20  }
0x9f: {  	s3 =	ssub.s32 $0x0, s20;
	[sflag:s22] =	ssyncset.done $0x0  }
0xa0: {  	[sflag:s22] =	ssyncadd.s32 s3;
	_ =	sdelay $0x1  }
0xa1: {  	s23 =	simm.s32 $0x1B8B  }
0xa2: {  	_ =	swait.ge [sflag:s23], $0x1  }
0xa3: {  	[sflag:s23] =	ssyncset.done $0x0  }
0xa4: {  	s25 =	simm.s32 $0x1B8E;
	s24 =	sld [smem:$0x3FFE];
	[sflag:s23] =	ssyncadd.s32 $0xFFFFFFFF  }
0xa5: {  	s26 =	simm.s32 $execute0_lowered;
	[smem:$0x3FD2] =	sst s25  }
0xa6: {  	s4 =	sshll.u32 s26, $0x1;
	_ =	strace $0x8000004F;
	[dreg:$0x1] =	wrdreg $0xFFFFFFFF  }
0xa7: {  	s28 =	simm.s32 $_size_execute0_lowered;
	s2 =	sadd.s32 s2, s4;
	[dreg:$0x0] =	wrdreg $0x0  }
0xa8: {  	s4 =	sshll.u32 s28, $0x1;
	[dreg:$0x2] =	wrdreg s2  }
0xa9: {  	[dreg:$0x3] =	wrdreg s4  }
0xaa: {  	[dreg:$0x4] =	wrdreg $0xC0  }
0xab: {  	_ =	task [dreg:s6], $0x5FFFF  }
0xac: {  	[dreg:$0x1] =	wrdreg $0xFFFFFFFF  }
0xad: {  	[dreg:$0x0] =	wrdreg $0x60  }
0xae: {  	[dreg:$0x2] =	wrdreg s24  }
0xaf: {  	[dreg:$0x3] =	wrdreg $0xA8000  }
0xb0: {  	[dreg:$0x4] =	wrdreg $0x9  }
0xb1: {  	_ =	task.clear_ibuf [dreg:s6], $0x5FFFF;
	_ =	strace $0x9000004F  }
0xb2: {  	s29 =	simm.s32 $0x9;
	_ =	strace $0x80000051  }
0xb3: {  	_ =	swait.ge [sflag:s29], $0x1  }
0xb4: {  	[sflag:s29] =	ssyncadd.s32 $0xFFFFFFFF  }
0xb5: {  	_ =	strace $0x90000051  }
0xb6: {  	_ =	sfence  }
0xb7: {  	s30 =	sld [smem:$0x0];
	_ =	sdelay $0x2  }
0xb8: {  	s31 =	sshll.u32 s1, $0xD;
	s1 =	sshrl.u32 s1, $0x2  }
0xb9: {  	s3 =	sand.u32 $0x4000, s31;
	s1 =	sadd.s32 s1, s30  }
0xba: {  	s0 =	sor.u32 s3, s0;
	s1 =	sshll.u32 s1, $0x11  }
0xbb: {  	s0 =	sor.u32 s1, s0  }
0xbc: {  	s0 =	sadd.s32 $0x8F2B, s0  }
0xbd: {  	[sflag:s0] =	ssyncadd.remote.s32 $0x1  }
0xbe: {  	_ =	sfence.sel $0xFFFF  }
0xbf: {  	[dreg:$0x0] =	wrdreg $0xFFFFFFFF;
	(pc) =	sbr.abs _section_cstart, $3  }
0xc0: {  	[dreg:$0x1] =	wrdreg $0xFFFFFFFF  }
0xc1: {  	_ =	task.clear_ibuf [dreg:s6], $0x2FFFF;
	_ =	strace $0x9FFFFFFF  }
0xc2: {  	(tm) =	ssettm $0x7FFFFFFF  }
0xc3: {  	_ =	shalt  }
tec
execute0_lowered:
.L_overlay_start_1:
0x0: {  	(tag) =	ssettag $0x1  }
0x1: {  	s6 =	rddreg [dreg:$0x0]  }
0x2: {  	s1 =	rddreg [dreg:$0x1];
	s2 =	srdreg.scid  }
0x3: {  	s0 =	rddreg [dreg:$0x2];
	s3 =	simm.s32 $0x0;
	s15 =	simm.s32 $0x1400  }
0x4: {  	s16 =	simm.s32 $0x7D;
	s17 =	simm.s32 $0x2800;
	s18 =	simm.s32 $0x1  }
0x5: {  	s19 =	simm.s32 $0x6800;
	s20 =	simm.s32 $0x1380;
	s21 =	simm.s32 $0x2700  }
0x6: {  	s22 =	simm.s32 $0x2780;
	s23 =	simm.s32 $0x0;
	s7 =	sand.u32 $0x1, s2  }
0x7: {  	s2 =	stileid.u32;
	[smem:$0x7FF] =	sst s3;
	s4 =	sadd.s32 $0x3800, s6  }
0x8: {  	s9 =	sadd.s32 $0x66600, s6;
	s10 =	sadd.s32 $0x5C600, s6;
	s5 =	smul.u32 $0x140000, s7  }
0x9: {  	s8 =	smul.u32 $0x14000, s2;
	_ =	strace $0x80000050;
	s11 =	sshll.u32 s2, $0x1  }
0xa: {  	s12 =	ssub.s32 $0x2, s7;
	s26 =	smul.u32 $0x50000, s2;
	s30 =	sshll.u32 s2, $0x6  }
0xb: {  	s7 =	sor.u32 s7, s11;
	s28 =	sshrl.u32 s12, $0x1;
	s8 =	sadd.s32 s8, s5  }
0xc: {  	s5 =	sadd.s32 $0x70600, s6;
	s7 =	smul.u32 $0x2800, s7;
	s29 =	sshrl.u32 s26, $0x2  }
0xd: {  	s12 =	ssub.s32 s12, s28;
	s8 =	sshrl.u32 s8, $0x3;
	s14 =	sadd.s32 s29, s1  }
0xe: {  	s12 =	smax.u32 s12, $0x1;
	s13 =	sadd.s32 s8, s6;
	s31 =	sshrl.u32 s7, $0x3  }
0xf: {  	s6 =	sor.u32 $0x1C02, s30;
	s7 =	sadd.s32 s9, s31;
	s11 =	sadd.s32 $0x280, s31  }
0x10: {  	s8 =	sadd.s32 s10, s31;
	s9 =	sadd.s32 s9, s11;
	s10 =	sadd.s32 s10, s11  }
0x11: {  	s11 =	sadd.s32 $0x72E00, s13;
	s13 =	sshrl.u32 s14, $0x3;
	s14 =	simm.s32 $0x2  }
.LBB2_1:
0x12: {  	[spmem:s13], [sflag:s6] =	dma.local [hbm:s5], $0x2800  }
0x13: {  	_ =	swait.ge [sflag:s14], $0x2800  }
0x14: {  	[sflag:s14] =	ssyncset.done $0x0  }
0x15: {  	[sflag:s14] =	ssyncadd.s32 $0xFFFFD800  }
0x16: {  	[bflag:$0x0] =	sbarrier.arrive $0xFFFF  }
0x17: {  	[tilespmem:s3], [sflag:$0x2] =	stream.linear.gather [hbm4b:s7+s3], $0x1400, $0x38;
	[tilespmem:$0x1E800] =	vst v63  }
0x18: {  	_ =	swait.ge [sflag:s14], $0x1400  }
0x19: {  	[sflag:s14] =	ssyncset.done $0x0  }
0x1a: {  	[sflag:s14] =	ssyncadd.s32 $0xFFFFEC00  }
0x1b: {  	[tilespmem:s15], [sflag:$0x2] =	stream.linear.gather [hbm4b:s8+s3], $0x1400, $0x38;
	[tilespmem:$0x1E800] =	vst v63  }
0x1c: {  	_ =	swait.ge [sflag:s14], $0x1400  }
0x1d: {  	[sflag:s14] =	ssyncset.done $0x0  }
0x1e: {  	[sflag:s14] =	ssyncadd.s32 $0xFFFFEC00  }
0x1f: {  	[tilespmem:s17], [sflag:$0x1] =	stream.indirect.gather [hbm4b:s4+s16], $0x80, s3, s16, $0xb8;
	[tilespmem:$0x1E800] =	vst v63  }
0x20: {  	_ =	swait.ge [sflag:s18], $0x3E80  }
0x21: {  	[sflag:s18] =	ssyncset.done $0x0  }
0x22: {  	s24 =	simm.s32 $0x80;
	[sflag:s18] =	ssyncadd.s32 $0xFFFFC180  }
0x23: {  	[tilespmem:s19], [sflag:$0x1] =	stream.indirect.gather [hbm4b:s4+s16], $0x80, s24, s16, $0xb8;
	[tilespmem:$0x1E800] =	vst v63  }
0x24: {  	s29 =	simm.s32 $0x1400  }
0x25: {  	[spmem:s1] =	stream.indirect.scatter.add.f32 [tilespmem:s17], [sflag:$0x2], $0x80, s29, s16, $0xb8;
	[tilespmem:$0x1E800] =	vst v63  }
0x26: {  	_ =	swait.ge [sflag:s14], $0x3E80  }
0x27: {  	[sflag:s14] =	ssyncset.done $0x0  }
0x28: {  	[sflag:s14] =	ssyncadd.s32 $0xFFFFC180  }
0x29: {  	_ =	swait.ge [sflag:s18], $0x3E80  }
0x2a: {  	[sflag:s18] =	ssyncset.done $0x0  }
0x2b: {  	s30 =	simm.s32 $0x100;
	[sflag:s18] =	ssyncadd.s32 $0xFFFFC180  }
0x2c: {  	[tilespmem:s17], [sflag:$0x1] =	stream.indirect.gather [hbm4b:s4+s16], $0x80, s30, s16, $0xb8;
	[tilespmem:$0x1E800] =	vst v63  }
0x2d: {  	s31 =	simm.s32 $0x1480  }
0x2e: {  	[spmem:s1] =	stream.indirect.scatter.add.f32 [tilespmem:s19], [sflag:$0x2], $0x80, s31, s16, $0xb8;
	[tilespmem:$0x1E800] =	vst v63  }
0x2f: {  	_ =	swait.ge [sflag:s14], $0x3E80  }
0x30: {  	s24 =	simm.s32 $0x400;
	[sflag:s14] =	ssyncset.done $0x0  }
.LBB2_2:
0x31: {  	p0 =	sne.s32 s24, $0x4800  }
0x32: {  	[sflag:s14] =	ssyncadd.s32 $0xFFFFC180;
	s25 =	smov.u32 s24;
	s24 =	sadd.s32 $0x400, s24  }
0x33: {  	_ = 	snop  }
0x34: {  	_ =	swait.ge [sflag:s18], $0x3E80  }
0x35: {  	s25 =	sshra.s32 s25, $0x2;
	[sflag:s18] =	ssyncset.done $0x0  }
0x36: {  	s26 =	sadd.s32 $0x80, s25;
	[sflag:s18] =	ssyncadd.s32 $0xFFFFC180  }
0x37: {  	[tilespmem:s19], [sflag:$0x1] =	stream.indirect.gather [hbm4b:s4+s16], $0x80, s26, s16, $0xb8;
	[tilespmem:$0x1E800] =	vst v63  }
0x38: {  	s26 =	sadd.s32 $0x1400, s25  }
0x39: {  	[spmem:s1] =	stream.indirect.scatter.add.f32 [tilespmem:s17], [sflag:$0x2], $0x80, s26, s16, $0xb8;
	[tilespmem:$0x1E800] =	vst v63  }
0x3a: {  	_ =	swait.ge [sflag:s14], $0x3E80  }
0x3b: {  	[sflag:s14] =	ssyncset.done $0x0  }
0x3c: {  	[sflag:s14] =	ssyncadd.s32 $0xFFFFC180  }
0x3d: {  	_ =	swait.ge [sflag:s18], $0x3E80  }
0x3e: {  	[sflag:s18] =	ssyncset.done $0x0  }
0x3f: {  	s26 =	sadd.s32 $0x100, s25;
	[sflag:s18] =	ssyncadd.s32 $0xFFFFC180  }
0x40: {  	[tilespmem:s17], [sflag:$0x1] =	stream.indirect.gather [hbm4b:s4+s16], $0x80, s26, s16, $0xb8;
	[tilespmem:$0x1E800] =	vst v63  }
.Ltmp0:
0x41: {  	_ = 	snop;
	(pc) =	sbr.rel @p0 .LBB2_2-.Ltmp0, $4  }
0x42: {  	s25 =	sadd.s32 $0x1480, s25  }
0x43: {  	[spmem:s1] =	stream.indirect.scatter.add.f32 [tilespmem:s19], [sflag:$0x2], $0x80, s25, s16, $0xb8;
	[tilespmem:$0x1E800] =	vst v63  }
0x44: {  	_ =	swait.ge [sflag:s14], $0x3E80  }
0x45: {  	[sflag:s14] =	ssyncset.done $0x0  }
0x46: {  	[sflag:s14] =	ssyncadd.s32 $0xFFFFC180  }
0x47: {  	_ =	swait.ge [sflag:s18], $0x3E80  }
0x48: {  	[sflag:s18] =	ssyncset.done $0x0  }
0x49: {  	[sflag:s18] =	ssyncadd.s32 $0xFFFFC180  }
0x4a: {  	[tilespmem:s19], [sflag:$0x1] =	stream.indirect.gather [hbm4b:s4+s16], $0x80, s20, s16, $0xb8;
	[tilespmem:$0x1E800] =	vst v63  }
0x4b: {  	_ = 	snop  }
0x4c: {  	[spmem:s1] =	stream.indirect.scatter.add.f32 [tilespmem:s17], [sflag:$0x2], $0x80, s21, s16, $0xb8;
	[tilespmem:$0x1E800] =	vst v63  }
0x4d: {  	_ =	swait.ge [sflag:s14], $0x3E80  }
0x4e: {  	[sflag:s14] =	ssyncset.done $0x0  }
0x4f: {  	[sflag:s14] =	ssyncadd.s32 $0xFFFFC180  }
0x50: {  	_ =	swait.ge [sflag:s18], $0x3E80  }
0x51: {  	[sflag:s18] =	ssyncset.done $0x0  }
0x52: {  	[sflag:s18] =	ssyncadd.s32 $0xFFFFC180  }
0x53: {  	[spmem:s1] =	stream.indirect.scatter.add.f32 [tilespmem:s19], [sflag:$0x2], $0x80, s22, s16, $0xb8;
	[tilespmem:$0x1E800] =	vst v63  }
0x54: {  	_ =	swait.ge [sflag:s14], $0x3E80  }
0x55: {  	[sflag:s14] =	ssyncset.done $0x0  }
0x56: {  	s24 =	simm.s32 $0x0;
	[sflag:s14] =	ssyncadd.s32 $0xFFFFC180  }
0x57: {  	[tilespmem:s24], [sflag:$0x2] =	stream.linear.gather [hbm4b:s9+s24], $0x1400, $0x38;
	[tilespmem:$0x1E800] =	vst v63  }
0x58: {  	_ =	swait.ge [sflag:s14], $0x1400  }
0x59: {  	[sflag:s14] =	ssyncset.done $0x0  }
0x5a: {  	[sflag:s14] =	ssyncadd.s32 $0xFFFFEC00  }
0x5b: {  	[tilespmem:s15], [sflag:$0x2] =	stream.linear.gather [hbm4b:s10+s24], $0x1400, $0x38;
	[tilespmem:$0x1E800] =	vst v63  }
0x5c: {  	_ =	swait.ge [sflag:s14], $0x1400  }
0x5d: {  	[sflag:s14] =	ssyncset.done $0x0  }
0x5e: {  	[sflag:s14] =	ssyncadd.s32 $0xFFFFEC00  }
0x5f: {  	[tilespmem:s17], [sflag:$0x1] =	stream.indirect.gather [hbm4b:s4+s16], $0x80, s24, s16, $0xb8;
	[tilespmem:$0x1E800] =	vst v63  }
0x60: {  	_ =	swait.ge [sflag:s18], $0x3E80  }
0x61: {  	[sflag:s18] =	ssyncset.done $0x0  }
0x62: {  	s28 =	simm.s32 $0x80;
	[sflag:s18] =	ssyncadd.s32 $0xFFFFC180  }
0x63: {  	[tilespmem:s19], [sflag:$0x1] =	stream.indirect.gather [hbm4b:s4+s16], $0x80, s28, s16, $0xb8;
	[tilespmem:$0x1E800] =	vst v63  }
0x64: {  	s29 =	simm.s32 $0x1400  }
0x65: {  	[spmem:s1] =	stream.indirect.scatter.add.f32 [tilespmem:s17], [sflag:$0x2], $0x80, s29, s16, $0xb8;
	[tilespmem:$0x1E800] =	vst v63  }
0x66: {  	_ =	swait.ge [sflag:s14], $0x3E80  }
0x67: {  	[sflag:s14] =	ssyncset.done $0x0  }
0x68: {  	[sflag:s14] =	ssyncadd.s32 $0xFFFFC180  }
0x69: {  	_ =	swait.ge [sflag:s18], $0x3E80  }
0x6a: {  	[sflag:s18] =	ssyncset.done $0x0  }
0x6b: {  	s30 =	simm.s32 $0x100;
	[sflag:s18] =	ssyncadd.s32 $0xFFFFC180  }
0x6c: {  	[tilespmem:s17], [sflag:$0x1] =	stream.indirect.gather [hbm4b:s4+s16], $0x80, s30, s16, $0xb8;
	[tilespmem:$0x1E800] =	vst v63  }
0x6d: {  	s31 =	simm.s32 $0x1480  }
0x6e: {  	[spmem:s1] =	stream.indirect.scatter.add.f32 [tilespmem:s19], [sflag:$0x2], $0x80, s31, s16, $0xb8;
	[tilespmem:$0x1E800] =	vst v63  }
0x6f: {  	_ =	swait.ge [sflag:s14], $0x3E80  }
0x70: {  	s24 =	simm.s32 $0x400;
	[sflag:s14] =	ssyncset.done $0x0  }
.LBB2_4:
0x71: {  	p0 =	sne.s32 s24, $0x4800  }
0x72: {  	[sflag:s14] =	ssyncadd.s32 $0xFFFFC180;
	s25 =	smov.u32 s24;
	s24 =	sadd.s32 $0x400, s24  }
0x73: {  	_ = 	snop  }
0x74: {  	_ =	swait.ge [sflag:s18], $0x3E80  }
0x75: {  	s25 =	sshra.s32 s25, $0x2;
	[sflag:s18] =	ssyncset.done $0x0  }
0x76: {  	s26 =	sadd.s32 $0x80, s25;
	[sflag:s18] =	ssyncadd.s32 $0xFFFFC180  }
0x77: {  	[tilespmem:s19], [sflag:$0x1] =	stream.indirect.gather [hbm4b:s4+s16], $0x80, s26, s16, $0xb8;
	[tilespmem:$0x1E800] =	vst v63  }
0x78: {  	s26 =	sadd.s32 $0x1400, s25  }
0x79: {  	[spmem:s1] =	stream.indirect.scatter.add.f32 [tilespmem:s17], [sflag:$0x2], $0x80, s26, s16, $0xb8;
	[tilespmem:$0x1E800] =	vst v63  }
0x7a: {  	_ =	swait.ge [sflag:s14], $0x3E80  }
0x7b: {  	[sflag:s14] =	ssyncset.done $0x0  }
0x7c: {  	[sflag:s14] =	ssyncadd.s32 $0xFFFFC180  }
0x7d: {  	_ =	swait.ge [sflag:s18], $0x3E80  }
0x7e: {  	[sflag:s18] =	ssyncset.done $0x0  }
0x7f: {  	s26 =	sadd.s32 $0x100, s25;
	[sflag:s18] =	ssyncadd.s32 $0xFFFFC180  }
0x80: {  	[tilespmem:s17], [sflag:$0x1] =	stream.indirect.gather [hbm4b:s4+s16], $0x80, s26, s16, $0xb8;
	[tilespmem:$0x1E800] =	vst v63  }
.Ltmp1:
0x81: {  	_ = 	snop;
	(pc) =	sbr.rel @p0 .LBB2_4-.Ltmp1, $4  }
0x82: {  	s25 =	sadd.s32 $0x1480, s25  }
0x83: {  	[spmem:s1] =	stream.indirect.scatter.add.f32 [tilespmem:s19], [sflag:$0x2], $0x80, s25, s16, $0xb8;
	[tilespmem:$0x1E800] =	vst v63  }
0x84: {  	_ =	swait.ge [sflag:s14], $0x3E80  }
0x85: {  	[sflag:s14] =	ssyncset.done $0x0  }
0x86: {  	[sflag:s14] =	ssyncadd.s32 $0xFFFFC180  }
0x87: {  	_ =	swait.ge [sflag:s18], $0x3E80  }
0x88: {  	[sflag:s18] =	ssyncset.done $0x0  }
0x89: {  	[sflag:s18] =	ssyncadd.s32 $0xFFFFC180  }
0x8a: {  	[tilespmem:s19], [sflag:$0x1] =	stream.indirect.gather [hbm4b:s4+s16], $0x80, s20, s16, $0xb8;
	[tilespmem:$0x1E800] =	vst v63  }
0x8b: {  	_ = 	snop  }
0x8c: {  	[spmem:s1] =	stream.indirect.scatter.add.f32 [tilespmem:s17], [sflag:$0x2], $0x80, s21, s16, $0xb8;
	[tilespmem:$0x1E800] =	vst v63  }
0x8d: {  	_ =	swait.ge [sflag:s14], $0x3E80  }
0x8e: {  	[sflag:s14] =	ssyncset.done $0x0  }
0x8f: {  	[sflag:s14] =	ssyncadd.s32 $0xFFFFC180  }
0x90: {  	_ =	swait.ge [sflag:s18], $0x3E80  }
0x91: {  	[sflag:s18] =	ssyncset.done $0x0  }
0x92: {  	[sflag:s18] =	ssyncadd.s32 $0xFFFFC180  }
0x93: {  	[spmem:s1] =	stream.indirect.scatter.add.f32 [tilespmem:s19], [sflag:$0x2], $0x80, s22, s16, $0xb8;
	[tilespmem:$0x1E800] =	vst v63  }
0x94: {  	_ =	swait.ge [sflag:s14], $0x3E80  }
0x95: {  	s23 =	sadd.s32 $0x1, s23;
	[sflag:s14] =	ssyncset.done $0x0  }
0x96: {  	p0 =	sne.s32 s23, s12;
	[sflag:s14] =	ssyncadd.s32 $0xFFFFC180  }
.Ltmp2:
0x97: {  	[bflag:$0x0] =	sbarrier.arrive $0xFFFF;
	(pc) =	sbr.rel @p0 .LBB2_1-.Ltmp2, $4  }
0x98: {  	[hbm:s11], [sflag:s6] =	dma.local [spmem:s13], $0x2800  }
0x99: {  	_ =	swait.ge [sflag:s14], $0x2800  }
0x9a: {  	[sflag:s14] =	ssyncset.done $0x0  }
0x9b: {  	[sflag:s14] =	ssyncadd.s32 $0xFFFFD800  }
0x9c: {  	_ =	sfence.sel $0x180000  }
0x9d: {  	[bflag:$0x0] =	sbarrier.arrive $0xFFFF  }
0x9e: {  	p0 =	sne.s32 s2, $0x0;
	_ =	strace $0x90000050  }
0x9f: {  	s0 =	sadd.s32 @!p0 $0x100000, s0;
	[bflag:$0x2] =	sbarrier.arrive $0xFFFF  }
0xa0: {  	[sflag:s0] =	ssyncadd.tile.s32 @!p0 $0x1;
	_ =	shalt  }
.Lfunc_end2:
_tile_overlayer_lowered:
.L_overlay_start_2:
0xa1: {  	(tag) =	ssettag $0x2  }
0xa2: {  	s0 =	rddreg [dreg:$0x0];
	s2 =	stileid.u32  }
0xa3: {  	s1 =	rddreg [dreg:$0x1];
	p0 =	sne.s32 s2, $0x0  }
0xa4: {  	s3 =	rddreg [dreg:$0x2];
	[bflag:$0x3] =	sbarrier.arrive $0xFFFF;
	s2 =	simm.s32 @!p0 $0x1C02  }
0xa5: {  	[timem:s3], [sflag:s2] =	dma.local @!p0 [hbm:s0], s1  }
0xa6: {  	s0 =	simm.s32 @!p0 $0x2  }
0xa7: {  	_ =	swait.ge @!p0 [sflag:s0], s1  }
0xa8: {  	s1 =	ssub.s32 @!p0 $0x0, s1;
	[sflag:s0] =	ssyncset.done @!p0 $0x0  }
0xa9: {  	[sflag:s0] =	ssyncadd.s32 @!p0 s1  }
0xaa: {  	[bflag:$0x3] =	sbarrier.arrive $0xFFFF  }
0xab: {  	_ =	shalt  }

// kernel: kernel.9.cloned.1.call-start
scs
__scs_entry_jumppad:
0x0: {  	(pc) =	sbr.rel $0x88, $3  }
0x1: {  	(tag) =	ssettag $0x0;
	lr =	simm.s32 $0x1  }
0x2: {  	[smem:$0x3F92] =	sst lr;
	_ =	strace $0xD0000000  }
0x3: {  	_ = 	snop  }
0x4: {  	_ = 	snop  }
0x5: {  	_ = 	snop  }
0x6: {  	_ = 	snop  }
0x7: {  	_ = 	snop  }
__scs_overlays_trampoline_lowered:
0x8: {  	[smem:$0x3FA1] =	sst s0  }
0x9: {  	[smem:$0x3FA2] =	sst s1  }
0xa: {  	[smem:$0x3FA3] =	sst s2  }
0xb: {  	[smem:$0x3FA4] =	sst s3  }
0xc: {  	[smem:$0x3FA5] =	sst s4  }
0xd: {  	[smem:$0x3FA6] =	sst s5  }
0xe: {  	[smem:$0x3FA7] =	sst s6  }
0xf: {  	[smem:$0x3FA8] =	sst s7  }
0x10: {  	[smem:$0x3FA9] =	sst s8  }
0x11: {  	[smem:$0x3FAA] =	sst s9;
	s0 =	simm.s32 @!p0 $0x0  }
0x12: {  	s1 =	sld [smem:$0x3F90];
	s0 =	simm.s32 @p0 $0x1  }
0x13: {  	[smem:$0x3FAB] =	sst s0;
	s0 =	simm.s32 @!p1 $0x0  }
0x14: {  	s2 =	sld [smem:$0x3F8F];
	s0 =	simm.s32 @p1 $0x1  }
0x15: {  	[smem:$0x3FAC] =	sst s0;
	s0 =	simm.s32 @!p2 $0x0  }
0x16: {  	s3 =	sld [smem:$0x3FDB];
	s0 =	simm.s32 @p2 $0x1  }
0x17: {  	s4 =	simm.s32 $0x1BF5;
	[smem:$0x3FAE] =	sst s0  }
0x18: {  	s0 =	sld [smem:$0x3F91];
	_ =	swait.ge [sflag:s4], $0x0  }
0x19: {  	s7 =	sld [smem:$0x3F92]  }
0x1a: {  	s8 =	sadd.s32 $0xFFFFE003, lr  }
0x1b: {  	s9 =	sadd.s32 $0xFFFFFEF7, lr;
	s5 =	simm.s32 $0xFFFFFFFF;
	p2 =	slt.u32 s8, $0xFFFFF086  }
0x1c: {  	p1 =	slt.u32 s9, $0xF7A;
	s5 =	simm.s32 @!p2 $0x0  }
0x1d: {  	s5 =	simm.s32 @p1 $0x1;
	p0 =	seq.s32 s7, s2  }
0x1e: {  	s7 =	smul.u32 @!p0 $0xF7A, s2;
	p2 =	seq.s32 @!p0 s5, $0x0  }
0x1f: {  	s9 =	smul.u32 $0xF7A, s1;
	s8 =	simm.s32 @!p0 $0x1BF5;
	p2 =	por !p2, p0  }
0x20: {  	[sflag:s8] =	ssyncset.s32 @!p0 $0xFFFFF086;
	s6 =	sadd.s32 @!p0 s3, s7;
	s7 =	simm.s32 @!p0 $0x108  }
0x21: {  	s3 =	sadd.s32 s3, s9;
	s6 =	sadd.s32 @!p0 $0x88, s6;
	s7 =	simm.s32 @p2 $0x1082  }
0x22: {  	[simem:s7], [sflag:s8] =	dma.local @!p0 [hbm:s6], $0xF7A  }
0x23: {  	s9 =	sor.u32 $0xD0000000, s2;
	s6 =	simm.s32 $0x108;
	_ =	swait.ge @!p0 [sflag:s8], $0x0  }
0x24: {  	s3 =	sadd.s32 $0x88, s3;
	s6 =	simm.s32 @!p1 $0x1082;
	[sflag:s4] =	ssyncset.s32 $0xFFFFF086  }
0x25: {  	[simem:s6], [sflag:s4] =	dma.local [hbm:s3], $0xF7A  }
0x26: {  	[smem:$0x3F92] =	sst s1;
	(tag) =	ssettag s2;
	_ =	strace s9  }
0x27: {  	s1 =	sld [smem:$0x3FA2]  }
0x28: {  	s2 =	sld [smem:$0x3FA3]  }
0x29: {  	s4 =	sld [smem:$0x3FA5]  }
0x2a: {  	p0 =	seq.s32 s5, $0x0;
	s5 =	sld [smem:$0x3FA6]  }
0x2b: {  	s6 =	sld [smem:$0x3FA7]  }
0x2c: {  	s7 =	sld [smem:$0x3FA8]  }
0x2d: {  	s3 =	simm.s32 $0x108;
	s8 =	sld [smem:$0x3FA9]  }
0x2e: {  	s3 =	simm.s32 @!p0 $0x1082;
	s9 =	sld [smem:$0x3FAA]  }
0x2f: {  	lr =	sadd.s32 s0, s3;
	s0 =	sld [smem:$0x3FA1]  }
0x30: {  	s3 =	sld [smem:$0x3FA4]  }
0x31: {  	[smem:$0x3FAD] =	sst s10  }
0x32: {  	s10 =	sld [smem:$0x3FAB];
	_ =	sdelay $0x3  }
0x33: {  	p0 =	seq.s32 s10, $0x1;
	s10 =	sld [smem:$0x3FAD];
	_ =	sdelay $0x3  }
0x34: {  	[smem:$0x3FAD] =	sst s10  }
0x35: {  	s10 =	sld [smem:$0x3FAC];
	_ =	sdelay $0x3  }
0x36: {  	p1 =	seq.s32 s10, $0x1;
	s10 =	sld [smem:$0x3FAD];
	_ =	sdelay $0x3  }
0x37: {  	[smem:$0x3FAD] =	sst s10  }
0x38: {  	s10 =	sld [smem:$0x3FAE]  }
0x39: {  	_ = 	snop;
	(pc) =	sbr.ind lr, $3  }
0x3a: {  	_ = 	snop  }
0x3b: {  	_ = 	snop  }
0x3c: {  	p2 =	seq.s32 s10, $0x1;
	s10 =	sld [smem:$0x3FAD]  }
0x3d: {  	_ =	shalt  }
0x3e: {  	_ =	shalt  }
0x3f: {  	_ =	shalt  }
0x40: {  	_ =	shalt  }
0x41: {  	_ =	shalt  }
0x42: {  	_ =	shalt  }
0x43: {  	_ =	shalt  }
0x44: {  	_ =	shalt  }
0x45: {  	_ =	shalt  }
0x46: {  	_ =	shalt  }
0x47: {  	_ =	shalt  }
0x48: {  	_ =	shalt  }
0x49: {  	_ =	shalt  }
0x4a: {  	_ =	shalt  }
0x4b: {  	_ =	shalt  }
0x4c: {  	_ =	shalt  }
0x4d: {  	_ =	shalt  }
0x4e: {  	_ =	shalt  }
0x4f: {  	_ =	shalt  }
0x50: {  	_ =	shalt  }
0x51: {  	_ =	shalt  }
0x52: {  	_ =	shalt  }
0x53: {  	_ =	shalt  }
0x54: {  	_ =	shalt  }
0x55: {  	_ =	shalt  }
0x56: {  	_ =	shalt  }
0x57: {  	_ =	shalt  }
0x58: {  	_ =	shalt  }
0x59: {  	_ =	shalt  }
0x5a: {  	_ =	shalt  }
0x5b: {  	_ =	shalt  }
0x5c: {  	_ =	shalt  }
0x5d: {  	_ =	shalt  }
0x5e: {  	_ =	shalt  }
0x5f: {  	_ =	shalt  }
0x60: {  	_ =	shalt  }
0x61: {  	_ =	shalt  }
0x62: {  	_ =	shalt  }
0x63: {  	_ =	shalt  }
0x64: {  	_ =	shalt  }
0x65: {  	_ =	shalt  }
0x66: {  	_ =	shalt  }
0x67: {  	_ =	shalt  }
0x68: {  	_ =	shalt  }
0x69: {  	_ =	shalt  }
0x6a: {  	_ =	shalt  }
0x6b: {  	_ =	shalt  }
0x6c: {  	_ =	shalt  }
0x6d: {  	_ =	shalt  }
0x6e: {  	_ =	shalt  }
0x6f: {  	_ =	shalt  }
0x70: {  	_ =	shalt  }
0x71: {  	_ =	shalt  }
0x72: {  	_ =	shalt  }
0x73: {  	_ =	shalt  }
0x74: {  	_ =	shalt  }
0x75: {  	_ =	shalt  }
0x76: {  	_ =	shalt  }
0x77: {  	_ =	shalt  }
0x78: {  	_ =	shalt  }
0x79: {  	_ =	shalt  }
0x7a: {  	_ =	shalt  }
0x7b: {  	_ =	shalt  }
0x7c: {  	_ =	shalt  }
0x7d: {  	_ =	shalt  }
0x7e: {  	_ =	shalt  }
0x7f: {  	_ =	shalt  }
0x80: {  	_ =	shalt  }
0x81: {  	_ =	shalt  }
0x82: {  	_ =	shalt  }
0x83: {  	_ =	shalt  }
0x84: {  	_ =	shalt  }
0x85: {  	_ =	shalt  }
0x86: {  	_ =	shalt  }
0x87: {  	_ =	shalt  }
.Lfunc_end0:
.L_simem_size_0:
called_computation_lowered:
.L_overlay_start_0:
0x88: {  	s2 =	sld [smem:$0x3FD9]  }
0x89: {  	s3 =	sld [smem:$0x3FFE];
	_ =	sdelay $0x1  }
0x8a: {  	s1 =	srdreg.scid  }
0x8b: {  	s0 =	sand.u32 $0x1, s1  }
0x8c: {  	s16 =	sshll.u32 s0, $0xA;
	s2 =	sadd.s32 s3, s2  }
0x8d: {  	s2 =	sadd.s32 s2, s16  }
0x8e: {  	[smem:$0x3FB9] =	sst s2  }
0x8f: {  	_ = 	snop  }
0x90: {  	(tm) =	ssettm $0x1  }
0x91: {  	s17 =	sld [smem:$0x3FFB];
	_ =	sdelay $0x3  }
0x92: {  	_ =	strace s17  }
0x93: {  	s2 =	sld [smem:$0x3FFC];
	_ =	sdelay $0x3  }
0x94: {  	_ =	strace s2  }
0x95: {  	s2 =	sld [smem:$0x3FFD];
	_ =	sdelay $0x3  }
0x96: {  	_ =	strace s2  }
0x97: {  	_ =	strace $0x8FFFFFFF  }
0x98: {  	s18 =	sld [smem:$0x3FDB];
	_ =	sdelay $0x1  }
0x99: {  	s19 =	simm.s32 $_scs_section_size  }
0x9a: {  	s4 =	simm.s32 $_size__tile_overlayer_lowered;
	s5 =	simm.s32 $_tile_overlayer_lowered  }
0x9b: {  	s22 =	simm.s32 $0x1BFF;
	s21 =	sshll.u32 s5, $0x1;
	s2 =	sadd.s32 s19, s18  }
0x9c: {  	s6 =	simm.s32 $0x0;
	s20 =	sshll.u32 s4, $0x1;
	s4 =	sadd.s32 s21, s2  }
0x9d: {  	[timem:s6], [sflag:s22] =	dma.local [hbm:s4], s20  }
0x9e: {  	_ =	swait.ge [sflag:s22], s20  }
0x9f: {  	s3 =	ssub.s32 $0x0, s20;
	[sflag:s22] =	ssyncset.done $0x0  }
0xa0: {  	[sflag:s22] =	ssyncadd.s32 s3;
	_ =	sdelay $0x1  }
0xa1: {  	s23 =	simm.s32 $0x1B8B  }
0xa2: {  	_ =	swait.ge [sflag:s23], $0x1  }
0xa3: {  	[sflag:s23] =	ssyncset.done $0x0  }
0xa4: {  	s25 =	simm.s32 $0x1B8E;
	s24 =	sld [smem:$0x3FFE];
	[sflag:s23] =	ssyncadd.s32 $0xFFFFFFFF  }
0xa5: {  	s26 =	simm.s32 $execute0_lowered;
	[smem:$0x3FD2] =	sst s25  }
0xa6: {  	s4 =	sshll.u32 s26, $0x1;
	_ =	strace $0x80000046;
	[dreg:$0x1] =	wrdreg $0xFFFFFFFF  }
0xa7: {  	s28 =	simm.s32 $_size_execute0_lowered;
	s2 =	sadd.s32 s2, s4;
	[dreg:$0x0] =	wrdreg $0x0  }
0xa8: {  	s4 =	sshll.u32 s28, $0x1;
	[dreg:$0x2] =	wrdreg s2  }
0xa9: {  	[dreg:$0x3] =	wrdreg s4  }
0xaa: {  	[dreg:$0x4] =	wrdreg $0xC0  }
0xab: {  	_ =	task [dreg:s6], $0x5FFFF  }
0xac: {  	[dreg:$0x1] =	wrdreg $0xFFFFFFFF  }
0xad: {  	[dreg:$0x0] =	wrdreg $0x60  }
0xae: {  	[dreg:$0x2] =	wrdreg s24  }
0xaf: {  	[dreg:$0x3] =	wrdreg $0x9  }
0xb0: {  	_ =	task.clear_ibuf [dreg:s6], $0x4FFFF;
	_ =	strace $0x90000046  }
0xb1: {  	s29 =	simm.s32 $0x9;
	_ =	strace $0x80000048  }
0xb2: {  	_ =	swait.ge [sflag:s29], $0x1  }
0xb3: {  	[sflag:s29] =	ssyncadd.s32 $0xFFFFFFFF  }
0xb4: {  	_ =	strace $0x90000048  }
0xb5: {  	_ =	sfence  }
0xb6: {  	s30 =	sld [smem:$0x0];
	_ =	sdelay $0x2  }
0xb7: {  	s31 =	sshll.u32 s1, $0xD;
	s1 =	sshrl.u32 s1, $0x2  }
0xb8: {  	s3 =	sand.u32 $0x4000, s31;
	s1 =	sadd.s32 s1, s30  }
0xb9: {  	s0 =	sor.u32 s3, s0;
	s1 =	sshll.u32 s1, $0x11  }
0xba: {  	s0 =	sor.u32 s1, s0  }
0xbb: {  	s0 =	sadd.s32 $0x8F2B, s0  }
0xbc: {  	[sflag:s0] =	ssyncadd.remote.s32 $0x1  }
0xbd: {  	_ =	sfence.sel $0xFFFF  }
0xbe: {  	[dreg:$0x0] =	wrdreg $0xFFFFFFFF;
	(pc) =	sbr.abs _section_cstart, $3  }
0xbf: {  	[dreg:$0x1] =	wrdreg $0xFFFFFFFF  }
0xc0: {  	_ =	task.clear_ibuf [dreg:s6], $0x2FFFF;
	_ =	strace $0x9FFFFFFF  }
0xc1: {  	(tm) =	ssettm $0x7FFFFFFF  }
tec
execute0_lowered:
.L_overlay_start_1:
0x0: {  	(tag) =	ssettag $0x1  }
0x1: {  	s1 =	srdreg.scid  }
0x2: {  	s0 =	stileid.u32;
	s5 =	rddreg [dreg:$0x0]  }
0x3: {  	s2 =	simm.s32 $0x0;
	s8 =	simm.s32 $0x80;
	s9 =	simm.s32 $0x400  }
0x4: {  	s10 =	simm.s32 $0x0;
	s3 =	sand.u32 $0x1, s1;
	s29 =	sshll.u32 s0, $0x1  }
0x5: {  	s30 =	sshrl.u32 s0, $0x2;
	s1 =	rddreg [dreg:$0x1];
	s4 =	sor.u32 s3, s29  }
0x6: {  	[smem:$0x7FF] =	sst s2;
	s6 =	smul.u32 $0x13C00, s30;
	s7 =	sshll.u32 s4, $0x7  }
0x7: {  	s3 =	ssub.s32 $0x2, s3;
	s4 =	smul.u32 $0x2780, s4;
	s7 =	sand.u32 $0x380, s7  }
0x8: {  	_ =	strace $0x80000047;
	s31 =	sshrl.u32 s3, $0x1;
	s6 =	sor.u32 s6, s7  }
0x9: {  	s4 =	sadd.s32 s4, s5;
	s7 =	simm.s32 $0x13C00;
	s6 =	sshrl.u32 s6, $0x3  }
0xa: {  	s5 =	sadd.s32 s6, s5;
	s6 =	ssub.s32 s3, s31;
	s3 =	sadd.s32 $0x3800, s4  }
0xb: {  	v0 =	vimm.f32 $0.0e+00;
	v1 =	vimm.f32 $1.000000000e+00;
	s4 =	sadd.s32 $0x52800, s5;
	s5 =	smax.u32 s6, $0x1;
	s6 =	simm.s32 $0x1  }
.LBB2_1:
0xc: {  	[tilespmem:s2], [sflag:$0x1] =	stream.linear.gather [hbm4b:s3+s2], $0x13880, $0x38;
	[tilespmem:$0x16380] =	vst v63  }
0xd: {  	_ =	swait.ge [sflag:s6], $0x13880  }
0xe: {  	[sflag:s6] =	ssyncset.done $0x0  }
0xf: {  	s11 =	simm.s32 $0x0;
	[sflag:s6] =	ssyncadd.s32 $0xFFFEC780  }
.LBB2_2:
0x10: {  	p0 =	sne.s32 s11, $0x9C00  }
.Ltmp0:
0x11: {  	_ = 	snop;
	(pc) =	sbr.rel @p0 .LBB2_2-.Ltmp0, $3  }
0x12: {  	_ =	sdelay $0x1  }
0x13: {  	s12 =	sshra.s32 s11, $0x2  }
0x14: {  	s11 =	sadd.s32 $0x40, s11;
	[tilespmem:s12+$0x13C00] =	vst v0  }
0x15: {  	s12 =	simm.s32 $0x0;
	s11 =	simm.s32 $0x200  }
.LBB2_4:
0x16: {  	p0 =	sne.s32 s11, $0x4E000;
	v2 =	vld [tilespmem:s12+$0x0];
	_ =	sdelay $0x3  }
.Ltmp1:
0x17: {  	(pc) =	sbr.rel @p0 .LBB2_4-.Ltmp1, $2  }
0x18: {  	_ =	sdelay $0x2  }
0x19: {  	s12 =	sshra.s32 s11, $0x2;
	s11 =	sadd.s32 $0x200, s11;
	[tilespmem:v2+s7+$0x0] =	vst.idx.add.f32.msk $0xffff, v1  }
0x1a: {  	v2 =	vld [tilespmem:s12+$0x0];
	_ =	sdelay $0x5  }
0x1b: {  	s10 =	sadd.s32 $0x1, s10  }
0x1c: {  	p0 =	sne.s32 s10, s5  }
.Ltmp2:
0x1d: {  	[tilespmem:v2+s7+$0x0] =	vst.idx.add.f32.msk $0xffff, v1;
	(pc) =	sbr.rel @p0 .LBB2_1-.Ltmp2, $4  }
0x1e: {  	[hbm4b:s4+s8] =	stream.strided.scatter [tilespmem:s7], [sflag:$0x1], $0x2780, s9, s8, $0x38;
	[tilespmem:$0x16380] =	vst v63  }
0x1f: {  	_ =	swait.ge [sflag:s6], $0x2780  }
0x20: {  	[sflag:s6] =	ssyncset.done $0x0  }
0x21: {  	[sflag:s6] =	ssyncadd.s32 $0xFFFFD880  }
0x22: {  	_ =	sfence.sel $0x180000  }
0x23: {  	[bflag:$0x0] =	sbarrier.arrive $0xFFFF  }
0x24: {  	p0 =	sne.s32 s0, $0x0;
	_ =	strace $0x90000047  }
0x25: {  	s0 =	sadd.s32 @!p0 $0x100000, s1;
	[bflag:$0x2] =	sbarrier.arrive $0xFFFF  }
0x26: {  	[sflag:s0] =	ssyncadd.tile.s32 @!p0 $0x1;
	_ =	shalt  }
.Lfunc_end2:
_tile_overlayer_lowered:
.L_overlay_start_2:
0x27: {  	(tag) =	ssettag $0x2  }
0x28: {  	s0 =	rddreg [dreg:$0x0];
	s2 =	stileid.u32  }
0x29: {  	s1 =	rddreg [dreg:$0x1];
	p0 =	sne.s32 s2, $0x0  }
0x2a: {  	s3 =	rddreg [dreg:$0x2];
	[bflag:$0x3] =	sbarrier.arrive $0xFFFF;
	s2 =	simm.s32 @!p0 $0x1C01  }
0x2b: {  	[timem:s3], [sflag:s2] =	dma.local @!p0 [hbm:s0], s1  }
0x2c: {  	s0 =	simm.s32 @!p0 $0x1  }
0x2d: {  	_ =	swait.ge @!p0 [sflag:s0], s1  }
0x2e: {  	s1 =	ssub.s32 @!p0 $0x0, s1;
	[sflag:s0] =	ssyncset.done @!p0 $0x0  }
0x2f: {  	[sflag:s0] =	ssyncadd.s32 @!p0 s1  }
0x30: {  	[bflag:$0x3] =	sbarrier.arrive $0xFFFF  }
0x31: {  	_ =	shalt  }

</sc_bundles>
